<compile_context>
chip_gen: v7x
topology: tpu7x:2x2x1
jax: 0.10.2.dev20260603
libtpu: 0.0.44.dev20260713+nightly
codegen_flags: <defaults>
</compile_context>

<pallas_src>
import functools

import jax
import jax.numpy as jnp
from jax import lax
from jax.experimental import pallas as pl
from jax.experimental.pallas import tpu as pltpu
from jax.experimental.pallas import tpu_sc as plsc

N = 10000
D = 128
E = 320000
NC = 2
NS = 16
NW = NC * NS
EPW = E // NW
EP = 327680
EPWP = EP // NW
C = 64
K = EPWP // C
KB = 32
NB = K // KB
NP = 10112
RPT = NP // NS
SHIFT = 14

_mesh = plsc.VectorSubcoreMesh(core_axis_name="c", subcore_axis_name="s")


@functools.partial(
    pl.kernel,
    out_type=jax.ShapeDtypeStruct((NC, NP, D), jnp.float32),
    mesh=_mesh,
    scratch_types=[
        pltpu.VMEM((2, KB, C), jnp.int32),
        pltpu.VMEM((4, C), jnp.int32),
        pltpu.VMEM((4, C), jnp.int32),
        pltpu.VMEM((4, C, D), jnp.float32),
        pltpu.VMEM_SHARED((NP, D), jnp.float32),
        pltpu.SemaphoreType.DMA,
        pltpu.SemaphoreType.DMA,
        pltpu.SemaphoreType.DMA,
    ],
)
def _segsum_sc(s_hbm, packed_hbm, zeros_hbm, out_hbm,
               packed2, src_c, dst_c, rows4, acc_sh, sem_g, sem_s, sem_p):
    c = lax.axis_index("c")
    s = lax.axis_index("s")
    wid = s * NC + c
    pltpu.sync_copy(zeros_hbm.at[pl.ds(s * RPT, RPT)],
                    acc_sh.at[pl.ds(s * RPT, RPT)])
    pltpu.sync_copy(packed_hbm.at[wid, 0], packed2.at[0])
    pltpu.async_copy(packed_hbm.at[wid, 1], packed2.at[1], sem_p)

    def unpack(slot, r, k3, want_src, want_dst):
        for j in range(C // 16):
            p = packed2[slot, r, pl.ds(j * 16, 16)]
            if want_src:
                src_c[k3, pl.ds(j * 16, 16)] = jnp.bitwise_and(
                    p, (1 << SHIFT) - 1)
            if want_dst:
                dst_c[k3, pl.ds(j * 16, 16)] = lax.shift_right_logical(
                    p, SHIFT)

    plsc.subcore_barrier()

    for kk in range(3):
        unpack(0, kk, kk, True, False)
        pltpu.async_copy(s_hbm.at[src_c.at[kk]], rows4.at[kk], sem_g)

    def body(k, carry):
        bg = lax.rem(k, 4)
        m = lax.div(k, KB)
        r = lax.rem(k, KB)
        slot = lax.rem(m, 2)
        pltpu.make_async_copy(s_hbm.at[pl.ds(0, C)], rows4.at[0],
                              sem_g).wait()

        @pl.when(k >= 1)
        def _():
            pltpu.make_async_copy(s_hbm.at[pl.ds(0, C)], rows4.at[0],
                                  sem_s).wait()

        @pl.when(jnp.logical_and(r == 0, jnp.logical_and(m >= 1,
                                                         m + 1 < NB)))
        def _():
            pltpu.async_copy(packed_hbm.at[wid, m + 1], packed2.at[1 - slot],
                             sem_p)

        @pl.when(jnp.logical_and(r == KB - 3, k + 3 < K))
        def _():
            pltpu.make_async_copy(packed_hbm.at[wid, 0], packed2.at[0],
                                  sem_p).wait()

        unpack(slot, r, bg, False, True)

        @pl.when(k + 3 < K)
        def _():
            k2 = k + 3
            m2 = lax.div(k2, KB)
            unpack(lax.rem(m2, 2), lax.rem(k2, KB), lax.rem(k2, 4),
                   True, False)
            pltpu.async_copy(s_hbm.at[src_c.at[lax.rem(k2, 4)]],
                             rows4.at[lax.rem(k2, 4)], sem_g)

        pltpu.async_copy(rows4.at[bg], acc_sh.at[dst_c.at[bg]], sem_s,
                         add=True)
        return carry

    lax.fori_loop(0, K, body, 0, unroll=False)
    pltpu.make_async_copy(s_hbm.at[pl.ds(0, C)], rows4.at[0], sem_s).wait()
    plsc.subcore_barrier()
    pltpu.sync_copy(acc_sh.at[pl.ds(s * RPT, RPT)],
                    out_hbm.at[c, pl.ds(s * RPT, RPT)])


@functools.partial(
    pl.kernel,
    out_type=jax.ShapeDtypeStruct((NC, NP, D), jnp.float32),
    mesh=_mesh,
    scratch_types=[
        pltpu.VMEM((K, C), jnp.int32),
        pltpu.VMEM((C, D), jnp.float32),
        pltpu.VMEM_SHARED((NP, D), jnp.float32),
        pltpu.SemaphoreType.DMA,
    ],
)
def _deg_sc(ones_hbm, dst_hbm, zeros_hbm, out_hbm,
            dst_v, ones_v, acc_sh, sem_s):
    c = lax.axis_index("c")
    s = lax.axis_index("s")
    wid = s * NC + c
    pltpu.sync_copy(zeros_hbm.at[pl.ds(s * RPT, RPT)],
                    acc_sh.at[pl.ds(s * RPT, RPT)])
    pltpu.sync_copy(dst_hbm.at[wid], dst_v)
    pltpu.sync_copy(ones_hbm, ones_v)
    plsc.subcore_barrier()

    def body(k, carry):
        @pl.when(k >= 2)
        def _():
            pltpu.make_async_copy(ones_hbm, ones_v, sem_s).wait()

        pltpu.async_copy(ones_v, acc_sh.at[dst_v.at[k]], sem_s, add=True)
        return carry

    lax.fori_loop(0, K, body, 0, unroll=False)
    pltpu.make_async_copy(ones_hbm, ones_v, sem_s).wait()
    pltpu.make_async_copy(ones_hbm, ones_v, sem_s).wait()
    plsc.subcore_barrier()
    pltpu.sync_copy(acc_sh.at[pl.ds(s * RPT, RPT)],
                    out_hbm.at[c, pl.ds(s * RPT, RPT)])


_R = 1000


def _dot(a, b):
    return lax.dot_general(a, b, (((1,), (0,)), ((), ())),
                           preferred_element_type=jnp.float32,
                           precision=lax.Precision.HIGHEST)


def _lin_body(x_ref, wt_ref, bt_ref, w0_ref, x0_ref, u0_ref):
    xb = x_ref[...]
    x0_ref[...] = _dot(xb, wt_ref[...]) + bt_ref[...]
    u0_ref[...] = _dot(xb, w0_ref[...])


def _lin_tc(x, wt, bt2, w0):
    return pl.pallas_call(
        _lin_body,
        grid=(N // _R,),
        in_specs=[
            pl.BlockSpec((_R, D), lambda i: (i, 0)),
            pl.BlockSpec((D, D), lambda i: (0, 0)),
            pl.BlockSpec((1, D), lambda i: (0, 0)),
            pl.BlockSpec((D, D), lambda i: (0, 0)),
        ],
        out_specs=[
            pl.BlockSpec((_R, D), lambda i: (i, 0)),
            pl.BlockSpec((_R, D), lambda i: (i, 0)),
        ],
        out_shape=[
            jax.ShapeDtypeStruct((N, D), jnp.float32),
            jax.ShapeDtypeStruct((N, D), jnp.float32),
        ],
    )(x, wt, bt2, w0)


def _scale_body(deg_ref, u0_ref, s0_ref, dinv_ref):
    deg = 1.0 + deg_ref[0, :, 0:1] + deg_ref[1, :, 0:1]
    dinv = lax.rsqrt(deg)
    s0_ref[...] = u0_ref[...] * dinv
    dinv_ref[...] = jnp.broadcast_to(dinv, (_R, D))


def _scale_tc(degp, u0):
    return pl.pallas_call(
        _scale_body,
        grid=(N // _R,),
        in_specs=[
            pl.BlockSpec((NC, _R, D), lambda i: (0, i, 0)),
            pl.BlockSpec((_R, D), lambda i: (i, 0)),
        ],
        out_specs=[
            pl.BlockSpec((_R, D), lambda i: (i, 0)),
            pl.BlockSpec((_R, D), lambda i: (i, 0)),
        ],
        out_shape=[
            jax.ShapeDtypeStruct((N, D), jnp.float32),
            jax.ShapeDtypeStruct((N, D), jnp.float32),
        ],
    )(degp, u0)


def _mid_body(acc_ref, s_ref, dinv_ref, x0_ref, w_ref, out_ref):
    dinv = dinv_ref[...]
    conv = (acc_ref[0] + acc_ref[1] + s_ref[...]) * dinv
    h = jnp.maximum(conv, 0.0) + x0_ref[...]
    out_ref[...] = _dot(h, w_ref[...]) * dinv


def _mid_tc(acc, s_prev, dinv, x0, w):
    return pl.pallas_call(
        _mid_body,
        grid=(N // _R,),
        in_specs=[
            pl.BlockSpec((NC, _R, D), lambda i: (0, i, 0)),
            pl.BlockSpec((_R, D), lambda i: (i, 0)),
            pl.BlockSpec((_R, D), lambda i: (i, 0)),
            pl.BlockSpec((_R, D), lambda i: (i, 0)),
            pl.BlockSpec((D, D), lambda i: (0, 0)),
        ],
        out_specs=pl.BlockSpec((_R, D), lambda i: (i, 0)),
        out_shape=jax.ShapeDtypeStruct((N, D), jnp.float32),
    )(acc, s_prev, dinv, x0, w)


def _final_body(acc_ref, s_ref, dinv_ref, out_ref):
    out_ref[...] = (acc_ref[0] + acc_ref[1] + s_ref[...]) * dinv_ref[...]


def _final_tc(acc, s2, dinv):
    return pl.pallas_call(
        _final_body,
        grid=(N // _R,),
        in_specs=[
            pl.BlockSpec((NC, _R, D), lambda i: (0, i, 0)),
            pl.BlockSpec((_R, D), lambda i: (i, 0)),
            pl.BlockSpec((_R, D), lambda i: (i, 0)),
        ],
        out_specs=pl.BlockSpec((_R, D), lambda i: (i, 0)),
        out_shape=jax.ShapeDtypeStruct((N, D), jnp.float32),
    )(acc, s2, dinv)


def kernel(x, edge_index, Wt, bt, W0, W1, W2):
    src = edge_index[0].astype(jnp.int32)
    dst = edge_index[1].astype(jnp.int32)
    npad = EP - E
    pad_src = jnp.arange(npad, dtype=jnp.int32) % N
    pad_dst = N + (jnp.arange(npad, dtype=jnp.int32) % (NP - N))
    src_p = jnp.concatenate([src, pad_src])
    dst_p = jnp.concatenate([dst, pad_dst])
    packed3 = (src_p | (dst_p << SHIFT)).reshape(NW, NB, KB, C)
    dst3 = dst_p.reshape(NW, K, C)
    zeros128 = jnp.zeros((NP, D), jnp.float32)
    ones_c = jnp.ones((C, D), jnp.float32)
    bt2 = bt.reshape(1, D)

    degp = _deg_sc(ones_c, dst3, zeros128)
    x0, u0 = _lin_tc(x, Wt, bt2, W0)
    s0, dinv = _scale_tc(degp, u0)
    acc0 = _segsum_sc(s0, packed3, zeros128)
    s1 = _mid_tc(acc0, s0, dinv, x0, W1)
    acc1 = _segsum_sc(s1, packed3, zeros128)
    s2 = _mid_tc(acc1, s1, dinv, x0, W2)
    acc2 = _segsum_sc(s2, packed3, zeros128)
    return _final_tc(acc2, s2, dinv)

# --- scband reference (transcript-rebuilt; emitter-appended) ---
"""Pipeline reference for scband-res-gcn-64665027609332 (READ-ONLY COPY).

The authoritative reference and input builder live on the scoring server;
editing this copy changes nothing except your own understanding.
"""

import jax, jax.numpy as jnp
import numpy as np

N = 10000
E = 320000
D_IN = 128
HIDDEN = [128, 128, 128]


def setup_inputs(seed: int = 0) -> dict:
    key = jax.random.key(seed)
    ks = jax.random.split(key, 8)
    x = jax.random.normal(ks[0], (N, D_IN), dtype=jnp.float32)
    edge_index = jax.random.randint(ks[1], (2, E), 0, N, dtype=jnp.int64)
    # transform: nn.Linear(in_features, hidden_dims[0])
    lim_t = 1.0 / np.sqrt(D_IN)
    Wt = jax.random.uniform(ks[2], (D_IN, HIDDEN[0]), dtype=jnp.float32, minval=-lim_t, maxval=lim_t)
    bt = jax.random.uniform(ks[3], (HIDDEN[0],), dtype=jnp.float32, minval=-lim_t, maxval=lim_t)
    # GCN layer weights, xavier_uniform
    dims = [D_IN] + HIDDEN
    Ws = []
    for i in range(len(HIDDEN)):
        fan_in, fan_out = dims[i], dims[i + 1]
        a = np.sqrt(6.0 / (fan_in + fan_out))
        Ws.append(jax.random.uniform(ks[4 + i], (fan_in, fan_out), dtype=jnp.float32, minval=-a, maxval=a))
    return {"x": x, "edge_index": edge_index, "Wt": Wt, "bt": bt, "W0": Ws[0], "W1": Ws[1], "W2": Ws[2]}


def _gcn_norm(edge_index, n_nodes):
    # add self loops, then symmetric normalization D^{-1/2} (A+I) D^{-1/2}
    loop = jnp.arange(n_nodes, dtype=edge_index.dtype)
    src = jnp.concatenate([edge_index[0], loop])
    dst = jnp.concatenate([edge_index[1], loop])
    deg = jax.ops.segment_sum(jnp.ones_like(src, dtype=jnp.float32), dst, num_segments=n_nodes)
    dinv = jnp.where(deg > 0, 1.0 / jnp.sqrt(deg), 0.0)
    norm = dinv[src] * dinv[dst]
    return src, dst, norm


def _gcn_conv(x, W, src, dst, norm, n_nodes):
    support = x @ W
    msg = support[src] * norm[:, None]
    return jax.ops.segment_sum(msg, dst, num_segments=n_nodes)


def reference(x, edge_index, Wt, bt, W0, W1, W2):
    n_nodes = x.shape[0]
    src, dst, norm = _gcn_norm(edge_index, n_nodes)
    x0 = x @ Wt + bt
    h = x
    for W in (W0, W1):
        h = jax.nn.relu(_gcn_conv(h, W, src, dst, norm, n_nodes)) + x0
    logits = _gcn_conv(h, W2, src, dst, norm, n_nodes)
    # dropout p=0.0 -> identity; torch memory_alloc side-output omitted
    return logits


if False:  # reference __main__ guard neutralized (emitter)
    out = reference(**setup_inputs())
    print(out.shape, out.dtype)

if __name__ == "__main__":
    import jax
    _d = setup_inputs()
    print(jax.jit(kernel)(*tuple(_d.values())))

</pallas_src>

<mosaic_0001>
#map = affine_map<(d0, d1) -> (0, 0)>
#map1 = affine_map<(d0, d1) -> (0, 0, 0, 0)>
#map2 = affine_map<(d0, d1) -> (0, 0, 0)>
module attributes {stable_mosaic.version = 14 : i64} {
  func.func @_segsum_sc(%arg0: i32, %arg1: i32, %arg2: memref<10000x128xf32, #tpu.memory_space<hbm>>, %arg3: memref<32x5x32x64xi32, #tpu.memory_space<hbm>>, %arg4: memref<10112x128xf32, #tpu.memory_space<hbm>>, %arg5: memref<2x10112x128xf32, #tpu.memory_space<hbm>>, %arg6: memref<2x32x64xi32, #tpu.memory_space<vmem>>, %arg7: memref<4x64xi32, #tpu.memory_space<vmem>>, %arg8: memref<4x64xi32, #tpu.memory_space<vmem>>, %arg9: memref<4x64x128xf32, #tpu.memory_space<vmem>>, %arg10: memref<10112x128xf32, #tpu.memory_space<vmem_shared>>, %arg11: memref<!tpu.dma_semaphore, #tpu.memory_space<semaphore_mem>>, %arg12: memref<!tpu.dma_semaphore, #tpu.memory_space<semaphore_mem>>, %arg13: memref<!tpu.dma_semaphore, #tpu.memory_space<semaphore_mem>>) attributes {dimension_semantics = [#tpu.dimension_semantics<core_parallel>, #tpu.dimension_semantics<subcore_parallel>], iteration_bounds = array<i64: 2, 16>, scalar_prefetch = 0 : i64, scratch_operands = 8 : i64, tpu.core_type = #tpu.core_type<sc_vector_subcore>, window_params = [{transform_indices = #map}, {transform_indices = #map1}, {transform_indices = #map}, {transform_indices = #map2}]} {
    %mul3A = arith.constant 2 : i32
    %mul3A_0 = arith.muli %arg1, %mul3A : i32
    %add3A = arith.addi %mul3A_0, %arg0 : i32
    %mul3A_1 = arith.constant 632 : i32
    %mul3A_2 = arith.muli %arg1, %mul3A_1 : i32
    %mul3A_3 = arith.constant 632 : i32
    %mul3A_4 = arith.muli %arg1, %mul3A_3 : i32
    "tpu.region"() ({
      %run_scoped3A_272 = tpu.sem_alloc : memref<!tpu.dma_semaphore, #tpu.memory_space<semaphore_mem>>
      %dma_start3A_273 = arith.constant 0 : i32
      %dma_start3A_274 = tpu.memref_slice %arg10[%mul3A_4, %dma_start3A_273] : memref<10112x128xf32, #tpu.memory_space<vmem_shared>> -> memref<632x128xf32, #tpu.memory_space<vmem_shared>>
      %dma_start3A_275 = arith.constant 0 : i32
      %dma_start3A_276 = tpu.memref_slice %arg4[%mul3A_2, %dma_start3A_275] : memref<10112x128xf32, #tpu.memory_space<hbm>> -> memref<632x128xf32, #tpu.memory_space<hbm>>
      tpu.enqueue_dma source(%dma_start3A_276 : memref<632x128xf32, #tpu.memory_space<hbm>>) target(%dma_start3A_274 : memref<632x128xf32, #tpu.memory_space<vmem_shared>>) target_semaphore(%run_scoped3A_272 : memref<!tpu.dma_semaphore, #tpu.memory_space<semaphore_mem>>)
      %dma_wait3A_277 = arith.constant 0 : i32
      %dma_wait3A_278 = tpu.memref_slice %arg10[%mul3A_4, %dma_wait3A_277] : memref<10112x128xf32, #tpu.memory_space<vmem_shared>> -> memref<632x128xf32, #tpu.memory_space<vmem_shared>>
      %dma_wait3A_279 = arith.constant 0 : i32
      %dma_wait3A_280 = tpu.memref_slice %arg4[%mul3A_2, %dma_wait3A_279] : memref<10112x128xf32, #tpu.memory_space<hbm>> -> memref<632x128xf32, #tpu.memory_space<hbm>>
      tpu.wait_dma2 semaphore(%run_scoped3A_272 : memref<!tpu.dma_semaphore, #tpu.memory_space<semaphore_mem>>) src(%dma_wait3A_280 : memref<632x128xf32, #tpu.memory_space<hbm>>) dst(%dma_wait3A_278 : memref<632x128xf32, #tpu.memory_space<vmem_shared>>)
      tpu.yield
    }) : () -> ()
    %run_scoped3A = arith.constant 0 : i32
    %run_scoped3A_5 = arith.constant 0 : i32
    "tpu.region"() ({
      %run_scoped3A_272 = tpu.sem_alloc : memref<!tpu.dma_semaphore, #tpu.memory_space<semaphore_mem>>
      %dma_start3A_273 = arith.constant 0 : i32
      %dma_start3A_274 = arith.constant 0 : i32
      %dma_start3A_275 = tpu.memref_slice %arg6[%run_scoped3A_5, %dma_start3A_273, %dma_start3A_274] : memref<2x32x64xi32, #tpu.memory_space<vmem>> -> memref<1x32x64xi32, #tpu.memory_space<vmem>>
      %dma_start3A_276 = tpu.memref_squeeze %dma_start3A_275 : memref<1x32x64xi32, #tpu.memory_space<vmem>> -> memref<32x64xi32, #tpu.memory_space<vmem>>
      %dma_start3A_277 = arith.constant 0 : i32
      %dma_start3A_278 = arith.constant 0 : i32
      %dma_start3A_279 = tpu.memref_slice %arg3[%add3A, %run_scoped3A, %dma_start3A_277, %dma_start3A_278] : memref<32x5x32x64xi32, #tpu.memory_space<hbm>> -> memref<1x1x32x64xi32, #tpu.memory_space<hbm>>
      %dma_start3A_280 = tpu.memref_squeeze %dma_start3A_279 : memref<1x1x32x64xi32, #tpu.memory_space<hbm>> -> memref<32x64xi32, #tpu.memory_space<hbm>>
      %dma_start3A_281 = arith.constant 0 : i32
      %dma_start3A_282 = arith.constant 0 : i32
      %dma_start3A_283 = tpu.memref_slice %arg6[%run_scoped3A_5, %dma_start3A_281, %dma_start3A_282] : memref<2x32x64xi32, #tpu.memory_space<vmem>> -> memref<1x32x64xi32, #tpu.memory_space<vmem>>
      %dma_start3A_284 = tpu.memref_squeeze %dma_start3A_283 : memref<1x32x64xi32, #tpu.memory_space<vmem>> -> memref<32x64xi32, #tpu.memory_space<vmem>>
      %dma_start3A_285 = arith.constant 0 : i32
      %dma_start3A_286 = arith.constant 0 : i32
      %dma_start3A_287 = tpu.memref_slice %arg3[%add3A, %run_scoped3A, %dma_start3A_285, %dma_start3A_286] : memref<32x5x32x64xi32, #tpu.memory_space<hbm>> -> memref<1x1x32x64xi32, #tpu.memory_space<hbm>>
      %dma_start3A_288 = tpu.memref_squeeze %dma_start3A_287 : memref<1x1x32x64xi32, #tpu.memory_space<hbm>> -> memref<32x64xi32, #tpu.memory_space<hbm>>
      tpu.enqueue_dma source(%dma_start3A_288 : memref<32x64xi32, #tpu.memory_space<hbm>>) target(%dma_start3A_284 : memref<32x64xi32, #tpu.memory_space<vmem>>) target_semaphore(%run_scoped3A_272 : memref<!tpu.dma_semaphore, #tpu.memory_space<semaphore_mem>>)
      %dma_wait3A_289 = arith.constant 0 : i32
      %dma_wait3A_290 = arith.constant 0 : i32
      %dma_wait3A_291 = tpu.memref_slice %arg6[%run_scoped3A_5, %dma_wait3A_289, %dma_wait3A_290] : memref<2x32x64xi32, #tpu.memory_space<vmem>> -> memref<1x32x64xi32, #tpu.memory_space<vmem>>
      %dma_wait3A_292 = tpu.memref_squeeze %dma_wait3A_291 : memref<1x32x64xi32, #tpu.memory_space<vmem>> -> memref<32x64xi32, #tpu.memory_space<vmem>>
      %dma_wait3A_293 = arith.constant 0 : i32
      %dma_wait3A_294 = arith.constant 0 : i32
      %dma_wait3A_295 = tpu.memref_slice %arg3[%add3A, %run_scoped3A, %dma_wait3A_293, %dma_wait3A_294] : memref<32x5x32x64xi32, #tpu.memory_space<hbm>> -> memref<1x1x32x64xi32, #tpu.memory_space<hbm>>
      %dma_wait3A_296 = tpu.memref_squeeze %dma_wait3A_295 : memref<1x1x32x64xi32, #tpu.memory_space<hbm>> -> memref<32x64xi32, #tpu.memory_space<hbm>>
      %dma_wait3A_297 = arith.constant 0 : i32
      %dma_wait3A_298 = arith.constant 0 : i32
      %dma_wait3A_299 = tpu.memref_slice %arg6[%run_scoped3A_5, %dma_wait3A_297, %dma_wait3A_298] : memref<2x32x64xi32, #tpu.memory_space<vmem>> -> memref<1x32x64xi32, #tpu.memory_space<vmem>>
      %dma_wait3A_300 = tpu.memref_squeeze %dma_wait3A_299 : memref<1x32x64xi32, #tpu.memory_space<vmem>> -> memref<32x64xi32, #tpu.memory_space<vmem>>
      %dma_wait3A_301 = arith.constant 0 : i32
      %dma_wait3A_302 = arith.constant 0 : i32
      %dma_wait3A_303 = tpu.memref_slice %arg3[%add3A, %run_scoped3A, %dma_wait3A_301, %dma_wait3A_302] : memref<32x5x32x64xi32, #tpu.memory_space<hbm>> -> memref<1x1x32x64xi32, #tpu.memory_space<hbm>>
      %dma_wait3A_304 = tpu.memref_squeeze %dma_wait3A_303 : memref<1x1x32x64xi32, #tpu.memory_space<hbm>> -> memref<32x64xi32, #tpu.memory_space<hbm>>
      tpu.wait_dma2 semaphore(%run_scoped3A_272 : memref<!tpu.dma_semaphore, #tpu.memory_space<semaphore_mem>>) src(%dma_wait3A_304 : memref<32x64xi32, #tpu.memory_space<hbm>>) dst(%dma_wait3A_300 : memref<32x64xi32, #tpu.memory_space<vmem>>)
      tpu.yield
    }) : () -> ()
    %dma_start3A = arith.constant 1 : i32
    %dma_start3A_6 = arith.constant 1 : i32
    %dma_start3A_7 = arith.constant 0 : i32
    %dma_start3A_8 = arith.constant 0 : i32
    %dma_start3A_9 = tpu.memref_slice %arg6[%dma_start3A_6, %dma_start3A_7, %dma_start3A_8] : memref<2x32x64xi32, #tpu.memory_space<vmem>> -> memref<1x32x64xi32, #tpu.memory_space<vmem>>
    %dma_start3A_10 = tpu.memref_squeeze %dma_start3A_9 : memref<1x32x64xi32, #tpu.memory_space<vmem>> -> memref<32x64xi32, #tpu.memory_space<vmem>>
    %dma_start3A_11 = arith.constant 0 : i32
    %dma_start3A_12 = arith.constant 0 : i32
    %dma_start3A_13 = tpu.memref_slice %arg3[%add3A, %dma_start3A, %dma_start3A_11, %dma_start3A_12] : memref<32x5x32x64xi32, #tpu.memory_space<hbm>> -> memref<1x1x32x64xi32, #tpu.memory_space<hbm>>
    %dma_start3A_14 = tpu.memref_squeeze %dma_start3A_13 : memref<1x1x32x64xi32, #tpu.memory_space<hbm>> -> memref<32x64xi32, #tpu.memory_space<hbm>>
    %dma_start3A_15 = arith.constant 0 : i32
    %dma_start3A_16 = arith.constant 0 : i32
    %dma_start3A_17 = tpu.memref_slice %arg6[%dma_start3A_6, %dma_start3A_15, %dma_start3A_16] : memref<2x32x64xi32, #tpu.memory_space<vmem>> -> memref<1x32x64xi32, #tpu.memory_space<vmem>>
    %dma_start3A_18 = tpu.memref_squeeze %dma_start3A_17 : memref<1x32x64xi32, #tpu.memory_space<vmem>> -> memref<32x64xi32, #tpu.memory_space<vmem>>
    %dma_start3A_19 = arith.constant 0 : i32
    %dma_start3A_20 = arith.constant 0 : i32
    %dma_start3A_21 = tpu.memref_slice %arg3[%add3A, %dma_start3A, %dma_start3A_19, %dma_start3A_20] : memref<32x5x32x64xi32, #tpu.memory_space<hbm>> -> memref<1x1x32x64xi32, #tpu.memory_space<hbm>>
    %dma_start3A_22 = tpu.memref_squeeze %dma_start3A_21 : memref<1x1x32x64xi32, #tpu.memory_space<hbm>> -> memref<32x64xi32, #tpu.memory_space<hbm>>
    tpu.enqueue_dma source(%dma_start3A_22 : memref<32x64xi32, #tpu.memory_space<hbm>>) target(%dma_start3A_18 : memref<32x64xi32, #tpu.memory_space<vmem>>) target_semaphore(%arg13 : memref<!tpu.dma_semaphore, #tpu.memory_space<semaphore_mem>>)
    %barrier3A = arith.constant 0 : index
    tpu.barrier barrier_id(%barrier3A)
    %get3A = arith.constant 0 : i32
    %get3A_23 = arith.constant 0 : i32
    %get3A_24 = arith.index_cast %get3A : i32 to index
    %get3A_25 = arith.index_cast %get3A_23 : i32 to index
    %get3A_26 = arith.constant 0 : index
    %get3A_27 = tpu.vector_load %arg6[%get3A_24, %get3A_25, %get3A_26] {strides = array<i32>} : memref<2x32x64xi32, #tpu.memory_space<vmem>>, vector<1x1x16xi32>,
    %get3A_28 = vector.shape_cast %get3A_27 : vector<1x1x16xi32> to vector<16xi32>
    %and3A = arith.constant 16383 : i32
    %and3A_29 = vector.broadcast %and3A : i32 to vector<16xi32>
    %and3A_30 = arith.andi %get3A_28, %and3A_29 : vector<16xi32>
    %swap3A = arith.constant 0 : i32
    %swap3A_31 = arith.index_cast %swap3A : i32 to index
    %swap3A_32 = arith.constant 0 : index
    %swap3A_33 = tpu.vector_load %arg7[%swap3A_31, %swap3A_32] {strides = array<i32>} : memref<4x64xi32, #tpu.memory_space<vmem>>, vector<1x16xi32>,
    %swap3A_34 = vector.shape_cast %swap3A_33 : vector<1x16xi32> to vector<16xi32>
    %swap3A_35 = vector.shape_cast %and3A_30 : vector<16xi32> to vector<1x16xi32>
    tpu.vector_store %arg7[%swap3A_31, %swap3A_32], %swap3A_35 {strides = array<i32>} : memref<4x64xi32, #tpu.memory_space<vmem>>, vector<1x16xi32>,
    %get3A_36 = arith.constant 0 : i32
    %get3A_37 = arith.constant 0 : i32
    %get3A_38 = arith.index_cast %get3A_36 : i32 to index
    %get3A_39 = arith.index_cast %get3A_37 : i32 to index
    %get3A_40 = arith.constant 16 : index
    %get3A_41 = tpu.vector_load %arg6[%get3A_38, %get3A_39, %get3A_40] {strides = array<i32>} : memref<2x32x64xi32, #tpu.memory_space<vmem>>, vector<1x1x16xi32>,
    %get3A_42 = vector.shape_cast %get3A_41 : vector<1x1x16xi32> to vector<16xi32>
    %and3A_43 = arith.constant 16383 : i32
    %and3A_44 = vector.broadcast %and3A_43 : i32 to vector<16xi32>
    %and3A_45 = arith.andi %get3A_42, %and3A_44 : vector<16xi32>
    %swap3A_46 = arith.constant 0 : i32
    %swap3A_47 = arith.index_cast %swap3A_46 : i32 to index
    %swap3A_48 = arith.constant 16 : index
    %swap3A_49 = tpu.vector_load %arg7[%swap3A_47, %swap3A_48] {strides = array<i32>} : memref<4x64xi32, #tpu.memory_space<vmem>>, vector<1x16xi32>,
    %swap3A_50 = vector.shape_cast %swap3A_49 : vector<1x16xi32> to vector<16xi32>
    %swap3A_51 = vector.shape_cast %and3A_45 : vector<16xi32> to vector<1x16xi32>
    tpu.vector_store %arg7[%swap3A_47, %swap3A_48], %swap3A_51 {strides = array<i32>} : memref<4x64xi32, #tpu.memory_space<vmem>>, vector<1x16xi32>,
    %get3A_52 = arith.constant 0 : i32
    %get3A_53 = arith.constant 0 : i32
    %get3A_54 = arith.index_cast %get3A_52 : i32 to index
    %get3A_55 = arith.index_cast %get3A_53 : i32 to index
    %get3A_56 = arith.constant 32 : index
    %get3A_57 = tpu.vector_load %arg6[%get3A_54, %get3A_55, %get3A_56] {strides = array<i32>} : memref<2x32x64xi32, #tpu.memory_space<vmem>>, vector<1x1x16xi32>,
    %get3A_58 = vector.shape_cast %get3A_57 : vector<1x1x16xi32> to vector<16xi32>
    %and3A_59 = arith.constant 16383 : i32
    %and3A_60 = vector.broadcast %and3A_59 : i32 to vector<16xi32>
    %and3A_61 = arith.andi %get3A_58, %and3A_60 : vector<16xi32>
    %swap3A_62 = arith.constant 0 : i32
    %swap3A_63 = arith.index_cast %swap3A_62 : i32 to index
    %swap3A_64 = arith.constant 32 : index
    %swap3A_65 = tpu.vector_load %arg7[%swap3A_63, %swap3A_64] {strides = array<i32>} : memref<4x64xi32, #tpu.memory_space<vmem>>, vector<1x16xi32>,
    %swap3A_66 = vector.shape_cast %swap3A_65 : vector<1x16xi32> to vector<16xi32>
    %swap3A_67 = vector.shape_cast %and3A_61 : vector<16xi32> to vector<1x16xi32>
    tpu.vector_store %arg7[%swap3A_63, %swap3A_64], %swap3A_67 {strides = array<i32>} : memref<4x64xi32, #tpu.memory_space<vmem>>, vector<1x16xi32>,
    %get3A_68 = arith.constant 0 : i32
    %get3A_69 = arith.constant 0 : i32
    %get3A_70 = arith.index_cast %get3A_68 : i32 to index
    %get3A_71 = arith.index_cast %get3A_69 : i32 to index
    %get3A_72 = arith.constant 48 : index
    %get3A_73 = tpu.vector_load %arg6[%get3A_70, %get3A_71, %get3A_72] {strides = array<i32>} : memref<2x32x64xi32, #tpu.memory_space<vmem>>, vector<1x1x16xi32>,
    %get3A_74 = vector.shape_cast %get3A_73 : vector<1x1x16xi32> to vector<16xi32>
    %and3A_75 = arith.constant 16383 : i32
    %and3A_76 = vector.broadcast %and3A_75 : i32 to vector<16xi32>
    %and3A_77 = arith.andi %get3A_74, %and3A_76 : vector<16xi32>
    %swap3A_78 = arith.constant 0 : i32
    %swap3A_79 = arith.index_cast %swap3A_78 : i32 to index
    %swap3A_80 = arith.constant 48 : index
    %swap3A_81 = tpu.vector_load %arg7[%swap3A_79, %swap3A_80] {strides = array<i32>} : memref<4x64xi32, #tpu.memory_space<vmem>>, vector<1x16xi32>,
    %swap3A_82 = vector.shape_cast %swap3A_81 : vector<1x16xi32> to vector<16xi32>
    %swap3A_83 = vector.shape_cast %and3A_77 : vector<16xi32> to vector<1x16xi32>
    tpu.vector_store %arg7[%swap3A_79, %swap3A_80], %swap3A_83 {strides = array<i32>} : memref<4x64xi32, #tpu.memory_space<vmem>>, vector<1x16xi32>,
    %dma_start3A_84 = arith.constant 0 : i32
    %dma_start3A_85 = arith.constant 0 : i32
    %dma_start3A_86 = arith.constant 0 : i32
    %dma_start3A_87 = arith.constant 0 : i32
    %dma_start3A_88 = tpu.memref_slice %arg9[%dma_start3A_85, %dma_start3A_86, %dma_start3A_87] : memref<4x64x128xf32, #tpu.memory_space<vmem>> -> memref<1x64x128xf32, #tpu.memory_space<vmem>>
    %dma_start3A_89 = tpu.memref_squeeze %dma_start3A_88 : memref<1x64x128xf32, #tpu.memory_space<vmem>> -> memref<64x128xf32, #tpu.memory_space<vmem>>
    %dma_start3A_90 = arith.constant 0 : i32
    %dma_start3A_91 = tpu.memref_slice %arg7[%dma_start3A_84, %dma_start3A_90] : memref<4x64xi32, #tpu.memory_space<vmem>> -> memref<1x64xi32, #tpu.memory_space<vmem>>
    %dma_start3A_92 = tpu.memref_squeeze %dma_start3A_91 : memref<1x64xi32, #tpu.memory_space<vmem>> -> memref<64xi32, #tpu.memory_space<vmem>>
    %dma_start3A_93 = arith.constant 0 : i32
    %dma_start3A_94 = arith.constant 0 : i32
    %dma_start3A_95 = tpu.memref_slice %arg2[%dma_start3A_93, %dma_start3A_94] : memref<10000x128xf32, #tpu.memory_space<hbm>> -> memref<10000x128xf32, #tpu.memory_space<hbm>>
    tpu.enqueue_indirect_dma source(%dma_start3A_95 : memref<10000x128xf32, #tpu.memory_space<hbm>>) target(%dma_start3A_89 : memref<64x128xf32, #tpu.memory_space<vmem>>) offsets(%dma_start3A_92 : memref<64xi32, #tpu.memory_space<vmem>>) semaphore(%arg11 : memref<!tpu.dma_semaphore, #tpu.memory_space<semaphore_mem>>)
    %get3A_96 = arith.constant 0 : i32
    %get3A_97 = arith.constant 1 : i32
    %get3A_98 = arith.index_cast %get3A_96 : i32 to index
    %get3A_99 = arith.index_cast %get3A_97 : i32 to index
    %get3A_100 = arith.constant 0 : index
    %get3A_101 = tpu.vector_load %arg6[%get3A_98, %get3A_99, %get3A_100] {strides = array<i32>} : memref<2x32x64xi32, #tpu.memory_space<vmem>>, vector<1x1x16xi32>,
    %get3A_102 = vector.shape_cast %get3A_101 : vector<1x1x16xi32> to vector<16xi32>
    %and3A_103 = arith.constant 16383 : i32
    %and3A_104 = vector.broadcast %and3A_103 : i32 to vector<16xi32>
    %and3A_105 = arith.andi %get3A_102, %and3A_104 : vector<16xi32>
    %swap3A_106 = arith.constant 1 : i32
    %swap3A_107 = arith.index_cast %swap3A_106 : i32 to index
    %swap3A_108 = arith.constant 0 : index
    %swap3A_109 = tpu.vector_load %arg7[%swap3A_107, %swap3A_108] {strides = array<i32>} : memref<4x64xi32, #tpu.memory_space<vmem>>, vector<1x16xi32>,
    %swap3A_110 = vector.shape_cast %swap3A_109 : vector<1x16xi32> to vector<16xi32>
    %swap3A_111 = vector.shape_cast %and3A_105 : vector<16xi32> to vector<1x16xi32>
    tpu.vector_store %arg7[%swap3A_107, %swap3A_108], %swap3A_111 {strides = array<i32>} : memref<4x64xi32, #tpu.memory_space<vmem>>, vector<1x16xi32>,
    %get3A_112 = arith.constant 0 : i32
    %get3A_113 = arith.constant 1 : i32
    %get3A_114 = arith.index_cast %get3A_112 : i32 to index
    %get3A_115 = arith.index_cast %get3A_113 : i32 to index
    %get3A_116 = arith.constant 16 : index
    %get3A_117 = tpu.vector_load %arg6[%get3A_114, %get3A_115, %get3A_116] {strides = array<i32>} : memref<2x32x64xi32, #tpu.memory_space<vmem>>, vector<1x1x16xi32>,
    %get3A_118 = vector.shape_cast %get3A_117 : vector<1x1x16xi32> to vector<16xi32>
    %and3A_119 = arith.constant 16383 : i32
    %and3A_120 = vector.broadcast %and3A_119 : i32 to vector<16xi32>
    %and3A_121 = arith.andi %get3A_118, %and3A_120 : vector<16xi32>
    %swap3A_122 = arith.constant 1 : i32
    %swap3A_123 = arith.index_cast %swap3A_122 : i32 to index
    %swap3A_124 = arith.constant 16 : index
    %swap3A_125 = tpu.vector_load %arg7[%swap3A_123, %swap3A_124] {strides = array<i32>} : memref<4x64xi32, #tpu.memory_space<vmem>>, vector<1x16xi32>,
    %swap3A_126 = vector.shape_cast %swap3A_125 : vector<1x16xi32> to vector<16xi32>
    %swap3A_127 = vector.shape_cast %and3A_121 : vector<16xi32> to vector<1x16xi32>
    tpu.vector_store %arg7[%swap3A_123, %swap3A_124], %swap3A_127 {strides = array<i32>} : memref<4x64xi32, #tpu.memory_space<vmem>>, vector<1x16xi32>,
    %get3A_128 = arith.constant 0 : i32
    %get3A_129 = arith.constant 1 : i32
    %get3A_130 = arith.index_cast %get3A_128 : i32 to index
    %get3A_131 = arith.index_cast %get3A_129 : i32 to index
    %get3A_132 = arith.constant 32 : index
    %get3A_133 = tpu.vector_load %arg6[%get3A_130, %get3A_131, %get3A_132] {strides = array<i32>} : memref<2x32x64xi32, #tpu.memory_space<vmem>>, vector<1x1x16xi32>,
    %get3A_134 = vector.shape_cast %get3A_133 : vector<1x1x16xi32> to vector<16xi32>
    %and3A_135 = arith.constant 16383 : i32
    %and3A_136 = vector.broadcast %and3A_135 : i32 to vector<16xi32>
    %and3A_137 = arith.andi %get3A_134, %and3A_136 : vector<16xi32>
    %swap3A_138 = arith.constant 1 : i32
    %swap3A_139 = arith.index_cast %swap3A_138 : i32 to index
    %swap3A_140 = arith.constant 32 : index
    %swap3A_141 = tpu.vector_load %arg7[%swap3A_139, %swap3A_140] {strides = array<i32>} : memref<4x64xi32, #tpu.memory_space<vmem>>, vector<1x16xi32>,
    %swap3A_142 = vector.shape_cast %swap3A_141 : vector<1x16xi32> to vector<16xi32>
    %swap3A_143 = vector.shape_cast %and3A_137 : vector<16xi32> to vector<1x16xi32>
    tpu.vector_store %arg7[%swap3A_139, %swap3A_140], %swap3A_143 {strides = array<i32>} : memref<4x64xi32, #tpu.memory_space<vmem>>, vector<1x16xi32>,
    %get3A_144 = arith.constant 0 : i32
    %get3A_145 = arith.constant 1 : i32
    %get3A_146 = arith.index_cast %get3A_144 : i32 to index
    %get3A_147 = arith.index_cast %get3A_145 : i32 to index
    %get3A_148 = arith.constant 48 : index
    %get3A_149 = tpu.vector_load %arg6[%get3A_146, %get3A_147, %get3A_148] {strides = array<i32>} : memref<2x32x64xi32, #tpu.memory_space<vmem>>, vector<1x1x16xi32>,
    %get3A_150 = vector.shape_cast %get3A_149 : vector<1x1x16xi32> to vector<16xi32>
    %and3A_151 = arith.constant 16383 : i32
    %and3A_152 = vector.broadcast %and3A_151 : i32 to vector<16xi32>
    %and3A_153 = arith.andi %get3A_150, %and3A_152 : vector<16xi32>
    %swap3A_154 = arith.constant 1 : i32
    %swap3A_155 = arith.index_cast %swap3A_154 : i32 to index
    %swap3A_156 = arith.constant 48 : index
    %swap3A_157 = tpu.vector_load %arg7[%swap3A_155, %swap3A_156] {strides = array<i32>} : memref<4x64xi32, #tpu.memory_space<vmem>>, vector<1x16xi32>,
    %swap3A_158 = vector.shape_cast %swap3A_157 : vector<1x16xi32> to vector<16xi32>
    %swap3A_159 = vector.shape_cast %and3A_153 : vector<16xi32> to vector<1x16xi32>
    tpu.vector_store %arg7[%swap3A_155, %swap3A_156], %swap3A_159 {strides = array<i32>} : memref<4x64xi32, #tpu.memory_space<vmem>>, vector<1x16xi32>,
    %dma_start3A_160 = arith.constant 1 : i32
    %dma_start3A_161 = arith.constant 1 : i32
    %dma_start3A_162 = arith.constant 0 : i32
    %dma_start3A_163 = arith.constant 0 : i32
    %dma_start3A_164 = tpu.memref_slice %arg9[%dma_start3A_161, %dma_start3A_162, %dma_start3A_163] : memref<4x64x128xf32, #tpu.memory_space<vmem>> -> memref<1x64x128xf32, #tpu.memory_space<vmem>>
    %dma_start3A_165 = tpu.memref_squeeze %dma_start3A_164 : memref<1x64x128xf32, #tpu.memory_space<vmem>> -> memref<64x128xf32, #tpu.memory_space<vmem>>
    %dma_start3A_166 = arith.constant 0 : i32
    %dma_start3A_167 = tpu.memref_slice %arg7[%dma_start3A_160, %dma_start3A_166] : memref<4x64xi32, #tpu.memory_space<vmem>> -> memref<1x64xi32, #tpu.memory_space<vmem>>
    %dma_start3A_168 = tpu.memref_squeeze %dma_start3A_167 : memref<1x64xi32, #tpu.memory_space<vmem>> -> memref<64xi32, #tpu.memory_space<vmem>>
    %dma_start3A_169 = arith.constant 0 : i32
    %dma_start3A_170 = arith.constant 0 : i32
    %dma_start3A_171 = tpu.memref_slice %arg2[%dma_start3A_169, %dma_start3A_170] : memref<10000x128xf32, #tpu.memory_space<hbm>> -> memref<10000x128xf32, #tpu.memory_space<hbm>>
    tpu.enqueue_indirect_dma source(%dma_start3A_171 : memref<10000x128xf32, #tpu.memory_space<hbm>>) target(%dma_start3A_165 : memref<64x128xf32, #tpu.memory_space<vmem>>) offsets(%dma_start3A_168 : memref<64xi32, #tpu.memory_space<vmem>>) semaphore(%arg11 : memref<!tpu.dma_semaphore, #tpu.memory_space<semaphore_mem>>)
    %get3A_172 = arith.constant 0 : i32
    %get3A_173 = arith.constant 2 : i32
    %get3A_174 = arith.index_cast %get3A_172 : i32 to index
    %get3A_175 = arith.index_cast %get3A_173 : i32 to index
    %get3A_176 = arith.constant 0 : index
    %get3A_177 = tpu.vector_load %arg6[%get3A_174, %get3A_175, %get3A_176] {strides = array<i32>} : memref<2x32x64xi32, #tpu.memory_space<vmem>>, vector<1x1x16xi32>,
    %get3A_178 = vector.shape_cast %get3A_177 : vector<1x1x16xi32> to vector<16xi32>
    %and3A_179 = arith.constant 16383 : i32
    %and3A_180 = vector.broadcast %and3A_179 : i32 to vector<16xi32>
    %and3A_181 = arith.andi %get3A_178, %and3A_180 : vector<16xi32>
    %swap3A_182 = arith.constant 2 : i32
    %swap3A_183 = arith.index_cast %swap3A_182 : i32 to index
    %swap3A_184 = arith.constant 0 : index
    %swap3A_185 = tpu.vector_load %arg7[%swap3A_183, %swap3A_184] {strides = array<i32>} : memref<4x64xi32, #tpu.memory_space<vmem>>, vector<1x16xi32>,
    %swap3A_186 = vector.shape_cast %swap3A_185 : vector<1x16xi32> to vector<16xi32>
    %swap3A_187 = vector.shape_cast %and3A_181 : vector<16xi32> to vector<1x16xi32>
    tpu.vector_store %arg7[%swap3A_183, %swap3A_184], %swap3A_187 {strides = array<i32>} : memref<4x64xi32, #tpu.memory_space<vmem>>, vector<1x16xi32>,
    %get3A_188 = arith.constant 0 : i32
    %get3A_189 = arith.constant 2 : i32
    %get3A_190 = arith.index_cast %get3A_188 : i32 to index
    %get3A_191 = arith.index_cast %get3A_189 : i32 to index
    %get3A_192 = arith.constant 16 : index
    %get3A_193 = tpu.vector_load %arg6[%get3A_190, %get3A_191, %get3A_192] {strides = array<i32>} : memref<2x32x64xi32, #tpu.memory_space<vmem>>, vector<1x1x16xi32>,
    %get3A_194 = vector.shape_cast %get3A_193 : vector<1x1x16xi32> to vector<16xi32>
    %and3A_195 = arith.constant 16383 : i32
    %and3A_196 = vector.broadcast %and3A_195 : i32 to vector<16xi32>
    %and3A_197 = arith.andi %get3A_194, %and3A_196 : vector<16xi32>
    %swap3A_198 = arith.constant 2 : i32
    %swap3A_199 = arith.index_cast %swap3A_198 : i32 to index
    %swap3A_200 = arith.constant 16 : index
    %swap3A_201 = tpu.vector_load %arg7[%swap3A_199, %swap3A_200] {strides = array<i32>} : memref<4x64xi32, #tpu.memory_space<vmem>>, vector<1x16xi32>,
    %swap3A_202 = vector.shape_cast %swap3A_201 : vector<1x16xi32> to vector<16xi32>
    %swap3A_203 = vector.shape_cast %and3A_197 : vector<16xi32> to vector<1x16xi32>
    tpu.vector_store %arg7[%swap3A_199, %swap3A_200], %swap3A_203 {strides = array<i32>} : memref<4x64xi32, #tpu.memory_space<vmem>>, vector<1x16xi32>,
    %get3A_204 = arith.constant 0 : i32
    %get3A_205 = arith.constant 2 : i32
    %get3A_206 = arith.index_cast %get3A_204 : i32 to index
    %get3A_207 = arith.index_cast %get3A_205 : i32 to index
    %get3A_208 = arith.constant 32 : index
    %get3A_209 = tpu.vector_load %arg6[%get3A_206, %get3A_207, %get3A_208] {strides = array<i32>} : memref<2x32x64xi32, #tpu.memory_space<vmem>>, vector<1x1x16xi32>,
    %get3A_210 = vector.shape_cast %get3A_209 : vector<1x1x16xi32> to vector<16xi32>
    %and3A_211 = arith.constant 16383 : i32
    %and3A_212 = vector.broadcast %and3A_211 : i32 to vector<16xi32>
    %and3A_213 = arith.andi %get3A_210, %and3A_212 : vector<16xi32>
    %swap3A_214 = arith.constant 2 : i32
    %swap3A_215 = arith.index_cast %swap3A_214 : i32 to index
    %swap3A_216 = arith.constant 32 : index
    %swap3A_217 = tpu.vector_load %arg7[%swap3A_215, %swap3A_216] {strides = array<i32>} : memref<4x64xi32, #tpu.memory_space<vmem>>, vector<1x16xi32>,
    %swap3A_218 = vector.shape_cast %swap3A_217 : vector<1x16xi32> to vector<16xi32>
    %swap3A_219 = vector.shape_cast %and3A_213 : vector<16xi32> to vector<1x16xi32>
    tpu.vector_store %arg7[%swap3A_215, %swap3A_216], %swap3A_219 {strides = array<i32>} : memref<4x64xi32, #tpu.memory_space<vmem>>, vector<1x16xi32>,
    %get3A_220 = arith.constant 0 : i32
    %get3A_221 = arith.constant 2 : i32
    %get3A_222 = arith.index_cast %get3A_220 : i32 to index
    %get3A_223 = arith.index_cast %get3A_221 : i32 to index
    %get3A_224 = arith.constant 48 : index
    %get3A_225 = tpu.vector_load %arg6[%get3A_222, %get3A_223, %get3A_224] {strides = array<i32>} : memref<2x32x64xi32, #tpu.memory_space<vmem>>, vector<1x1x16xi32>,
    %get3A_226 = vector.shape_cast %get3A_225 : vector<1x1x16xi32> to vector<16xi32>
    %and3A_227 = arith.constant 16383 : i32
    %and3A_228 = vector.broadcast %and3A_227 : i32 to vector<16xi32>
    %and3A_229 = arith.andi %get3A_226, %and3A_228 : vector<16xi32>
    %swap3A_230 = arith.constant 2 : i32
    %swap3A_231 = arith.index_cast %swap3A_230 : i32 to index
    %swap3A_232 = arith.constant 48 : index
    %swap3A_233 = tpu.vector_load %arg7[%swap3A_231, %swap3A_232] {strides = array<i32>} : memref<4x64xi32, #tpu.memory_space<vmem>>, vector<1x16xi32>,
    %swap3A_234 = vector.shape_cast %swap3A_233 : vector<1x16xi32> to vector<16xi32>
    %swap3A_235 = vector.shape_cast %and3A_229 : vector<16xi32> to vector<1x16xi32>
    tpu.vector_store %arg7[%swap3A_231, %swap3A_232], %swap3A_235 {strides = array<i32>} : memref<4x64xi32, #tpu.memory_space<vmem>>, vector<1x16xi32>,
    %dma_start3A_236 = arith.constant 2 : i32
    %dma_start3A_237 = arith.constant 2 : i32
    %dma_start3A_238 = arith.constant 0 : i32
    %dma_start3A_239 = arith.constant 0 : i32
    %dma_start3A_240 = tpu.memref_slice %arg9[%dma_start3A_237, %dma_start3A_238, %dma_start3A_239] : memref<4x64x128xf32, #tpu.memory_space<vmem>> -> memref<1x64x128xf32, #tpu.memory_space<vmem>>
    %dma_start3A_241 = tpu.memref_squeeze %dma_start3A_240 : memref<1x64x128xf32, #tpu.memory_space<vmem>> -> memref<64x128xf32, #tpu.memory_space<vmem>>
    %dma_start3A_242 = arith.constant 0 : i32
    %dma_start3A_243 = tpu.memref_slice %arg7[%dma_start3A_236, %dma_start3A_242] : memref<4x64xi32, #tpu.memory_space<vmem>> -> memref<1x64xi32, #tpu.memory_space<vmem>>
    %dma_start3A_244 = tpu.memref_squeeze %dma_start3A_243 : memref<1x64xi32, #tpu.memory_space<vmem>> -> memref<64xi32, #tpu.memory_space<vmem>>
    %dma_start3A_245 = arith.constant 0 : i32
    %dma_start3A_246 = arith.constant 0 : i32
    %dma_start3A_247 = tpu.memref_slice %arg2[%dma_start3A_245, %dma_start3A_246] : memref<10000x128xf32, #tpu.memory_space<hbm>> -> memref<10000x128xf32, #tpu.memory_space<hbm>>
    tpu.enqueue_indirect_dma source(%dma_start3A_247 : memref<10000x128xf32, #tpu.memory_space<hbm>>) target(%dma_start3A_241 : memref<64x128xf32, #tpu.memory_space<vmem>>) offsets(%dma_start3A_244 : memref<64xi32, #tpu.memory_space<vmem>>) semaphore(%arg11 : memref<!tpu.dma_semaphore, #tpu.memory_space<semaphore_mem>>)
    %scan3A = arith.constant 0 : i32
    %scan3A_248 = arith.constant 0 : i32
    %scan3A_249 = arith.constant 160 : i32
    %scan3A_250 = arith.addi %scan3A_248, %scan3A_249 : i32
    %scan3A_251 = arith.constant 1 : i32
    scf.for %scan3A_272 = %scan3A_248 to %scan3A_250 step %scan3A_251  : i32 {
      %rem3A = arith.constant 4 : i32
      %rem3A_273 = arith.remsi %scan3A_272, %rem3A : i32
      %div3A = arith.constant 32 : i32
      %div3A_274 = arith.divsi %scan3A_272, %div3A : i32
      %rem3A_275 = arith.constant 32 : i32
      %rem3A_276 = arith.remsi %scan3A_272, %rem3A_275 : i32
      %rem3A_277 = arith.constant 2 : i32
      %rem3A_278 = arith.remsi %div3A_274, %rem3A_277 : i32
      %dma_wait3A_279 = arith.constant 0 : i32
      %dma_wait3A_280 = arith.constant 0 : i32
      %dma_wait3A_281 = arith.constant 0 : i32
      %dma_wait3A_282 = tpu.memref_slice %arg9[%dma_wait3A_279, %dma_wait3A_280, %dma_wait3A_281] : memref<4x64x128xf32, #tpu.memory_space<vmem>> -> memref<1x64x128xf32, #tpu.memory_space<vmem>>
      %dma_wait3A_283 = tpu.memref_squeeze %dma_wait3A_282 : memref<1x64x128xf32, #tpu.memory_space<vmem>> -> memref<64x128xf32, #tpu.memory_space<vmem>>
      %dma_wait3A_284 = arith.constant 0 : i32
      %dma_wait3A_285 = arith.constant 0 : i32
      %dma_wait3A_286 = tpu.memref_slice %arg2[%dma_wait3A_284, %dma_wait3A_285] : memref<10000x128xf32, #tpu.memory_space<hbm>> -> memref<64x128xf32, #tpu.memory_space<hbm>>
      %dma_wait3A_287 = arith.constant 0 : i32
      %dma_wait3A_288 = arith.constant 0 : i32
      %dma_wait3A_289 = tpu.memref_slice %arg9[%dma_wait3A_279, %dma_wait3A_287, %dma_wait3A_288] : memref<4x64x128xf32, #tpu.memory_space<vmem>> -> memref<1x64x128xf32, #tpu.memory_space<vmem>>
      %dma_wait3A_290 = tpu.memref_squeeze %dma_wait3A_289 : memref<1x64x128xf32, #tpu.memory_space<vmem>> -> memref<64x128xf32, #tpu.memory_space<vmem>>
      %dma_wait3A_291 = arith.constant 0 : i32
      %dma_wait3A_292 = arith.constant 0 : i32
      %dma_wait3A_293 = tpu.memref_slice %arg2[%dma_wait3A_291, %dma_wait3A_292] : memref<10000x128xf32, #tpu.memory_space<hbm>> -> memref<64x128xf32, #tpu.memory_space<hbm>>
      tpu.wait_dma2 semaphore(%arg11 : memref<!tpu.dma_semaphore, #tpu.memory_space<semaphore_mem>>) src(%dma_wait3A_293 : memref<64x128xf32, #tpu.memory_space<hbm>>) dst(%dma_wait3A_290 : memref<64x128xf32, #tpu.memory_space<vmem>>)
      %ge3A = arith.constant 1 : i32
      %ge3A_294 = arith.cmpi sge, %scan3A_272, %ge3A : i32
      %convert_element_type3A = arith.extui %ge3A_294 : i1 to i32
      %cond3A = arith.constant 0 : i32
      %cond3A_295 = arith.cmpi ne, %convert_element_type3A, %cond3A : i32
      scf.if %cond3A_295 {
        %dma_wait3A_385 = arith.constant 0 : i32
        %dma_wait3A_386 = arith.constant 0 : i32
        %dma_wait3A_387 = arith.constant 0 : i32
        %dma_wait3A_388 = tpu.memref_slice %arg9[%dma_wait3A_385, %dma_wait3A_386, %dma_wait3A_387] : memref<4x64x128xf32, #tpu.memory_space<vmem>> -> memref<1x64x128xf32, #tpu.memory_space<vmem>>
        %dma_wait3A_389 = tpu.memref_squeeze %dma_wait3A_388 : memref<1x64x128xf32, #tpu.memory_space<vmem>> -> memref<64x128xf32, #tpu.memory_space<vmem>>
        %dma_wait3A_390 = arith.constant 0 : i32
        %dma_wait3A_391 = arith.constant 0 : i32
        %dma_wait3A_392 = tpu.memref_slice %arg2[%dma_wait3A_390, %dma_wait3A_391] : memref<10000x128xf32, #tpu.memory_space<hbm>> -> memref<64x128xf32, #tpu.memory_space<hbm>>
        %dma_wait3A_393 = arith.constant 0 : i32
        %dma_wait3A_394 = arith.constant 0 : i32
        %dma_wait3A_395 = tpu.memref_slice %arg9[%dma_wait3A_385, %dma_wait3A_393, %dma_wait3A_394] : memref<4x64x128xf32, #tpu.memory_space<vmem>> -> memref<1x64x128xf32, #tpu.memory_space<vmem>>
        %dma_wait3A_396 = tpu.memref_squeeze %dma_wait3A_395 : memref<1x64x128xf32, #tpu.memory_space<vmem>> -> memref<64x128xf32, #tpu.memory_space<vmem>>
        %dma_wait3A_397 = arith.constant 0 : i32
        %dma_wait3A_398 = arith.constant 0 : i32
        %dma_wait3A_399 = tpu.memref_slice %arg2[%dma_wait3A_397, %dma_wait3A_398] : memref<10000x128xf32, #tpu.memory_space<hbm>> -> memref<64x128xf32, #tpu.memory_space<hbm>>
        tpu.wait_dma2 semaphore(%arg12 : memref<!tpu.dma_semaphore, #tpu.memory_space<semaphore_mem>>) src(%dma_wait3A_399 : memref<64x128xf32, #tpu.memory_space<hbm>>) dst(%dma_wait3A_396 : memref<64x128xf32, #tpu.memory_space<vmem>>)
      } else {
      }
      %eq3A = arith.constant 0 : i32
      %eq3A_296 = arith.cmpi eq, %rem3A_276, %eq3A : i32
      %ge3A_297 = arith.constant 1 : i32
      %ge3A_298 = arith.cmpi sge, %div3A_274, %ge3A_297 : i32
      %add3A_299 = arith.constant 1 : i32
      %add3A_300 = arith.addi %div3A_274, %add3A_299 : i32
      %lt3A = arith.constant 5 : i32
      %lt3A_301 = arith.cmpi slt, %add3A_300, %lt3A : i32
      %and3A_302 = arith.andi %ge3A_298, %lt3A_301 : i1
      %and3A_303 = arith.andi %eq3A_296, %and3A_302 : i1
      %convert_element_type3A_304 = arith.extui %and3A_303 : i1 to i32
      %cond3A_305 = arith.constant 0 : i32
      %cond3A_306 = arith.cmpi ne, %convert_element_type3A_304, %cond3A_305 : i32
      scf.if %cond3A_306 {
        %add3A_385 = arith.constant 1 : i32
        %add3A_386 = arith.addi %div3A_274, %add3A_385 : i32
        %sub3A = arith.constant 1 : i32
        %sub3A_387 = arith.subi %sub3A, %rem3A_278 : i32
        %dma_start3A_388 = arith.constant 0 : i32
        %dma_start3A_389 = arith.constant 0 : i32
        %dma_start3A_390 = tpu.memref_slice %arg6[%sub3A_387, %dma_start3A_388, %dma_start3A_389] : memref<2x32x64xi32, #tpu.memory_space<vmem>> -> memref<1x32x64xi32, #tpu.memory_space<vmem>>
        %dma_start3A_391 = tpu.memref_squeeze %dma_start3A_390 : memref<1x32x64xi32, #tpu.memory_space<vmem>> -> memref<32x64xi32, #tpu.memory_space<vmem>>
        %dma_start3A_392 = arith.constant 0 : i32
        %dma_start3A_393 = arith.constant 0 : i32
        %dma_start3A_394 = tpu.memref_slice %arg3[%add3A, %add3A_386, %dma_start3A_392, %dma_start3A_393] : memref<32x5x32x64xi32, #tpu.memory_space<hbm>> -> memref<1x1x32x64xi32, #tpu.memory_space<hbm>>
        %dma_start3A_395 = tpu.memref_squeeze %dma_start3A_394 : memref<1x1x32x64xi32, #tpu.memory_space<hbm>> -> memref<32x64xi32, #tpu.memory_space<hbm>>
        %dma_start3A_396 = arith.constant 0 : i32
        %dma_start3A_397 = arith.constant 0 : i32
        %dma_start3A_398 = tpu.memref_slice %arg6[%sub3A_387, %dma_start3A_396, %dma_start3A_397] : memref<2x32x64xi32, #tpu.memory_space<vmem>> -> memref<1x32x64xi32, #tpu.memory_space<vmem>>
        %dma_start3A_399 = tpu.memref_squeeze %dma_start3A_398 : memref<1x32x64xi32, #tpu.memory_space<vmem>> -> memref<32x64xi32, #tpu.memory_space<vmem>>
        %dma_start3A_400 = arith.constant 0 : i32
        %dma_start3A_401 = arith.constant 0 : i32
        %dma_start3A_402 = tpu.memref_slice %arg3[%add3A, %add3A_386, %dma_start3A_400, %dma_start3A_401] : memref<32x5x32x64xi32, #tpu.memory_space<hbm>> -> memref<1x1x32x64xi32, #tpu.memory_space<hbm>>
        %dma_start3A_403 = tpu.memref_squeeze %dma_start3A_402 : memref<1x1x32x64xi32, #tpu.memory_space<hbm>> -> memref<32x64xi32, #tpu.memory_space<hbm>>
        tpu.enqueue_dma source(%dma_start3A_403 : memref<32x64xi32, #tpu.memory_space<hbm>>) target(%dma_start3A_399 : memref<32x64xi32, #tpu.memory_space<vmem>>) target_semaphore(%arg13 : memref<!tpu.dma_semaphore, #tpu.memory_space<semaphore_mem>>)
      } else {
      }
      %eq3A_307 = arith.constant 29 : i32
      %eq3A_308 = arith.cmpi eq, %rem3A_276, %eq3A_307 : i32
      %add3A_309 = arith.constant 3 : i32
      %add3A_310 = arith.addi %scan3A_272, %add3A_309 : i32
      %lt3A_311 = arith.constant 160 : i32
      %lt3A_312 = arith.cmpi slt, %add3A_310, %lt3A_311 : i32
      %and3A_313 = arith.andi %eq3A_308, %lt3A_312 : i1
      %convert_element_type3A_314 = arith.extui %and3A_313 : i1 to i32
      %cond3A_315 = arith.constant 0 : i32
      %cond3A_316 = arith.cmpi ne, %convert_element_type3A_314, %cond3A_315 : i32
      scf.if %cond3A_316 {
        %dma_wait3A_385 = arith.constant 0 : i32
        %dma_wait3A_386 = arith.constant 0 : i32
        %dma_wait3A_387 = arith.constant 0 : i32
        %dma_wait3A_388 = arith.constant 0 : i32
        %dma_wait3A_389 = tpu.memref_slice %arg6[%dma_wait3A_386, %dma_wait3A_387, %dma_wait3A_388] : memref<2x32x64xi32, #tpu.memory_space<vmem>> -> memref<1x32x64xi32, #tpu.memory_space<vmem>>
        %dma_wait3A_390 = tpu.memref_squeeze %dma_wait3A_389 : memref<1x32x64xi32, #tpu.memory_space<vmem>> -> memref<32x64xi32, #tpu.memory_space<vmem>>
        %dma_wait3A_391 = arith.constant 0 : i32
        %dma_wait3A_392 = arith.constant 0 : i32
        %dma_wait3A_393 = tpu.memref_slice %arg3[%add3A, %dma_wait3A_385, %dma_wait3A_391, %dma_wait3A_392] : memref<32x5x32x64xi32, #tpu.memory_space<hbm>> -> memref<1x1x32x64xi32, #tpu.memory_space<hbm>>
        %dma_wait3A_394 = tpu.memref_squeeze %dma_wait3A_393 : memref<1x1x32x64xi32, #tpu.memory_space<hbm>> -> memref<32x64xi32, #tpu.memory_space<hbm>>
        %dma_wait3A_395 = arith.constant 0 : i32
        %dma_wait3A_396 = arith.constant 0 : i32
        %dma_wait3A_397 = tpu.memref_slice %arg6[%dma_wait3A_386, %dma_wait3A_395, %dma_wait3A_396] : memref<2x32x64xi32, #tpu.memory_space<vmem>> -> memref<1x32x64xi32, #tpu.memory_space<vmem>>
        %dma_wait3A_398 = tpu.memref_squeeze %dma_wait3A_397 : memref<1x32x64xi32, #tpu.memory_space<vmem>> -> memref<32x64xi32, #tpu.memory_space<vmem>>
        %dma_wait3A_399 = arith.constant 0 : i32
        %dma_wait3A_400 = arith.constant 0 : i32
        %dma_wait3A_401 = tpu.memref_slice %arg3[%add3A, %dma_wait3A_385, %dma_wait3A_399, %dma_wait3A_400] : memref<32x5x32x64xi32, #tpu.memory_space<hbm>> -> memref<1x1x32x64xi32, #tpu.memory_space<hbm>>
        %dma_wait3A_402 = tpu.memref_squeeze %dma_wait3A_401 : memref<1x1x32x64xi32, #tpu.memory_space<hbm>> -> memref<32x64xi32, #tpu.memory_space<hbm>>
        tpu.wait_dma2 semaphore(%arg13 : memref<!tpu.dma_semaphore, #tpu.memory_space<semaphore_mem>>) src(%dma_wait3A_402 : memref<32x64xi32, #tpu.memory_space<hbm>>) dst(%dma_wait3A_398 : memref<32x64xi32, #tpu.memory_space<vmem>>)
      } else {
      }
      %get3A_317 = arith.index_cast %rem3A_278 : i32 to index
      %get3A_318 = arith.index_cast %rem3A_276 : i32 to index
      %get3A_319 = arith.constant 0 : index
      %get3A_320 = tpu.vector_load %arg6[%get3A_317, %get3A_318, %get3A_319] {strides = array<i32>} : memref<2x32x64xi32, #tpu.memory_space<vmem>>, vector<1x1x16xi32>,
      %get3A_321 = vector.shape_cast %get3A_320 : vector<1x1x16xi32> to vector<16xi32>
      %shift_right_logical3A = arith.constant 14 : i32
      %shift_right_logical3A_322 = vector.broadcast %shift_right_logical3A : i32 to vector<16xi32>
      %shift_right_logical3A_323 = arith.shrui %get3A_321, %shift_right_logical3A_322 : vector<16xi32>
      %swap3A_324 = arith.index_cast %rem3A_273 : i32 to index
      %swap3A_325 = arith.constant 0 : index
      %swap3A_326 = tpu.vector_load %arg8[%swap3A_324, %swap3A_325] {strides = array<i32>} : memref<4x64xi32, #tpu.memory_space<vmem>>, vector<1x16xi32>,
      %swap3A_327 = vector.shape_cast %swap3A_326 : vector<1x16xi32> to vector<16xi32>
      %swap3A_328 = vector.shape_cast %shift_right_logical3A_323 : vector<16xi32> to vector<1x16xi32>
      tpu.vector_store %arg8[%swap3A_324, %swap3A_325], %swap3A_328 {strides = array<i32>} : memref<4x64xi32, #tpu.memory_space<vmem>>, vector<1x16xi32>,
      %get3A_329 = arith.index_cast %rem3A_278 : i32 to index
      %get3A_330 = arith.index_cast %rem3A_276 : i32 to index
      %get3A_331 = arith.constant 16 : index
      %get3A_332 = tpu.vector_load %arg6[%get3A_329, %get3A_330, %get3A_331] {strides = array<i32>} : memref<2x32x64xi32, #tpu.memory_space<vmem>>, vector<1x1x16xi32>,
      %get3A_333 = vector.shape_cast %get3A_332 : vector<1x1x16xi32> to vector<16xi32>
      %shift_right_logical3A_334 = arith.constant 14 : i32
      %shift_right_logical3A_335 = vector.broadcast %shift_right_logical3A_334 : i32 to vector<16xi32>
      %shift_right_logical3A_336 = arith.shrui %get3A_333, %shift_right_logical3A_335 : vector<16xi32>
      %swap3A_337 = arith.index_cast %rem3A_273 : i32 to index
      %swap3A_338 = arith.constant 16 : index
      %swap3A_339 = tpu.vector_load %arg8[%swap3A_337, %swap3A_338] {strides = array<i32>} : memref<4x64xi32, #tpu.memory_space<vmem>>, vector<1x16xi32>,
      %swap3A_340 = vector.shape_cast %swap3A_339 : vector<1x16xi32> to vector<16xi32>
      %swap3A_341 = vector.shape_cast %shift_right_logical3A_336 : vector<16xi32> to vector<1x16xi32>
      tpu.vector_store %arg8[%swap3A_337, %swap3A_338], %swap3A_341 {strides = array<i32>} : memref<4x64xi32, #tpu.memory_space<vmem>>, vector<1x16xi32>,
      %get3A_342 = arith.index_cast %rem3A_278 : i32 to index
      %get3A_343 = arith.index_cast %rem3A_276 : i32 to index
      %get3A_344 = arith.constant 32 : index
      %get3A_345 = tpu.vector_load %arg6[%get3A_342, %get3A_343, %get3A_344] {strides = array<i32>} : memref<2x32x64xi32, #tpu.memory_space<vmem>>, vector<1x1x16xi32>,
      %get3A_346 = vector.shape_cast %get3A_345 : vector<1x1x16xi32> to vector<16xi32>
      %shift_right_logical3A_347 = arith.constant 14 : i32
      %shift_right_logical3A_348 = vector.broadcast %shift_right_logical3A_347 : i32 to vector<16xi32>
      %shift_right_logical3A_349 = arith.shrui %get3A_346, %shift_right_logical3A_348 : vector<16xi32>
      %swap3A_350 = arith.index_cast %rem3A_273 : i32 to index
      %swap3A_351 = arith.constant 32 : index
      %swap3A_352 = tpu.vector_load %arg8[%swap3A_350, %swap3A_351] {strides = array<i32>} : memref<4x64xi32, #tpu.memory_space<vmem>>, vector<1x16xi32>,
      %swap3A_353 = vector.shape_cast %swap3A_352 : vector<1x16xi32> to vector<16xi32>
      %swap3A_354 = vector.shape_cast %shift_right_logical3A_349 : vector<16xi32> to vector<1x16xi32>
      tpu.vector_store %arg8[%swap3A_350, %swap3A_351], %swap3A_354 {strides = array<i32>} : memref<4x64xi32, #tpu.memory_space<vmem>>, vector<1x16xi32>,
      %get3A_355 = arith.index_cast %rem3A_278 : i32 to index
      %get3A_356 = arith.index_cast %rem3A_276 : i32 to index
      %get3A_357 = arith.constant 48 : index
      %get3A_358 = tpu.vector_load %arg6[%get3A_355, %get3A_356, %get3A_357] {strides = array<i32>} : memref<2x32x64xi32, #tpu.memory_space<vmem>>, vector<1x1x16xi32>,
      %get3A_359 = vector.shape_cast %get3A_358 : vector<1x1x16xi32> to vector<16xi32>
      %shift_right_logical3A_360 = arith.constant 14 : i32
      %shift_right_logical3A_361 = vector.broadcast %shift_right_logical3A_360 : i32 to vector<16xi32>
      %shift_right_logical3A_362 = arith.shrui %get3A_359, %shift_right_logical3A_361 : vector<16xi32>
      %swap3A_363 = arith.index_cast %rem3A_273 : i32 to index
      %swap3A_364 = arith.constant 48 : index
      %swap3A_365 = tpu.vector_load %arg8[%swap3A_363, %swap3A_364] {strides = array<i32>} : memref<4x64xi32, #tpu.memory_space<vmem>>, vector<1x16xi32>,
      %swap3A_366 = vector.shape_cast %swap3A_365 : vector<1x16xi32> to vector<16xi32>
      %swap3A_367 = vector.shape_cast %shift_right_logical3A_362 : vector<16xi32> to vector<1x16xi32>
      tpu.vector_store %arg8[%swap3A_363, %swap3A_364], %swap3A_367 {strides = array<i32>} : memref<4x64xi32, #tpu.memory_space<vmem>>, vector<1x16xi32>,
      %add3A_368 = arith.constant 3 : i32
      %add3A_369 = arith.addi %scan3A_272, %add3A_368 : i32
      %lt3A_370 = arith.constant 160 : i32
      %lt3A_371 = arith.cmpi slt, %add3A_369, %lt3A_370 : i32
      %convert_element_type3A_372 = arith.extui %lt3A_371 : i1 to i32
      %cond3A_373 = arith.constant 0 : i32
      %cond3A_374 = arith.cmpi ne, %convert_element_type3A_372, %cond3A_373 : i32
      scf.if %cond3A_374 {
        %add3A_385 = arith.constant 3 : i32
        %add3A_386 = arith.addi %scan3A_272, %add3A_385 : i32
        %div3A_387 = arith.constant 32 : i32
        %div3A_388 = arith.divsi %add3A_386, %div3A_387 : i32
        %rem3A_389 = arith.constant 2 : i32
        %rem3A_390 = arith.remsi %div3A_388, %rem3A_389 : i32
        %rem3A_391 = arith.constant 32 : i32
        %rem3A_392 = arith.remsi %add3A_386, %rem3A_391 : i32
        %rem3A_393 = arith.constant 4 : i32
        %rem3A_394 = arith.remsi %add3A_386, %rem3A_393 : i32
        %get3A_395 = arith.index_cast %rem3A_390 : i32 to index
        %get3A_396 = arith.index_cast %rem3A_392 : i32 to index
        %get3A_397 = arith.constant 0 : index
        %get3A_398 = tpu.vector_load %arg6[%get3A_395, %get3A_396, %get3A_397] {strides = array<i32>} : memref<2x32x64xi32, #tpu.memory_space<vmem>>, vector<1x1x16xi32>,
        %get3A_399 = vector.shape_cast %get3A_398 : vector<1x1x16xi32> to vector<16xi32>
        %and3A_400 = arith.constant 16383 : i32
        %and3A_401 = vector.broadcast %and3A_400 : i32 to vector<16xi32>
        %and3A_402 = arith.andi %get3A_399, %and3A_401 : vector<16xi32>
        %swap3A_403 = arith.index_cast %rem3A_394 : i32 to index
        %swap3A_404 = arith.constant 0 : index
        %swap3A_405 = tpu.vector_load %arg7[%swap3A_403, %swap3A_404] {strides = array<i32>} : memref<4x64xi32, #tpu.memory_space<vmem>>, vector<1x16xi32>,
        %swap3A_406 = vector.shape_cast %swap3A_405 : vector<1x16xi32> to vector<16xi32>
        %swap3A_407 = vector.shape_cast %and3A_402 : vector<16xi32> to vector<1x16xi32>
        tpu.vector_store %arg7[%swap3A_403, %swap3A_404], %swap3A_407 {strides = array<i32>} : memref<4x64xi32, #tpu.memory_space<vmem>>, vector<1x16xi32>,
        %get3A_408 = arith.index_cast %rem3A_390 : i32 to index
        %get3A_409 = arith.index_cast %rem3A_392 : i32 to index
        %get3A_410 = arith.constant 16 : index
        %get3A_411 = tpu.vector_load %arg6[%get3A_408, %get3A_409, %get3A_410] {strides = array<i32>} : memref<2x32x64xi32, #tpu.memory_space<vmem>>, vector<1x1x16xi32>,
        %get3A_412 = vector.shape_cast %get3A_411 : vector<1x1x16xi32> to vector<16xi32>
        %and3A_413 = arith.constant 16383 : i32
        %and3A_414 = vector.broadcast %and3A_413 : i32 to vector<16xi32>
        %and3A_415 = arith.andi %get3A_412, %and3A_414 : vector<16xi32>
        %swap3A_416 = arith.index_cast %rem3A_394 : i32 to index
        %swap3A_417 = arith.constant 16 : index
        %swap3A_418 = tpu.vector_load %arg7[%swap3A_416, %swap3A_417] {strides = array<i32>} : memref<4x64xi32, #tpu.memory_space<vmem>>, vector<1x16xi32>,
        %swap3A_419 = vector.shape_cast %swap3A_418 : vector<1x16xi32> to vector<16xi32>
        %swap3A_420 = vector.shape_cast %and3A_415 : vector<16xi32> to vector<1x16xi32>
        tpu.vector_store %arg7[%swap3A_416, %swap3A_417], %swap3A_420 {strides = array<i32>} : memref<4x64xi32, #tpu.memory_space<vmem>>, vector<1x16xi32>,
        %get3A_421 = arith.index_cast %rem3A_390 : i32 to index
        %get3A_422 = arith.index_cast %rem3A_392 : i32 to index
        %get3A_423 = arith.constant 32 : index
        %get3A_424 = tpu.vector_load %arg6[%get3A_421, %get3A_422, %get3A_423] {strides = array<i32>} : memref<2x32x64xi32, #tpu.memory_space<vmem>>, vector<1x1x16xi32>,
        %get3A_425 = vector.shape_cast %get3A_424 : vector<1x1x16xi32> to vector<16xi32>
        %and3A_426 = arith.constant 16383 : i32
        %and3A_427 = vector.broadcast %and3A_426 : i32 to vector<16xi32>
        %and3A_428 = arith.andi %get3A_425, %and3A_427 : vector<16xi32>
        %swap3A_429 = arith.index_cast %rem3A_394 : i32 to index
        %swap3A_430 = arith.constant 32 : index
        %swap3A_431 = tpu.vector_load %arg7[%swap3A_429, %swap3A_430] {strides = array<i32>} : memref<4x64xi32, #tpu.memory_space<vmem>>, vector<1x16xi32>,
        %swap3A_432 = vector.shape_cast %swap3A_431 : vector<1x16xi32> to vector<16xi32>
        %swap3A_433 = vector.shape_cast %and3A_428 : vector<16xi32> to vector<1x16xi32>
        tpu.vector_store %arg7[%swap3A_429, %swap3A_430], %swap3A_433 {strides = array<i32>} : memref<4x64xi32, #tpu.memory_space<vmem>>, vector<1x16xi32>,
        %get3A_434 = arith.index_cast %rem3A_390 : i32 to index
        %get3A_435 = arith.index_cast %rem3A_392 : i32 to index
        %get3A_436 = arith.constant 48 : index
        %get3A_437 = tpu.vector_load %arg6[%get3A_434, %get3A_435, %get3A_436] {strides = array<i32>} : memref<2x32x64xi32, #tpu.memory_space<vmem>>, vector<1x1x16xi32>,
        %get3A_438 = vector.shape_cast %get3A_437 : vector<1x1x16xi32> to vector<16xi32>
        %and3A_439 = arith.constant 16383 : i32
        %and3A_440 = vector.broadcast %and3A_439 : i32 to vector<16xi32>
        %and3A_441 = arith.andi %get3A_438, %and3A_440 : vector<16xi32>
        %swap3A_442 = arith.index_cast %rem3A_394 : i32 to index
        %swap3A_443 = arith.constant 48 : index
        %swap3A_444 = tpu.vector_load %arg7[%swap3A_442, %swap3A_443] {strides = array<i32>} : memref<4x64xi32, #tpu.memory_space<vmem>>, vector<1x16xi32>,
        %swap3A_445 = vector.shape_cast %swap3A_444 : vector<1x16xi32> to vector<16xi32>
        %swap3A_446 = vector.shape_cast %and3A_441 : vector<16xi32> to vector<1x16xi32>
        tpu.vector_store %arg7[%swap3A_442, %swap3A_443], %swap3A_446 {strides = array<i32>} : memref<4x64xi32, #tpu.memory_space<vmem>>, vector<1x16xi32>,
        %rem3A_447 = arith.constant 4 : i32
        %rem3A_448 = arith.remsi %add3A_386, %rem3A_447 : i32
        %rem3A_449 = arith.constant 4 : i32
        %rem3A_450 = arith.remsi %add3A_386, %rem3A_449 : i32
        %dma_start3A_451 = arith.constant 0 : i32
        %dma_start3A_452 = arith.constant 0 : i32
        %dma_start3A_453 = tpu.memref_slice %arg9[%rem3A_450, %dma_start3A_451, %dma_start3A_452] : memref<4x64x128xf32, #tpu.memory_space<vmem>> -> memref<1x64x128xf32, #tpu.memory_space<vmem>>
        %dma_start3A_454 = tpu.memref_squeeze %dma_start3A_453 : memref<1x64x128xf32, #tpu.memory_space<vmem>> -> memref<64x128xf32, #tpu.memory_space<vmem>>
        %dma_start3A_455 = arith.constant 0 : i32
        %dma_start3A_456 = tpu.memref_slice %arg7[%rem3A_448, %dma_start3A_455] : memref<4x64xi32, #tpu.memory_space<vmem>> -> memref<1x64xi32, #tpu.memory_space<vmem>>
        %dma_start3A_457 = tpu.memref_squeeze %dma_start3A_456 : memref<1x64xi32, #tpu.memory_space<vmem>> -> memref<64xi32, #tpu.memory_space<vmem>>
        %dma_start3A_458 = arith.constant 0 : i32
        %dma_start3A_459 = arith.constant 0 : i32
        %dma_start3A_460 = tpu.memref_slice %arg2[%dma_start3A_458, %dma_start3A_459] : memref<10000x128xf32, #tpu.memory_space<hbm>> -> memref<10000x128xf32, #tpu.memory_space<hbm>>
        tpu.enqueue_indirect_dma source(%dma_start3A_460 : memref<10000x128xf32, #tpu.memory_space<hbm>>) target(%dma_start3A_454 : memref<64x128xf32, #tpu.memory_space<vmem>>) offsets(%dma_start3A_457 : memref<64xi32, #tpu.memory_space<vmem>>) semaphore(%arg11 : memref<!tpu.dma_semaphore, #tpu.memory_space<semaphore_mem>>)
      } else {
      }
      %dma_start3A_375 = arith.constant 0 : i32
      %dma_start3A_376 = arith.constant 0 : i32
      %dma_start3A_377 = tpu.memref_slice %arg9[%rem3A_273, %dma_start3A_375, %dma_start3A_376] : memref<4x64x128xf32, #tpu.memory_space<vmem>> -> memref<1x64x128xf32, #tpu.memory_space<vmem>>
      %dma_start3A_378 = tpu.memref_squeeze %dma_start3A_377 : memref<1x64x128xf32, #tpu.memory_space<vmem>> -> memref<64x128xf32, #tpu.memory_space<vmem>>
      %dma_start3A_379 = arith.constant 0 : i32
      %dma_start3A_380 = tpu.memref_slice %arg8[%rem3A_273, %dma_start3A_379] : memref<4x64xi32, #tpu.memory_space<vmem>> -> memref<1x64xi32, #tpu.memory_space<vmem>>
      %dma_start3A_381 = tpu.memref_squeeze %dma_start3A_380 : memref<1x64xi32, #tpu.memory_space<vmem>> -> memref<64xi32, #tpu.memory_space<vmem>>
      %dma_start3A_382 = arith.constant 0 : i32
      %dma_start3A_383 = arith.constant 0 : i32
      %dma_start3A_384 = tpu.memref_slice %arg10[%dma_start3A_382, %dma_start3A_383] : memref<10112x128xf32, #tpu.memory_space<vmem_shared>> -> memref<10112x128xf32, #tpu.memory_space<vmem_shared>>
      tpu.enqueue_indirect_dma source(%dma_start3A_378 : memref<64x128xf32, #tpu.memory_space<vmem>>) target(%dma_start3A_384 : memref<10112x128xf32, #tpu.memory_space<vmem_shared>>) offsets(%dma_start3A_381 : memref<64xi32, #tpu.memory_space<vmem>>) semaphore(%arg12 : memref<!tpu.dma_semaphore, #tpu.memory_space<semaphore_mem>>) {add = true}
    }
    %scan3A_252 = arith.constant 160 : i32
    %dma_wait3A = arith.constant 0 : i32
    %dma_wait3A_253 = arith.constant 0 : i32
    %dma_wait3A_254 = arith.constant 0 : i32
    %dma_wait3A_255 = tpu.memref_slice %arg9[%dma_wait3A, %dma_wait3A_253, %dma_wait3A_254] : memref<4x64x128xf32, #tpu.memory_space<vmem>> -> memref<1x64x128xf32, #tpu.memory_space<vmem>>
    %dma_wait3A_256 = tpu.memref_squeeze %dma_wait3A_255 : memref<1x64x128xf32, #tpu.memory_space<vmem>> -> memref<64x128xf32, #tpu.memory_space<vmem>>
    %dma_wait3A_257 = arith.constant 0 : i32
    %dma_wait3A_258 = arith.constant 0 : i32
    %dma_wait3A_259 = tpu.memref_slice %arg2[%dma_wait3A_257, %dma_wait3A_258] : memref<10000x128xf32, #tpu.memory_space<hbm>> -> memref<64x128xf32, #tpu.memory_space<hbm>>
    %dma_wait3A_260 = arith.constant 0 : i32
    %dma_wait3A_261 = arith.constant 0 : i32
    %dma_wait3A_262 = tpu.memref_slice %arg9[%dma_wait3A, %dma_wait3A_260, %dma_wait3A_261] : memref<4x64x128xf32, #tpu.memory_space<vmem>> -> memref<1x64x128xf32, #tpu.memory_space<vmem>>
    %dma_wait3A_263 = tpu.memref_squeeze %dma_wait3A_262 : memref<1x64x128xf32, #tpu.memory_space<vmem>> -> memref<64x128xf32, #tpu.memory_space<vmem>>
    %dma_wait3A_264 = arith.constant 0 : i32
    %dma_wait3A_265 = arith.constant 0 : i32
    %dma_wait3A_266 = tpu.memref_slice %arg2[%dma_wait3A_264, %dma_wait3A_265] : memref<10000x128xf32, #tpu.memory_space<hbm>> -> memref<64x128xf32, #tpu.memory_space<hbm>>
    tpu.wait_dma2 semaphore(%arg12 : memref<!tpu.dma_semaphore, #tpu.memory_space<semaphore_mem>>) src(%dma_wait3A_266 : memref<64x128xf32, #tpu.memory_space<hbm>>) dst(%dma_wait3A_263 : memref<64x128xf32, #tpu.memory_space<vmem>>)
    %barrier3A_267 = arith.constant 0 : index
    tpu.barrier barrier_id(%barrier3A_267)
    %mul3A_268 = arith.constant 632 : i32
    %mul3A_269 = arith.muli %arg1, %mul3A_268 : i32
    %mul3A_270 = arith.constant 632 : i32
    %mul3A_271 = arith.muli %arg1, %mul3A_270 : i32
    "tpu.region"() ({
      %run_scoped3A_272 = tpu.sem_alloc : memref<!tpu.dma_semaphore, #tpu.memory_space<semaphore_mem>>
      %dma_start3A_273 = arith.constant 0 : i32
      %dma_start3A_274 = tpu.memref_slice %arg5[%arg0, %mul3A_271, %dma_start3A_273] : memref<2x10112x128xf32, #tpu.memory_space<hbm>> -> memref<1x632x128xf32, #tpu.memory_space<hbm>>
      %dma_start3A_275 = tpu.memref_squeeze %dma_start3A_274 : memref<1x632x128xf32, #tpu.memory_space<hbm>> -> memref<632x128xf32, #tpu.memory_space<hbm>>
      %dma_start3A_276 = arith.constant 0 : i32
      %dma_start3A_277 = tpu.memref_slice %arg10[%mul3A_269, %dma_start3A_276] : memref<10112x128xf32, #tpu.memory_space<vmem_shared>> -> memref<632x128xf32, #tpu.memory_space<vmem_shared>>
      tpu.enqueue_dma source(%dma_start3A_277 : memref<632x128xf32, #tpu.memory_space<vmem_shared>>) target(%dma_start3A_275 : memref<632x128xf32, #tpu.memory_space<hbm>>) target_semaphore(%run_scoped3A_272 : memref<!tpu.dma_semaphore, #tpu.memory_space<semaphore_mem>>)
      %dma_wait3A_278 = arith.constant 0 : i32
      %dma_wait3A_279 = tpu.memref_slice %arg5[%arg0, %mul3A_271, %dma_wait3A_278] : memref<2x10112x128xf32, #tpu.memory_space<hbm>> -> memref<1x632x128xf32, #tpu.memory_space<hbm>>
      %dma_wait3A_280 = tpu.memref_squeeze %dma_wait3A_279 : memref<1x632x128xf32, #tpu.memory_space<hbm>> -> memref<632x128xf32, #tpu.memory_space<hbm>>
      %dma_wait3A_281 = arith.constant 0 : i32
      %dma_wait3A_282 = tpu.memref_slice %arg10[%mul3A_269, %dma_wait3A_281] : memref<10112x128xf32, #tpu.memory_space<vmem_shared>> -> memref<632x128xf32, #tpu.memory_space<vmem_shared>>
      tpu.wait_dma2 semaphore(%run_scoped3A_272 : memref<!tpu.dma_semaphore, #tpu.memory_space<semaphore_mem>>) src(%dma_wait3A_282 : memref<632x128xf32, #tpu.memory_space<vmem_shared>>) dst(%dma_wait3A_280 : memref<632x128xf32, #tpu.memory_space<hbm>>)
      tpu.yield
    }) : () -> ()
    return
  }
}

#map = affine_map<(d0, d1) -> (0, 0)>
#map1 = affine_map<(d0, d1) -> (0, 0, 0, 0)>
#map2 = affine_map<(d0, d1) -> (0, 0, 0)>
module attributes {stable_mosaic.version = 14 : i64} {
  func.func @_segsum_sc(%arg0: i32, %arg1: i32, %arg2: memref<10000x128xf32, #tpu.memory_space<hbm>>, %arg3: memref<32x5x32x64xi32, #tpu.memory_space<hbm>>, %arg4: memref<10112x128xf32, #tpu.memory_space<hbm>>, %arg5: memref<2x10112x128xf32, #tpu.memory_space<hbm>>, %arg6: memref<2x32x64xi32, #tpu.memory_space<vmem>>, %arg7: memref<4x64xi32, #tpu.memory_space<vmem>>, %arg8: memref<4x64xi32, #tpu.memory_space<vmem>>, %arg9: memref<4x64x128xf32, #tpu.memory_space<vmem>>, %arg10: memref<10112x128xf32, #tpu.memory_space<vmem_shared>>, %arg11: memref<!tpu.dma_semaphore, #tpu.memory_space<semaphore_mem>>, %arg12: memref<!tpu.dma_semaphore, #tpu.memory_space<semaphore_mem>>, %arg13: memref<!tpu.dma_semaphore, #tpu.memory_space<semaphore_mem>>) attributes {dimension_semantics = [#tpu.dimension_semantics<core_parallel>, #tpu.dimension_semantics<subcore_parallel>], iteration_bounds = array<i64: 2, 16>, scalar_prefetch = 0 : i64, scratch_operands = 8 : i64, tpu.core_type = #tpu.core_type<sc_vector_subcore>, window_params = [{transform_indices = #map}, {transform_indices = #map1}, {transform_indices = #map}, {transform_indices = #map2}]} {
    %mul3A = arith.constant 2 : i32
    %mul3A_0 = arith.muli %arg1, %mul3A : i32
    %add3A = arith.addi %mul3A_0, %arg0 : i32
    %mul3A_1 = arith.constant 632 : i32
    %mul3A_2 = arith.muli %arg1, %mul3A_1 : i32
    %mul3A_3 = arith.constant 632 : i32
    %mul3A_4 = arith.muli %arg1, %mul3A_3 : i32
    "tpu.region"() ({
      %run_scoped3A_272 = tpu.sem_alloc : memref<!tpu.dma_semaphore, #tpu.memory_space<semaphore_mem>>
      %dma_start3A_273 = arith.constant 0 : i32
      %dma_start3A_274 = tpu.memref_slice %arg10[%mul3A_4, %dma_start3A_273] : memref<10112x128xf32, #tpu.memory_space<vmem_shared>> -> memref<632x128xf32, #tpu.memory_space<vmem_shared>>
      %dma_start3A_275 = arith.constant 0 : i32
      %dma_start3A_276 = tpu.memref_slice %arg4[%mul3A_2, %dma_start3A_275] : memref<10112x128xf32, #tpu.memory_space<hbm>> -> memref<632x128xf32, #tpu.memory_space<hbm>>
      tpu.enqueue_dma source(%dma_start3A_276 : memref<632x128xf32, #tpu.memory_space<hbm>>) target(%dma_start3A_274 : memref<632x128xf32, #tpu.memory_space<vmem_shared>>) target_semaphore(%run_scoped3A_272 : memref<!tpu.dma_semaphore, #tpu.memory_space<semaphore_mem>>)
      %dma_wait3A_277 = arith.constant 0 : i32
      %dma_wait3A_278 = tpu.memref_slice %arg10[%mul3A_4, %dma_wait3A_277] : memref<10112x128xf32, #tpu.memory_space<vmem_shared>> -> memref<632x128xf32, #tpu.memory_space<vmem_shared>>
      %dma_wait3A_279 = arith.constant 0 : i32
      %dma_wait3A_280 = tpu.memref_slice %arg4[%mul3A_2, %dma_wait3A_279] : memref<10112x128xf32, #tpu.memory_space<hbm>> -> memref<632x128xf32, #tpu.memory_space<hbm>>
      tpu.wait_dma2 semaphore(%run_scoped3A_272 : memref<!tpu.dma_semaphore, #tpu.memory_space<semaphore_mem>>) src(%dma_wait3A_280 : memref<632x128xf32, #tpu.memory_space<hbm>>) dst(%dma_wait3A_278 : memref<632x128xf32, #tpu.memory_space<vmem_shared>>)
      tpu.yield
    }) : () -> ()
    %run_scoped3A = arith.constant 0 : i32
    %run_scoped3A_5 = arith.constant 0 : i32
    "tpu.region"() ({
      %run_scoped3A_272 = tpu.sem_alloc : memref<!tpu.dma_semaphore, #tpu.memory_space<semaphore_mem>>
      %dma_start3A_273 = arith.constant 0 : i32
      %dma_start3A_274 = arith.constant 0 : i32
      %dma_start3A_275 = tpu.memref_slice %arg6[%run_scoped3A_5, %dma_start3A_273, %dma_start3A_274] : memref<2x32x64xi32, #tpu.memory_space<vmem>> -> memref<1x32x64xi32, #tpu.memory_space<vmem>>
      %dma_start3A_276 = tpu.memref_squeeze %dma_start3A_275 : memref<1x32x64xi32, #tpu.memory_space<vmem>> -> memref<32x64xi32, #tpu.memory_space<vmem>>
      %dma_start3A_277 = arith.constant 0 : i32
      %dma_start3A_278 = arith.constant 0 : i32
      %dma_start3A_279 = tpu.memref_slice %arg3[%add3A, %run_scoped3A, %dma_start3A_277, %dma_start3A_278] : memref<32x5x32x64xi32, #tpu.memory_space<hbm>> -> memref<1x1x32x64xi32, #tpu.memory_space<hbm>>
      %dma_start3A_280 = tpu.memref_squeeze %dma_start3A_279 : memref<1x1x32x64xi32, #tpu.memory_space<hbm>> -> memref<32x64xi32, #tpu.memory_space<hbm>>
      %dma_start3A_281 = arith.constant 0 : i32
      %dma_start3A_282 = arith.constant 0 : i32
      %dma_start3A_283 = tpu.memref_slice %arg6[%run_scoped3A_5, %dma_start3A_281, %dma_start3A_282] : memref<2x32x64xi32, #tpu.memory_space<vmem>> -> memref<1x32x64xi32, #tpu.memory_space<vmem>>
      %dma_start3A_284 = tpu.memref_squeeze %dma_start3A_283 : memref<1x32x64xi32, #tpu.memory_space<vmem>> -> memref<32x64xi32, #tpu.memory_space<vmem>>
      %dma_start3A_285 = arith.constant 0 : i32
      %dma_start3A_286 = arith.constant 0 : i32
      %dma_start3A_287 = tpu.memref_slice %arg3[%add3A, %run_scoped3A, %dma_start3A_285, %dma_start3A_286] : memref<32x5x32x64xi32, #tpu.memory_space<hbm>> -> memref<1x1x32x64xi32, #tpu.memory_space<hbm>>
      %dma_start3A_288 = tpu.memref_squeeze %dma_start3A_287 : memref<1x1x32x64xi32, #tpu.memory_space<hbm>> -> memref<32x64xi32, #tpu.memory_space<hbm>>
      tpu.enqueue_dma source(%dma_start3A_288 : memref<32x64xi32, #tpu.memory_space<hbm>>) target(%dma_start3A_284 : memref<32x64xi32, #tpu.memory_space<vmem>>) target_semaphore(%run_scoped3A_272 : memref<!tpu.dma_semaphore, #tpu.memory_space<semaphore_mem>>)
      %dma_wait3A_289 = arith.constant 0 : i32
      %dma_wait3A_290 = arith.constant 0 : i32
      %dma_wait3A_291 = tpu.memref_slice %arg6[%run_scoped3A_5, %dma_wait3A_289, %dma_wait3A_290] : memref<2x32x64xi32, #tpu.memory_space<vmem>> -> memref<1x32x64xi32, #tpu.memory_space<vmem>>
      %dma_wait3A_292 = tpu.memref_squeeze %dma_wait3A_291 : memref<1x32x64xi32, #tpu.memory_space<vmem>> -> memref<32x64xi32, #tpu.memory_space<vmem>>
      %dma_wait3A_293 = arith.constant 0 : i32
      %dma_wait3A_294 = arith.constant 0 : i32
      %dma_wait3A_295 = tpu.memref_slice %arg3[%add3A, %run_scoped3A, %dma_wait3A_293, %dma_wait3A_294] : memref<32x5x32x64xi32, #tpu.memory_space<hbm>> -> memref<1x1x32x64xi32, #tpu.memory_space<hbm>>
      %dma_wait3A_296 = tpu.memref_squeeze %dma_wait3A_295 : memref<1x1x32x64xi32, #tpu.memory_space<hbm>> -> memref<32x64xi32, #tpu.memory_space<hbm>>
      %dma_wait3A_297 = arith.constant 0 : i32
      %dma_wait3A_298 = arith.constant 0 : i32
      %dma_wait3A_299 = tpu.memref_slice %arg6[%run_scoped3A_5, %dma_wait3A_297, %dma_wait3A_298] : memref<2x32x64xi32, #tpu.memory_space<vmem>> -> memref<1x32x64xi32, #tpu.memory_space<vmem>>
      %dma_wait3A_300 = tpu.memref_squeeze %dma_wait3A_299 : memref<1x32x64xi32, #tpu.memory_space<vmem>> -> memref<32x64xi32, #tpu.memory_space<vmem>>
      %dma_wait3A_301 = arith.constant 0 : i32
      %dma_wait3A_302 = arith.constant 0 : i32
      %dma_wait3A_303 = tpu.memref_slice %arg3[%add3A, %run_scoped3A, %dma_wait3A_301, %dma_wait3A_302] : memref<32x5x32x64xi32, #tpu.memory_space<hbm>> -> memref<1x1x32x64xi32, #tpu.memory_space<hbm>>
      %dma_wait3A_304 = tpu.memref_squeeze %dma_wait3A_303 : memref<1x1x32x64xi32, #tpu.memory_space<hbm>> -> memref<32x64xi32, #tpu.memory_space<hbm>>
      tpu.wait_dma2 semaphore(%run_scoped3A_272 : memref<!tpu.dma_semaphore, #tpu.memory_space<semaphore_mem>>) src(%dma_wait3A_304 : memref<32x64xi32, #tpu.memory_space<hbm>>) dst(%dma_wait3A_300 : memref<32x64xi32, #tpu.memory_space<vmem>>)
      tpu.yield
    }) : () -> ()
    %dma_start3A = arith.constant 1 : i32
    %dma_start3A_6 = arith.constant 1 : i32
    %dma_start3A_7 = arith.constant 0 : i32
    %dma_start3A_8 = arith.constant 0 : i32
    %dma_start3A_9 = tpu.memref_slice %arg6[%dma_start3A_6, %dma_start3A_7, %dma_start3A_8] : memref<2x32x64xi32, #tpu.memory_space<vmem>> -> memref<1x32x64xi32, #tpu.memory_space<vmem>>
    %dma_start3A_10 = tpu.memref_squeeze %dma_start3A_9 : memref<1x32x64xi32, #tpu.memory_space<vmem>> -> memref<32x64xi32, #tpu.memory_space<vmem>>
    %dma_start3A_11 = arith.constant 0 : i32
    %dma_start3A_12 = arith.constant 0 : i32
    %dma_start3A_13 = tpu.memref_slice %arg3[%add3A, %dma_start3A, %dma_start3A_11, %dma_start3A_12] : memref<32x5x32x64xi32, #tpu.memory_space<hbm>> -> memref<1x1x32x64xi32, #tpu.memory_space<hbm>>
    %dma_start3A_14 = tpu.memref_squeeze %dma_start3A_13 : memref<1x1x32x64xi32, #tpu.memory_space<hbm>> -> memref<32x64xi32, #tpu.memory_space<hbm>>
    %dma_start3A_15 = arith.constant 0 : i32
    %dma_start3A_16 = arith.constant 0 : i32
    %dma_start3A_17 = tpu.memref_slice %arg6[%dma_start3A_6, %dma_start3A_15, %dma_start3A_16] : memref<2x32x64xi32, #tpu.memory_space<vmem>> -> memref<1x32x64xi32, #tpu.memory_space<vmem>>
    %dma_start3A_18 = tpu.memref_squeeze %dma_start3A_17 : memref<1x32x64xi32, #tpu.memory_space<vmem>> -> memref<32x64xi32, #tpu.memory_space<vmem>>
    %dma_start3A_19 = arith.constant 0 : i32
    %dma_start3A_20 = arith.constant 0 : i32
    %dma_start3A_21 = tpu.memref_slice %arg3[%add3A, %dma_start3A, %dma_start3A_19, %dma_start3A_20] : memref<32x5x32x64xi32, #tpu.memory_space<hbm>> -> memref<1x1x32x64xi32, #tpu.memory_space<hbm>>
    %dma_start3A_22 = tpu.memref_squeeze %dma_start3A_21 : memref<1x1x32x64xi32, #tpu.memory_space<hbm>> -> memref<32x64xi32, #tpu.memory_space<hbm>>
    tpu.enqueue_dma source(%dma_start3A_22 : memref<32x64xi32, #tpu.memory_space<hbm>>) target(%dma_start3A_18 : memref<32x64xi32, #tpu.memory_space<vmem>>) target_semaphore(%arg13 : memref<!tpu.dma_semaphore, #tpu.memory_space<semaphore_mem>>)
    %barrier3A = arith.constant 0 : index
    tpu.barrier barrier_id(%barrier3A)
    %get3A = arith.constant 0 : i32
    %get3A_23 = arith.constant 0 : i32
    %get3A_24 = arith.index_cast %get3A : i32 to index
    %get3A_25 = arith.index_cast %get3A_23 : i32 to index
    %get3A_26 = arith.constant 0 : index
    %get3A_27 = tpu.vector_load %arg6[%get3A_24, %get3A_25, %get3A_26] {strides = array<i32>} : memref<2x32x64xi32, #tpu.memory_space<vmem>>, vector<1x1x16xi32>,
    %get3A_28 = vector.shape_cast %get3A_27 : vector<1x1x16xi32> to vector<16xi32>
    %and3A = arith.constant 16383 : i32
    %and3A_29 = vector.broadcast %and3A : i32 to vector<16xi32>
    %and3A_30 = arith.andi %get3A_28, %and3A_29 : vector<16xi32>
    %swap3A = arith.constant 0 : i32
    %swap3A_31 = arith.index_cast %swap3A : i32 to index
    %swap3A_32 = arith.constant 0 : index
    %swap3A_33 = tpu.vector_load %arg7[%swap3A_31, %swap3A_32] {strides = array<i32>} : memref<4x64xi32, #tpu.memory_space<vmem>>, vector<1x16xi32>,
    %swap3A_34 = vector.shape_cast %swap3A_33 : vector<1x16xi32> to vector<16xi32>
    %swap3A_35 = vector.shape_cast %and3A_30 : vector<16xi32> to vector<1x16xi32>
    tpu.vector_store %arg7[%swap3A_31, %swap3A_32], %swap3A_35 {strides = array<i32>} : memref<4x64xi32, #tpu.memory_space<vmem>>, vector<1x16xi32>,
    %get3A_36 = arith.constant 0 : i32
    %get3A_37 = arith.constant 0 : i32
    %get3A_38 = arith.index_cast %get3A_36 : i32 to index
    %get3A_39 = arith.index_cast %get3A_37 : i32 to index
    %get3A_40 = arith.constant 16 : index
    %get3A_41 = tpu.vector_load %arg6[%get3A_38, %get3A_39, %get3A_40] {strides = array<i32>} : memref<2x32x64xi32, #tpu.memory_space<vmem>>, vector<1x1x16xi32>,
    %get3A_42 = vector.shape_cast %get3A_41 : vector<1x1x16xi32> to vector<16xi32>
    %and3A_43 = arith.constant 16383 : i32
    %and3A_44 = vector.broadcast %and3A_43 : i32 to vector<16xi32>
    %and3A_45 = arith.andi %get3A_42, %and3A_44 : vector<16xi32>
    %swap3A_46 = arith.constant 0 : i32
    %swap3A_47 = arith.index_cast %swap3A_46 : i32 to index
    %swap3A_48 = arith.constant 16 : index
    %swap3A_49 = tpu.vector_load %arg7[%swap3A_47, %swap3A_48] {strides = array<i32>} : memref<4x64xi32, #tpu.memory_space<vmem>>, vector<1x16xi32>,
    %swap3A_50 = vector.shape_cast %swap3A_49 : vector<1x16xi32> to vector<16xi32>
    %swap3A_51 = vector.shape_cast %and3A_45 : vector<16xi32> to vector<1x16xi32>
    tpu.vector_store %arg7[%swap3A_47, %swap3A_48], %swap3A_51 {strides = array<i32>} : memref<4x64xi32, #tpu.memory_space<vmem>>, vector<1x16xi32>,
    %get3A_52 = arith.constant 0 : i32
    %get3A_53 = arith.constant 0 : i32
    %get3A_54 = arith.index_cast %get3A_52 : i32 to index
    %get3A_55 = arith.index_cast %get3A_53 : i32 to index
    %get3A_56 = arith.constant 32 : index
    %get3A_57 = tpu.vector_load %arg6[%get3A_54, %get3A_55, %get3A_56] {strides = array<i32>} : memref<2x32x64xi32, #tpu.memory_space<vmem>>, vector<1x1x16xi32>,
    %get3A_58 = vector.shape_cast %get3A_57 : vector<1x1x16xi32> to vector<16xi32>
    %and3A_59 = arith.constant 16383 : i32
    %and3A_60 = vector.broadcast %and3A_59 : i32 to vector<16xi32>
    %and3A_61 = arith.andi %get3A_58, %and3A_60 : vector<16xi32>
    %swap3A_62 = arith.constant 0 : i32
    %swap3A_63 = arith.index_cast %swap3A_62 : i32 to index
    %swap3A_64 = arith.constant 32 : index
    %swap3A_65 = tpu.vector_load %arg7[%swap3A_63, %swap3A_64] {strides = array<i32>} : memref<4x64xi32, #tpu.memory_space<vmem>>, vector<1x16xi32>,
    %swap3A_66 = vector.shape_cast %swap3A_65 : vector<1x16xi32> to vector<16xi32>
    %swap3A_67 = vector.shape_cast %and3A_61 : vector<16xi32> to vector<1x16xi32>
    tpu.vector_store %arg7[%swap3A_63, %swap3A_64], %swap3A_67 {strides = array<i32>} : memref<4x64xi32, #tpu.memory_space<vmem>>, vector<1x16xi32>,
    %get3A_68 = arith.constant 0 : i32
    %get3A_69 = arith.constant 0 : i32
    %get3A_70 = arith.index_cast %get3A_68 : i32 to index
    %get3A_71 = arith.index_cast %get3A_69 : i32 to index
    %get3A_72 = arith.constant 48 : index
    %get3A_73 = tpu.vector_load %arg6[%get3A_70, %get3A_71, %get3A_72] {strides = array<i32>} : memref<2x32x64xi32, #tpu.memory_space<vmem>>, vector<1x1x16xi32>,
    %get3A_74 = vector.shape_cast %get3A_73 : vector<1x1x16xi32> to vector<16xi32>
    %and3A_75 = arith.constant 16383 : i32
    %and3A_76 = vector.broadcast %and3A_75 : i32 to vector<16xi32>
    %and3A_77 = arith.andi %get3A_74, %and3A_76 : vector<16xi32>
    %swap3A_78 = arith.constant 0 : i32
    %swap3A_79 = arith.index_cast %swap3A_78 : i32 to index
    %swap3A_80 = arith.constant 48 : index
    %swap3A_81 = tpu.vector_load %arg7[%swap3A_79, %swap3A_80] {strides = array<i32>} : memref<4x64xi32, #tpu.memory_space<vmem>>, vector<1x16xi32>,
    %swap3A_82 = vector.shape_cast %swap3A_81 : vector<1x16xi32> to vector<16xi32>
    %swap3A_83 = vector.shape_cast %and3A_77 : vector<16xi32> to vector<1x16xi32>
    tpu.vector_store %arg7[%swap3A_79, %swap3A_80], %swap3A_83 {strides = array<i32>} : memref<4x64xi32, #tpu.memory_space<vmem>>, vector<1x16xi32>,
    %dma_start3A_84 = arith.constant 0 : i32
    %dma_start3A_85 = arith.constant 0 : i32
    %dma_start3A_86 = arith.constant 0 : i32
    %dma_start3A_87 = arith.constant 0 : i32
    %dma_start3A_88 = tpu.memref_slice %arg9[%dma_start3A_85, %dma_start3A_86, %dma_start3A_87] : memref<4x64x128xf32, #tpu.memory_space<vmem>> -> memref<1x64x128xf32, #tpu.memory_space<vmem>>
    %dma_start3A_89 = tpu.memref_squeeze %dma_start3A_88 : memref<1x64x128xf32, #tpu.memory_space<vmem>> -> memref<64x128xf32, #tpu.memory_space<vmem>>
    %dma_start3A_90 = arith.constant 0 : i32
    %dma_start3A_91 = tpu.memref_slice %arg7[%dma_start3A_84, %dma_start3A_90] : memref<4x64xi32, #tpu.memory_space<vmem>> -> memref<1x64xi32, #tpu.memory_space<vmem>>
    %dma_start3A_92 = tpu.memref_squeeze %dma_start3A_91 : memref<1x64xi32, #tpu.memory_space<vmem>> -> memref<64xi32, #tpu.memory_space<vmem>>
    %dma_start3A_93 = arith.constant 0 : i32
    %dma_start3A_94 = arith.constant 0 : i32
    %dma_start3A_95 = tpu.memref_slice %arg2[%dma_start3A_93, %dma_start3A_94] : memref<10000x128xf32, #tpu.memory_space<hbm>> -> memref<10000x128xf32, #tpu.memory_space<hbm>>
    tpu.enqueue_indirect_dma source(%dma_start3A_95 : memref<10000x128xf32, #tpu.memory_space<hbm>>) target(%dma_start3A_89 : memref<64x128xf32, #tpu.memory_space<vmem>>) offsets(%dma_start3A_92 : memref<64xi32, #tpu.memory_space<vmem>>) semaphore(%arg11 : memref<!tpu.dma_semaphore, #tpu.memory_space<semaphore_mem>>)
    %get3A_96 = arith.constant 0 : i32
    %get3A_97 = arith.constant 1 : i32
    %get3A_98 = arith.index_cast %get3A_96 : i32 to index
    %get3A_99 = arith.index_cast %get3A_97 : i32 to index
    %get3A_100 = arith.constant 0 : index
    %get3A_101 = tpu.vector_load %arg6[%get3A_98, %get3A_99, %get3A_100] {strides = array<i32>} : memref<2x32x64xi32, #tpu.memory_space<vmem>>, vector<1x1x16xi32>,
    %get3A_102 = vector.shape_cast %get3A_101 : vector<1x1x16xi32> to vector<16xi32>
    %and3A_103 = arith.constant 16383 : i32
    %and3A_104 = vector.broadcast %and3A_103 : i32 to vector<16xi32>
    %and3A_105 = arith.andi %get3A_102, %and3A_104 : vector<16xi32>
    %swap3A_106 = arith.constant 1 : i32
    %swap3A_107 = arith.index_cast %swap3A_106 : i32 to index
    %swap3A_108 = arith.constant 0 : index
    %swap3A_109 = tpu.vector_load %arg7[%swap3A_107, %swap3A_108] {strides = array<i32>} : memref<4x64xi32, #tpu.memory_space<vmem>>, vector<1x16xi32>,
    %swap3A_110 = vector.shape_cast %swap3A_109 : vector<1x16xi32> to vector<16xi32>
    %swap3A_111 = vector.shape_cast %and3A_105 : vector<16xi32> to vector<1x16xi32>
    tpu.vector_store %arg7[%swap3A_107, %swap3A_108], %swap3A_111 {strides = array<i32>} : memref<4x64xi32, #tpu.memory_space<vmem>>, vector<1x16xi32>,
    %get3A_112 = arith.constant 0 : i32
    %get3A_113 = arith.constant 1 : i32
    %get3A_114 = arith.index_cast %get3A_112 : i32 to index
    %get3A_115 = arith.index_cast %get3A_113 : i32 to index
    %get3A_116 = arith.constant 16 : index
    %get3A_117 = tpu.vector_load %arg6[%get3A_114, %get3A_115, %get3A_116] {strides = array<i32>} : memref<2x32x64xi32, #tpu.memory_space<vmem>>, vector<1x1x16xi32>,
    %get3A_118 = vector.shape_cast %get3A_117 : vector<1x1x16xi32> to vector<16xi32>
    %and3A_119 = arith.constant 16383 : i32
    %and3A_120 = vector.broadcast %and3A_119 : i32 to vector<16xi32>
    %and3A_121 = arith.andi %get3A_118, %and3A_120 : vector<16xi32>
    %swap3A_122 = arith.constant 1 : i32
    %swap3A_123 = arith.index_cast %swap3A_122 : i32 to index
    %swap3A_124 = arith.constant 16 : index
    %swap3A_125 = tpu.vector_load %arg7[%swap3A_123, %swap3A_124] {strides = array<i32>} : memref<4x64xi32, #tpu.memory_space<vmem>>, vector<1x16xi32>,
    %swap3A_126 = vector.shape_cast %swap3A_125 : vector<1x16xi32> to vector<16xi32>
    %swap3A_127 = vector.shape_cast %and3A_121 : vector<16xi32> to vector<1x16xi32>
    tpu.vector_store %arg7[%swap3A_123, %swap3A_124], %swap3A_127 {strides = array<i32>} : memref<4x64xi32, #tpu.memory_space<vmem>>, vector<1x16xi32>,
    %get3A_128 = arith.constant 0 : i32
    %get3A_129 = arith.constant 1 : i32
    %get3A_130 = arith.index_cast %get3A_128 : i32 to index
    %get3A_131 = arith.index_cast %get3A_129 : i32 to index
    %get3A_132 = arith.constant 32 : index
    %get3A_133 = tpu.vector_load %arg6[%get3A_130, %get3A_131, %get3A_132] {strides = array<i32>} : memref<2x32x64xi32, #tpu.memory_space<vmem>>, vector<1x1x16xi32>,
    %get3A_134 = vector.shape_cast %get3A_133 : vector<1x1x16xi32> to vector<16xi32>
    %and3A_135 = arith.constant 16383 : i32
    %and3A_136 = vector.broadcast %and3A_135 : i32 to vector<16xi32>
    %and3A_137 = arith.andi %get3A_134, %and3A_136 : vector<16xi32>
    %swap3A_138 = arith.constant 1 : i32
    %swap3A_139 = arith.index_cast %swap3A_138 : i32 to index
    %swap3A_140 = arith.constant 32 : index
    %swap3A_141 = tpu.vector_load %arg7[%swap3A_139, %swap3A_140] {strides = array<i32>} : memref<4x64xi32, #tpu.memory_space<vmem>>, vector<1x16xi32>,
    %swap3A_142 = vector.shape_cast %swap3A_141 : vector<1x16xi32> to vector<16xi32>
    %swap3A_143 = vector.shape_cast %and3A_137 : vector<16xi32> to vector<1x16xi32>
    tpu.vector_store %arg7[%swap3A_139, %swap3A_140], %swap3A_143 {strides = array<i32>} : memref<4x64xi32, #tpu.memory_space<vmem>>, vector<1x16xi32>,
    %get3A_144 = arith.constant 0 : i32
    %get3A_145 = arith.constant 1 : i32
    %get3A_146 = arith.index_cast %get3A_144 : i32 to index
    %get3A_147 = arith.index_cast %get3A_145 : i32 to index
    %get3A_148 = arith.constant 48 : index
    %get3A_149 = tpu.vector_load %arg6[%get3A_146, %get3A_147, %get3A_148] {strides = array<i32>} : memref<2x32x64xi32, #tpu.memory_space<vmem>>, vector<1x1x16xi32>,
    %get3A_150 = vector.shape_cast %get3A_149 : vector<1x1x16xi32> to vector<16xi32>
    %and3A_151 = arith.constant 16383 : i32
    %and3A_152 = vector.broadcast %and3A_151 : i32 to vector<16xi32>
    %and3A_153 = arith.andi %get3A_150, %and3A_152 : vector<16xi32>
    %swap3A_154 = arith.constant 1 : i32
    %swap3A_155 = arith.index_cast %swap3A_154 : i32 to index
    %swap3A_156 = arith.constant 48 : index
    %swap3A_157 = tpu.vector_load %arg7[%swap3A_155, %swap3A_156] {strides = array<i32>} : memref<4x64xi32, #tpu.memory_space<vmem>>, vector<1x16xi32>,
    %swap3A_158 = vector.shape_cast %swap3A_157 : vector<1x16xi32> to vector<16xi32>
    %swap3A_159 = vector.shape_cast %and3A_153 : vector<16xi32> to vector<1x16xi32>
    tpu.vector_store %arg7[%swap3A_155, %swap3A_156], %swap3A_159 {strides = array<i32>} : memref<4x64xi32, #tpu.memory_space<vmem>>, vector<1x16xi32>,
    %dma_start3A_160 = arith.constant 1 : i32
    %dma_start3A_161 = arith.constant 1 : i32
    %dma_start3A_162 = arith.constant 0 : i32
    %dma_start3A_163 = arith.constant 0 : i32
    %dma_start3A_164 = tpu.memref_slice %arg9[%dma_start3A_161, %dma_start3A_162, %dma_start3A_163] : memref<4x64x128xf32, #tpu.memory_space<vmem>> -> memref<1x64x128xf32, #tpu.memory_space<vmem>>
    %dma_start3A_165 = tpu.memref_squeeze %dma_start3A_164 : memref<1x64x128xf32, #tpu.memory_space<vmem>> -> memref<64x128xf32, #tpu.memory_space<vmem>>
    %dma_start3A_166 = arith.constant 0 : i32
    %dma_start3A_167 = tpu.memref_slice %arg7[%dma_start3A_160, %dma_start3A_166] : memref<4x64xi32, #tpu.memory_space<vmem>> -> memref<1x64xi32, #tpu.memory_space<vmem>>
    %dma_start3A_168 = tpu.memref_squeeze %dma_start3A_167 : memref<1x64xi32, #tpu.memory_space<vmem>> -> memref<64xi32, #tpu.memory_space<vmem>>
    %dma_start3A_169 = arith.constant 0 : i32
    %dma_start3A_170 = arith.constant 0 : i32
    %dma_start3A_171 = tpu.memref_slice %arg2[%dma_start3A_169, %dma_start3A_170] : memref<10000x128xf32, #tpu.memory_space<hbm>> -> memref<10000x128xf32, #tpu.memory_space<hbm>>
    tpu.enqueue_indirect_dma source(%dma_start3A_171 : memref<10000x128xf32, #tpu.memory_space<hbm>>) target(%dma_start3A_165 : memref<64x128xf32, #tpu.memory_space<vmem>>) offsets(%dma_start3A_168 : memref<64xi32, #tpu.memory_space<vmem>>) semaphore(%arg11 : memref<!tpu.dma_semaphore, #tpu.memory_space<semaphore_mem>>)
    %get3A_172 = arith.constant 0 : i32
    %get3A_173 = arith.constant 2 : i32
    %get3A_174 = arith.index_cast %get3A_172 : i32 to index
    %get3A_175 = arith.index_cast %get3A_173 : i32 to index
    %get3A_176 = arith.constant 0 : index
    %get3A_177 = tpu.vector_load %arg6[%get3A_174, %get3A_175, %get3A_176] {strides = array<i32>} : memref<2x32x64xi32, #tpu.memory_space<vmem>>, vector<1x1x16xi32>,
    %get3A_178 = vector.shape_cast %get3A_177 : vector<1x1x16xi32> to vector<16xi32>
    %and3A_179 = arith.constant 16383 : i32
    %and3A_180 = vector.broadcast %and3A_179 : i32 to vector<16xi32>
    %and3A_181 = arith.andi %get3A_178, %and3A_180 : vector<16xi32>
    %swap3A_182 = arith.constant 2 : i32
    %swap3A_183 = arith.index_cast %swap3A_182 : i32 to index
    %swap3A_184 = arith.constant 0 : index
    %swap3A_185 = tpu.vector_load %arg7[%swap3A_183, %swap3A_184] {strides = array<i32>} : memref<4x64xi32, #tpu.memory_space<vmem>>, vector<1x16xi32>,
    %swap3A_186 = vector.shape_cast %swap3A_185 : vector<1x16xi32> to vector<16xi32>
    %swap3A_187 = vector.shape_cast %and3A_181 : vector<16xi32> to vector<1x16xi32>
    tpu.vector_store %arg7[%swap3A_183, %swap3A_184], %swap3A_187 {strides = array<i32>} : memref<4x64xi32, #tpu.memory_space<vmem>>, vector<1x16xi32>,
    %get3A_188 = arith.constant 0 : i32
    %get3A_189 = arith.constant 2 : i32
    %get3A_190 = arith.index_cast %get3A_188 : i32 to index
    %get3A_191 = arith.index_cast %get3A_189 : i32 to index
    %get3A_192 = arith.constant 16 : index
    %get3A_193 = tpu.vector_load %arg6[%get3A_190, %get3A_191, %get3A_192] {strides = array<i32>} : memref<2x32x64xi32, #tpu.memory_space<vmem>>, vector<1x1x16xi32>,
    %get3A_194 = vector.shape_cast %get3A_193 : vector<1x1x16xi32> to vector<16xi32>
    %and3A_195 = arith.constant 16383 : i32
    %and3A_196 = vector.broadcast %and3A_195 : i32 to vector<16xi32>
    %and3A_197 = arith.andi %get3A_194, %and3A_196 : vector<16xi32>
    %swap3A_198 = arith.constant 2 : i32
    %swap3A_199 = arith.index_cast %swap3A_198 : i32 to index
    %swap3A_200 = arith.constant 16 : index
    %swap3A_201 = tpu.vector_load %arg7[%swap3A_199, %swap3A_200] {strides = array<i32>} : memref<4x64xi32, #tpu.memory_space<vmem>>, vector<1x16xi32>,
    %swap3A_202 = vector.shape_cast %swap3A_201 : vector<1x16xi32> to vector<16xi32>
    %swap3A_203 = vector.shape_cast %and3A_197 : vector<16xi32> to vector<1x16xi32>
    tpu.vector_store %arg7[%swap3A_199, %swap3A_200], %swap3A_203 {strides = array<i32>} : memref<4x64xi32, #tpu.memory_space<vmem>>, vector<1x16xi32>,
    %get3A_204 = arith.constant 0 : i32
    %get3A_205 = arith.constant 2 : i32
    %get3A_206 = arith.index_cast %get3A_204 : i32 to index
    %get3A_207 = arith.index_cast %get3A_205 : i32 to index
    %get3A_208 = arith.constant 32 : index
    %get3A_209 = tpu.vector_load %arg6[%get3A_206, %get3A_207, %get3A_208] {strides = array<i32>} : memref<2x32x64xi32, #tpu.memory_space<vmem>>, vector<1x1x16xi32>,
    %get3A_210 = vector.shape_cast %get3A_209 : vector<1x1x16xi32> to vector<16xi32>
    %and3A_211 = arith.constant 16383 : i32
    %and3A_212 = vector.broadcast %and3A_211 : i32 to vector<16xi32>
    %and3A_213 = arith.andi %get3A_210, %and3A_212 : vector<16xi32>
    %swap3A_214 = arith.constant 2 : i32
    %swap3A_215 = arith.index_cast %swap3A_214 : i32 to index
    %swap3A_216 = arith.constant 32 : index
    %swap3A_217 = tpu.vector_load %arg7[%swap3A_215, %swap3A_216] {strides = array<i32>} : memref<4x64xi32, #tpu.memory_space<vmem>>, vector<1x16xi32>,
    %swap3A_218 = vector.shape_cast %swap3A_217 : vector<1x16xi32> to vector<16xi32>
    %swap3A_219 = vector.shape_cast %and3A_213 : vector<16xi32> to vector<1x16xi32>
    tpu.vector_store %arg7[%swap3A_215, %swap3A_216], %swap3A_219 {strides = array<i32>} : memref<4x64xi32, #tpu.memory_space<vmem>>, vector<1x16xi32>,
    %get3A_220 = arith.constant 0 : i32
    %get3A_221 = arith.constant 2 : i32
    %get3A_222 = arith.index_cast %get3A_220 : i32 to index
    %get3A_223 = arith.index_cast %get3A_221 : i32 to index
    %get3A_224 = arith.constant 48 : index
    %get3A_225 = tpu.vector_load %arg6[%get3A_222, %get3A_223, %get3A_224] {strides = array<i32>} : memref<2x32x64xi32, #tpu.memory_space<vmem>>, vector<1x1x16xi32>,
    %get3A_226 = vector.shape_cast %get3A_225 : vector<1x1x16xi32> to vector<16xi32>
    %and3A_227 = arith.constant 16383 : i32
    %and3A_228 = vector.broadcast %and3A_227 : i32 to vector<16xi32>
    %and3A_229 = arith.andi %get3A_226, %and3A_228 : vector<16xi32>
    %swap3A_230 = arith.constant 2 : i32
    %swap3A_231 = arith.index_cast %swap3A_230 : i32 to index
    %swap3A_232 = arith.constant 48 : index
    %swap3A_233 = tpu.vector_load %arg7[%swap3A_231, %swap3A_232] {strides = array<i32>} : memref<4x64xi32, #tpu.memory_space<vmem>>, vector<1x16xi32>,
    %swap3A_234 = vector.shape_cast %swap3A_233 : vector<1x16xi32> to vector<16xi32>
    %swap3A_235 = vector.shape_cast %and3A_229 : vector<16xi32> to vector<1x16xi32>
    tpu.vector_store %arg7[%swap3A_231, %swap3A_232], %swap3A_235 {strides = array<i32>} : memref<4x64xi32, #tpu.memory_space<vmem>>, vector<1x16xi32>,
    %dma_start3A_236 = arith.constant 2 : i32
    %dma_start3A_237 = arith.constant 2 : i32
    %dma_start3A_238 = arith.constant 0 : i32
    %dma_start3A_239 = arith.constant 0 : i32
    %dma_start3A_240 = tpu.memref_slice %arg9[%dma_start3A_237, %dma_start3A_238, %dma_start3A_239] : memref<4x64x128xf32, #tpu.memory_space<vmem>> -> memref<1x64x128xf32, #tpu.memory_space<vmem>>
    %dma_start3A_241 = tpu.memref_squeeze %dma_start3A_240 : memref<1x64x128xf32, #tpu.memory_space<vmem>> -> memref<64x128xf32, #tpu.memory_space<vmem>>
    %dma_start3A_242 = arith.constant 0 : i32
    %dma_start3A_243 = tpu.memref_slice %arg7[%dma_start3A_236, %dma_start3A_242] : memref<4x64xi32, #tpu.memory_space<vmem>> -> memref<1x64xi32, #tpu.memory_space<vmem>>
    %dma_start3A_244 = tpu.memref_squeeze %dma_start3A_243 : memref<1x64xi32, #tpu.memory_space<vmem>> -> memref<64xi32, #tpu.memory_space<vmem>>
    %dma_start3A_245 = arith.constant 0 : i32
    %dma_start3A_246 = arith.constant 0 : i32
    %dma_start3A_247 = tpu.memref_slice %arg2[%dma_start3A_245, %dma_start3A_246] : memref<10000x128xf32, #tpu.memory_space<hbm>> -> memref<10000x128xf32, #tpu.memory_space<hbm>>
    tpu.enqueue_indirect_dma source(%dma_start3A_247 : memref<10000x128xf32, #tpu.memory_space<hbm>>) target(%dma_start3A_241 : memref<64x128xf32, #tpu.memory_space<vmem>>) offsets(%dma_start3A_244 : memref<64xi32, #tpu.memory_space<vmem>>) semaphore(%arg11 : memref<!tpu.dma_semaphore, #tpu.memory_space<semaphore_mem>>)
    %scan3A = arith.constant 0 : i32
    %scan3A_248 = arith.constant 0 : i32
    %scan3A_249 = arith.constant 160 : i32
    %scan3A_250 = arith.addi %scan3A_248, %scan3A_249 : i32
    %scan3A_251 = arith.constant 1 : i32
    scf.for %scan3A_272 = %scan3A_248 to %scan3A_250 step %scan3A_251  : i32 {
      %rem3A = arith.constant 4 : i32
      %rem3A_273 = arith.remsi %scan3A_272, %rem3A : i32
      %div3A = arith.constant 32 : i32
      %div3A_274 = arith.divsi %scan3A_272, %div3A : i32
      %rem3A_275 = arith.constant 32 : i32
      %rem3A_276 = arith.remsi %scan3A_272, %rem3A_275 : i32
      %rem3A_277 = arith.constant 2 : i32
      %rem3A_278 = arith.remsi %div3A_274, %rem3A_277 : i32
      %dma_wait3A_279 = arith.constant 0 : i32
      %dma_wait3A_280 = arith.constant 0 : i32
      %dma_wait3A_281 = arith.constant 0 : i32
      %dma_wait3A_282 = tpu.memref_slice %arg9[%dma_wait3A_279, %dma_wait3A_280, %dma_wait3A_281] : memref<4x64x128xf32, #tpu.memory_space<vmem>> -> memref<1x64x128xf32, #tpu.memory_space<vmem>>
      %dma_wait3A_283 = tpu.memref_squeeze %dma_wait3A_282 : memref<1x64x128xf32, #tpu.memory_space<vmem>> -> memref<64x128xf32, #tpu.memory_space<vmem>>
      %dma_wait3A_284 = arith.constant 0 : i32
      %dma_wait3A_285 = arith.constant 0 : i32
      %dma_wait3A_286 = tpu.memref_slice %arg2[%dma_wait3A_284, %dma_wait3A_285] : memref<10000x128xf32, #tpu.memory_space<hbm>> -> memref<64x128xf32, #tpu.memory_space<hbm>>
      %dma_wait3A_287 = arith.constant 0 : i32
      %dma_wait3A_288 = arith.constant 0 : i32
      %dma_wait3A_289 = tpu.memref_slice %arg9[%dma_wait3A_279, %dma_wait3A_287, %dma_wait3A_288] : memref<4x64x128xf32, #tpu.memory_space<vmem>> -> memref<1x64x128xf32, #tpu.memory_space<vmem>>
      %dma_wait3A_290 = tpu.memref_squeeze %dma_wait3A_289 : memref<1x64x128xf32, #tpu.memory_space<vmem>> -> memref<64x128xf32, #tpu.memory_space<vmem>>
      %dma_wait3A_291 = arith.constant 0 : i32
      %dma_wait3A_292 = arith.constant 0 : i32
      %dma_wait3A_293 = tpu.memref_slice %arg2[%dma_wait3A_291, %dma_wait3A_292] : memref<10000x128xf32, #tpu.memory_space<hbm>> -> memref<64x128xf32, #tpu.memory_space<hbm>>
      tpu.wait_dma2 semaphore(%arg11 : memref<!tpu.dma_semaphore, #tpu.memory_space<semaphore_mem>>) src(%dma_wait3A_293 : memref<64x128xf32, #tpu.memory_space<hbm>>) dst(%dma_wait3A_290 : memref<64x128xf32, #tpu.memory_space<vmem>>)
      %ge3A = arith.constant 1 : i32
      %ge3A_294 = arith.cmpi sge, %scan3A_272, %ge3A : i32
      %convert_element_type3A = arith.extui %ge3A_294 : i1 to i32
      %cond3A = arith.constant 0 : i32
      %cond3A_295 = arith.cmpi ne, %convert_element_type3A, %cond3A : i32
      scf.if %cond3A_295 {
        %dma_wait3A_385 = arith.constant 0 : i32
        %dma_wait3A_386 = arith.constant 0 : i32
        %dma_wait3A_387 = arith.constant 0 : i32
        %dma_wait3A_388 = tpu.memref_slice %arg9[%dma_wait3A_385, %dma_wait3A_386, %dma_wait3A_387] : memref<4x64x128xf32, #tpu.memory_space<vmem>> -> memref<1x64x128xf32, #tpu.memory_space<vmem>>
        %dma_wait3A_389 = tpu.memref_squeeze %dma_wait3A_388 : memref<1x64x128xf32, #tpu.memory_space<vmem>> -> memref<64x128xf32, #tpu.memory_space<vmem>>
        %dma_wait3A_390 = arith.constant 0 : i32
        %dma_wait3A_391 = arith.constant 0 : i32
        %dma_wait3A_392 = tpu.memref_slice %arg2[%dma_wait3A_390, %dma_wait3A_391] : memref<10000x128xf32, #tpu.memory_space<hbm>> -> memref<64x128xf32, #tpu.memory_space<hbm>>
        %dma_wait3A_393 = arith.constant 0 : i32
        %dma_wait3A_394 = arith.constant 0 : i32
        %dma_wait3A_395 = tpu.memref_slice %arg9[%dma_wait3A_385, %dma_wait3A_393, %dma_wait3A_394] : memref<4x64x128xf32, #tpu.memory_space<vmem>> -> memref<1x64x128xf32, #tpu.memory_space<vmem>>
        %dma_wait3A_396 = tpu.memref_squeeze %dma_wait3A_395 : memref<1x64x128xf32, #tpu.memory_space<vmem>> -> memref<64x128xf32, #tpu.memory_space<vmem>>
        %dma_wait3A_397 = arith.constant 0 : i32
        %dma_wait3A_398 = arith.constant 0 : i32
        %dma_wait3A_399 = tpu.memref_slice %arg2[%dma_wait3A_397, %dma_wait3A_398] : memref<10000x128xf32, #tpu.memory_space<hbm>> -> memref<64x128xf32, #tpu.memory_space<hbm>>
        tpu.wait_dma2 semaphore(%arg12 : memref<!tpu.dma_semaphore, #tpu.memory_space<semaphore_mem>>) src(%dma_wait3A_399 : memref<64x128xf32, #tpu.memory_space<hbm>>) dst(%dma_wait3A_396 : memref<64x128xf32, #tpu.memory_space<vmem>>)
      } else {
      }
      %eq3A = arith.constant 0 : i32
      %eq3A_296 = arith.cmpi eq, %rem3A_276, %eq3A : i32
      %ge3A_297 = arith.constant 1 : i32
      %ge3A_298 = arith.cmpi sge, %div3A_274, %ge3A_297 : i32
      %add3A_299 = arith.constant 1 : i32
      %add3A_300 = arith.addi %div3A_274, %add3A_299 : i32
      %lt3A = arith.constant 5 : i32
      %lt3A_301 = arith.cmpi slt, %add3A_300, %lt3A : i32
      %and3A_302 = arith.andi %ge3A_298, %lt3A_301 : i1
      %and3A_303 = arith.andi %eq3A_296, %and3A_302 : i1
      %convert_element_type3A_304 = arith.extui %and3A_303 : i1 to i32
      %cond3A_305 = arith.constant 0 : i32
      %cond3A_306 = arith.cmpi ne, %convert_element_type3A_304, %cond3A_305 : i32
      scf.if %cond3A_306 {
        %add3A_385 = arith.constant 1 : i32
        %add3A_386 = arith.addi %div3A_274, %add3A_385 : i32
        %sub3A = arith.constant 1 : i32
        %sub3A_387 = arith.subi %sub3A, %rem3A_278 : i32
        %dma_start3A_388 = arith.constant 0 : i32
        %dma_start3A_389 = arith.constant 0 : i32
        %dma_start3A_390 = tpu.memref_slice %arg6[%sub3A_387, %dma_start3A_388, %dma_start3A_389] : memref<2x32x64xi32, #tpu.memory_space<vmem>> -> memref<1x32x64xi32, #tpu.memory_space<vmem>>
        %dma_start3A_391 = tpu.memref_squeeze %dma_start3A_390 : memref<1x32x64xi32, #tpu.memory_space<vmem>> -> memref<32x64xi32, #tpu.memory_space<vmem>>
        %dma_start3A_392 = arith.constant 0 : i32
        %dma_start3A_393 = arith.constant 0 : i32
        %dma_start3A_394 = tpu.memref_slice %arg3[%add3A, %add3A_386, %dma_start3A_392, %dma_start3A_393] : memref<32x5x32x64xi32, #tpu.memory_space<hbm>> -> memref<1x1x32x64xi32, #tpu.memory_space<hbm>>
        %dma_start3A_395 = tpu.memref_squeeze %dma_start3A_394 : memref<1x1x32x64xi32, #tpu.memory_space<hbm>> -> memref<32x64xi32, #tpu.memory_space<hbm>>
        %dma_start3A_396 = arith.constant 0 : i32
        %dma_start3A_397 = arith.constant 0 : i32
        %dma_start3A_398 = tpu.memref_slice %arg6[%sub3A_387, %dma_start3A_396, %dma_start3A_397] : memref<2x32x64xi32, #tpu.memory_space<vmem>> -> memref<1x32x64xi32, #tpu.memory_space<vmem>>
        %dma_start3A_399 = tpu.memref_squeeze %dma_start3A_398 : memref<1x32x64xi32, #tpu.memory_space<vmem>> -> memref<32x64xi32, #tpu.memory_space<vmem>>
        %dma_start3A_400 = arith.constant 0 : i32
        %dma_start3A_401 = arith.constant 0 : i32
        %dma_start3A_402 = tpu.memref_slice %arg3[%add3A, %add3A_386, %dma_start3A_400, %dma_start3A_401] : memref<32x5x32x64xi32, #tpu.memory_space<hbm>> -> memref<1x1x32x64xi32, #tpu.memory_space<hbm>>
        %dma_start3A_403 = tpu.memref_squeeze %dma_start3A_402 : memref<1x1x32x64xi32, #tpu.memory_space<hbm>> -> memref<32x64xi32, #tpu.memory_space<hbm>>
        tpu.enqueue_dma source(%dma_start3A_403 : memref<32x64xi32, #tpu.memory_space<hbm>>) target(%dma_start3A_399 : memref<32x64xi32, #tpu.memory_space<vmem>>) target_semaphore(%arg13 : memref<!tpu.dma_semaphore, #tpu.memory_space<semaphore_mem>>)
      } else {
      }
      %eq3A_307 = arith.constant 29 : i32
      %eq3A_308 = arith.cmpi eq, %rem3A_276, %eq3A_307 : i32
      %add3A_309 = arith.constant 3 : i32
      %add3A_310 = arith.addi %scan3A_272, %add3A_309 : i32
      %lt3A_311 = arith.constant 160 : i32
      %lt3A_312 = arith.cmpi slt, %add3A_310, %lt3A_311 : i32
      %and3A_313 = arith.andi %eq3A_308, %lt3A_312 : i1
      %convert_element_type3A_314 = arith.extui %and3A_313 : i1 to i32
      %cond3A_315 = arith.constant 0 : i32
      %cond3A_316 = arith.cmpi ne, %convert_element_type3A_314, %cond3A_315 : i32
      scf.if %cond3A_316 {
        %dma_wait3A_385 = arith.constant 0 : i32
        %dma_wait3A_386 = arith.constant 0 : i32
        %dma_wait3A_387 = arith.constant 0 : i32
        %dma_wait3A_388 = arith.constant 0 : i32
        %dma_wait3A_389 = tpu.memref_slice %arg6[%dma_wait3A_386, %dma_wait3A_387, %dma_wait3A_388] : memref<2x32x64xi32, #tpu.memory_space<vmem>> -> memref<1x32x64xi32, #tpu.memory_space<vmem>>
        %dma_wait3A_390 = tpu.memref_squeeze %dma_wait3A_389 : memref<1x32x64xi32, #tpu.memory_space<vmem>> -> memref<32x64xi32, #tpu.memory_space<vmem>>
        %dma_wait3A_391 = arith.constant 0 : i32
        %dma_wait3A_392 = arith.constant 0 : i32
        %dma_wait3A_393 = tpu.memref_slice %arg3[%add3A, %dma_wait3A_385, %dma_wait3A_391, %dma_wait3A_392] : memref<32x5x32x64xi32, #tpu.memory_space<hbm>> -> memref<1x1x32x64xi32, #tpu.memory_space<hbm>>
        %dma_wait3A_394 = tpu.memref_squeeze %dma_wait3A_393 : memref<1x1x32x64xi32, #tpu.memory_space<hbm>> -> memref<32x64xi32, #tpu.memory_space<hbm>>
        %dma_wait3A_395 = arith.constant 0 : i32
        %dma_wait3A_396 = arith.constant 0 : i32
        %dma_wait3A_397 = tpu.memref_slice %arg6[%dma_wait3A_386, %dma_wait3A_395, %dma_wait3A_396] : memref<2x32x64xi32, #tpu.memory_space<vmem>> -> memref<1x32x64xi32, #tpu.memory_space<vmem>>
        %dma_wait3A_398 = tpu.memref_squeeze %dma_wait3A_397 : memref<1x32x64xi32, #tpu.memory_space<vmem>> -> memref<32x64xi32, #tpu.memory_space<vmem>>
        %dma_wait3A_399 = arith.constant 0 : i32
        %dma_wait3A_400 = arith.constant 0 : i32
        %dma_wait3A_401 = tpu.memref_slice %arg3[%add3A, %dma_wait3A_385, %dma_wait3A_399, %dma_wait3A_400] : memref<32x5x32x64xi32, #tpu.memory_space<hbm>> -> memref<1x1x32x64xi32, #tpu.memory_space<hbm>>
        %dma_wait3A_402 = tpu.memref_squeeze %dma_wait3A_401 : memref<1x1x32x64xi32, #tpu.memory_space<hbm>> -> memref<32x64xi32, #tpu.memory_space<hbm>>
        tpu.wait_dma2 semaphore(%arg13 : memref<!tpu.dma_semaphore, #tpu.memory_space<semaphore_mem>>) src(%dma_wait3A_402 : memref<32x64xi32, #tpu.memory_space<hbm>>) dst(%dma_wait3A_398 : memref<32x64xi32, #tpu.memory_space<vmem>>)
      } else {
      }
      %get3A_317 = arith.index_cast %rem3A_278 : i32 to index
      %get3A_318 = arith.index_cast %rem3A_276 : i32 to index
      %get3A_319 = arith.constant 0 : index
      %get3A_320 = tpu.vector_load %arg6[%get3A_317, %get3A_318, %get3A_319] {strides = array<i32>} : memref<2x32x64xi32, #tpu.memory_space<vmem>>, vector<1x1x16xi32>,
      %get3A_321 = vector.shape_cast %get3A_320 : vector<1x1x16xi32> to vector<16xi32>
      %shift_right_logical3A = arith.constant 14 : i32
      %shift_right_logical3A_322 = vector.broadcast %shift_right_logical3A : i32 to vector<16xi32>
      %shift_right_logical3A_323 = arith.shrui %get3A_321, %shift_right_logical3A_322 : vector<16xi32>
      %swap3A_324 = arith.index_cast %rem3A_273 : i32 to index
      %swap3A_325 = arith.constant 0 : index
      %swap3A_326 = tpu.vector_load %arg8[%swap3A_324, %swap3A_325] {strides = array<i32>} : memref<4x64xi32, #tpu.memory_space<vmem>>, vector<1x16xi32>,
      %swap3A_327 = vector.shape_cast %swap3A_326 : vector<1x16xi32> to vector<16xi32>
      %swap3A_328 = vector.shape_cast %shift_right_logical3A_323 : vector<16xi32> to vector<1x16xi32>
      tpu.vector_store %arg8[%swap3A_324, %swap3A_325], %swap3A_328 {strides = array<i32>} : memref<4x64xi32, #tpu.memory_space<vmem>>, vector<1x16xi32>,
      %get3A_329 = arith.index_cast %rem3A_278 : i32 to index
      %get3A_330 = arith.index_cast %rem3A_276 : i32 to index
      %get3A_331 = arith.constant 16 : index
      %get3A_332 = tpu.vector_load %arg6[%get3A_329, %get3A_330, %get3A_331] {strides = array<i32>} : memref<2x32x64xi32, #tpu.memory_space<vmem>>, vector<1x1x16xi32>,
      %get3A_333 = vector.shape_cast %get3A_332 : vector<1x1x16xi32> to vector<16xi32>
      %shift_right_logical3A_334 = arith.constant 14 : i32
      %shift_right_logical3A_335 = vector.broadcast %shift_right_logical3A_334 : i32 to vector<16xi32>
      %shift_right_logical3A_336 = arith.shrui %get3A_333, %shift_right_logical3A_335 : vector<16xi32>
      %swap3A_337 = arith.index_cast %rem3A_273 : i32 to index
      %swap3A_338 = arith.constant 16 : index
      %swap3A_339 = tpu.vector_load %arg8[%swap3A_337, %swap3A_338] {strides = array<i32>} : memref<4x64xi32, #tpu.memory_space<vmem>>, vector<1x16xi32>,
      %swap3A_340 = vector.shape_cast %swap3A_339 : vector<1x16xi32> to vector<16xi32>
      %swap3A_341 = vector.shape_cast %shift_right_logical3A_336 : vector<16xi32> to vector<1x16xi32>
      tpu.vector_store %arg8[%swap3A_337, %swap3A_338], %swap3A_341 {strides = array<i32>} : memref<4x64xi32, #tpu.memory_space<vmem>>, vector<1x16xi32>,
      %get3A_342 = arith.index_cast %rem3A_278 : i32 to index
      %get3A_343 = arith.index_cast %rem3A_276 : i32 to index
      %get3A_344 = arith.constant 32 : index
      %get3A_345 = tpu.vector_load %arg6[%get3A_342, %get3A_343, %get3A_344] {strides = array<i32>} : memref<2x32x64xi32, #tpu.memory_space<vmem>>, vector<1x1x16xi32>,
      %get3A_346 = vector.shape_cast %get3A_345 : vector<1x1x16xi32> to vector<16xi32>
      %shift_right_logical3A_347 = arith.constant 14 : i32
      %shift_right_logical3A_348 = vector.broadcast %shift_right_logical3A_347 : i32 to vector<16xi32>
      %shift_right_logical3A_349 = arith.shrui %get3A_346, %shift_right_logical3A_348 : vector<16xi32>
      %swap3A_350 = arith.index_cast %rem3A_273 : i32 to index
      %swap3A_351 = arith.constant 32 : index
      %swap3A_352 = tpu.vector_load %arg8[%swap3A_350, %swap3A_351] {strides = array<i32>} : memref<4x64xi32, #tpu.memory_space<vmem>>, vector<1x16xi32>,
      %swap3A_353 = vector.shape_cast %swap3A_352 : vector<1x16xi32> to vector<16xi32>
      %swap3A_354 = vector.shape_cast %shift_right_logical3A_349 : vector<16xi32> to vector<1x16xi32>
      tpu.vector_store %arg8[%swap3A_350, %swap3A_351], %swap3A_354 {strides = array<i32>} : memref<4x64xi32, #tpu.memory_space<vmem>>, vector<1x16xi32>,
      %get3A_355 = arith.index_cast %rem3A_278 : i32 to index
      %get3A_356 = arith.index_cast %rem3A_276 : i32 to index
      %get3A_357 = arith.constant 48 : index
      %get3A_358 = tpu.vector_load %arg6[%get3A_355, %get3A_356, %get3A_357] {strides = array<i32>} : memref<2x32x64xi32, #tpu.memory_space<vmem>>, vector<1x1x16xi32>,
      %get3A_359 = vector.shape_cast %get3A_358 : vector<1x1x16xi32> to vector<16xi32>
      %shift_right_logical3A_360 = arith.constant 14 : i32
      %shift_right_logical3A_361 = vector.broadcast %shift_right_logical3A_360 : i32 to vector<16xi32>
      %shift_right_logical3A_362 = arith.shrui %get3A_359, %shift_right_logical3A_361 : vector<16xi32>
      %swap3A_363 = arith.index_cast %rem3A_273 : i32 to index
      %swap3A_364 = arith.constant 48 : index
      %swap3A_365 = tpu.vector_load %arg8[%swap3A_363, %swap3A_364] {strides = array<i32>} : memref<4x64xi32, #tpu.memory_space<vmem>>, vector<1x16xi32>,
      %swap3A_366 = vector.shape_cast %swap3A_365 : vector<1x16xi32> to vector<16xi32>
      %swap3A_367 = vector.shape_cast %shift_right_logical3A_362 : vector<16xi32> to vector<1x16xi32>
      tpu.vector_store %arg8[%swap3A_363, %swap3A_364], %swap3A_367 {strides = array<i32>} : memref<4x64xi32, #tpu.memory_space<vmem>>, vector<1x16xi32>,
      %add3A_368 = arith.constant 3 : i32
      %add3A_369 = arith.addi %scan3A_272, %add3A_368 : i32
      %lt3A_370 = arith.constant 160 : i32
      %lt3A_371 = arith.cmpi slt, %add3A_369, %lt3A_370 : i32
      %convert_element_type3A_372 = arith.extui %lt3A_371 : i1 to i32
      %cond3A_373 = arith.constant 0 : i32
      %cond3A_374 = arith.cmpi ne, %convert_element_type3A_372, %cond3A_373 : i32
      scf.if %cond3A_374 {
        %add3A_385 = arith.constant 3 : i32
        %add3A_386 = arith.addi %scan3A_272, %add3A_385 : i32
        %div3A_387 = arith.constant 32 : i32
        %div3A_388 = arith.divsi %add3A_386, %div3A_387 : i32
        %rem3A_389 = arith.constant 2 : i32
        %rem3A_390 = arith.remsi %div3A_388, %rem3A_389 : i32
        %rem3A_391 = arith.constant 32 : i32
        %rem3A_392 = arith.remsi %add3A_386, %rem3A_391 : i32
        %rem3A_393 = arith.constant 4 : i32
        %rem3A_394 = arith.remsi %add3A_386, %rem3A_393 : i32
        %get3A_395 = arith.index_cast %rem3A_390 : i32 to index
        %get3A_396 = arith.index_cast %rem3A_392 : i32 to index
        %get3A_397 = arith.constant 0 : index
        %get3A_398 = tpu.vector_load %arg6[%get3A_395, %get3A_396, %get3A_397] {strides = array<i32>} : memref<2x32x64xi32, #tpu.memory_space<vmem>>, vector<1x1x16xi32>,
        %get3A_399 = vector.shape_cast %get3A_398 : vector<1x1x16xi32> to vector<16xi32>
        %and3A_400 = arith.constant 16383 : i32
        %and3A_401 = vector.broadcast %and3A_400 : i32 to vector<16xi32>
        %and3A_402 = arith.andi %get3A_399, %and3A_401 : vector<16xi32>
        %swap3A_403 = arith.index_cast %rem3A_394 : i32 to index
        %swap3A_404 = arith.constant 0 : index
        %swap3A_405 = tpu.vector_load %arg7[%swap3A_403, %swap3A_404] {strides = array<i32>} : memref<4x64xi32, #tpu.memory_space<vmem>>, vector<1x16xi32>,
        %swap3A_406 = vector.shape_cast %swap3A_405 : vector<1x16xi32> to vector<16xi32>
        %swap3A_407 = vector.shape_cast %and3A_402 : vector<16xi32> to vector<1x16xi32>
        tpu.vector_store %arg7[%swap3A_403, %swap3A_404], %swap3A_407 {strides = array<i32>} : memref<4x64xi32, #tpu.memory_space<vmem>>, vector<1x16xi32>,
        %get3A_408 = arith.index_cast %rem3A_390 : i32 to index
        %get3A_409 = arith.index_cast %rem3A_392 : i32 to index
        %get3A_410 = arith.constant 16 : index
        %get3A_411 = tpu.vector_load %arg6[%get3A_408, %get3A_409, %get3A_410] {strides = array<i32>} : memref<2x32x64xi32, #tpu.memory_space<vmem>>, vector<1x1x16xi32>,
        %get3A_412 = vector.shape_cast %get3A_411 : vector<1x1x16xi32> to vector<16xi32>
        %and3A_413 = arith.constant 16383 : i32
        %and3A_414 = vector.broadcast %and3A_413 : i32 to vector<16xi32>
        %and3A_415 = arith.andi %get3A_412, %and3A_414 : vector<16xi32>
        %swap3A_416 = arith.index_cast %rem3A_394 : i32 to index
        %swap3A_417 = arith.constant 16 : index
        %swap3A_418 = tpu.vector_load %arg7[%swap3A_416, %swap3A_417] {strides = array<i32>} : memref<4x64xi32, #tpu.memory_space<vmem>>, vector<1x16xi32>,
        %swap3A_419 = vector.shape_cast %swap3A_418 : vector<1x16xi32> to vector<16xi32>
        %swap3A_420 = vector.shape_cast %and3A_415 : vector<16xi32> to vector<1x16xi32>
        tpu.vector_store %arg7[%swap3A_416, %swap3A_417], %swap3A_420 {strides = array<i32>} : memref<4x64xi32, #tpu.memory_space<vmem>>, vector<1x16xi32>,
        %get3A_421 = arith.index_cast %rem3A_390 : i32 to index
        %get3A_422 = arith.index_cast %rem3A_392 : i32 to index
        %get3A_423 = arith.constant 32 : index
        %get3A_424 = tpu.vector_load %arg6[%get3A_421, %get3A_422, %get3A_423] {strides = array<i32>} : memref<2x32x64xi32, #tpu.memory_space<vmem>>, vector<1x1x16xi32>,
        %get3A_425 = vector.shape_cast %get3A_424 : vector<1x1x16xi32> to vector<16xi32>
        %and3A_426 = arith.constant 16383 : i32
        %and3A_427 = vector.broadcast %and3A_426 : i32 to vector<16xi32>
        %and3A_428 = arith.andi %get3A_425, %and3A_427 : vector<16xi32>
        %swap3A_429 = arith.index_cast %rem3A_394 : i32 to index
        %swap3A_430 = arith.constant 32 : index
        %swap3A_431 = tpu.vector_load %arg7[%swap3A_429, %swap3A_430] {strides = array<i32>} : memref<4x64xi32, #tpu.memory_space<vmem>>, vector<1x16xi32>,
        %swap3A_432 = vector.shape_cast %swap3A_431 : vector<1x16xi32> to vector<16xi32>
        %swap3A_433 = vector.shape_cast %and3A_428 : vector<16xi32> to vector<1x16xi32>
        tpu.vector_store %arg7[%swap3A_429, %swap3A_430], %swap3A_433 {strides = array<i32>} : memref<4x64xi32, #tpu.memory_space<vmem>>, vector<1x16xi32>,
        %get3A_434 = arith.index_cast %rem3A_390 : i32 to index
        %get3A_435 = arith.index_cast %rem3A_392 : i32 to index
        %get3A_436 = arith.constant 48 : index
        %get3A_437 = tpu.vector_load %arg6[%get3A_434, %get3A_435, %get3A_436] {strides = array<i32>} : memref<2x32x64xi32, #tpu.memory_space<vmem>>, vector<1x1x16xi32>,
        %get3A_438 = vector.shape_cast %get3A_437 : vector<1x1x16xi32> to vector<16xi32>
        %and3A_439 = arith.constant 16383 : i32
        %and3A_440 = vector.broadcast %and3A_439 : i32 to vector<16xi32>
        %and3A_441 = arith.andi %get3A_438, %and3A_440 : vector<16xi32>
        %swap3A_442 = arith.index_cast %rem3A_394 : i32 to index
        %swap3A_443 = arith.constant 48 : index
        %swap3A_444 = tpu.vector_load %arg7[%swap3A_442, %swap3A_443] {strides = array<i32>} : memref<4x64xi32, #tpu.memory_space<vmem>>, vector<1x16xi32>,
        %swap3A_445 = vector.shape_cast %swap3A_444 : vector<1x16xi32> to vector<16xi32>
        %swap3A_446 = vector.shape_cast %and3A_441 : vector<16xi32> to vector<1x16xi32>
        tpu.vector_store %arg7[%swap3A_442, %swap3A_443], %swap3A_446 {strides = array<i32>} : memref<4x64xi32, #tpu.memory_space<vmem>>, vector<1x16xi32>,
        %rem3A_447 = arith.constant 4 : i32
        %rem3A_448 = arith.remsi %add3A_386, %rem3A_447 : i32
        %rem3A_449 = arith.constant 4 : i32
        %rem3A_450 = arith.remsi %add3A_386, %rem3A_449 : i32
        %dma_start3A_451 = arith.constant 0 : i32
        %dma_start3A_452 = arith.constant 0 : i32
        %dma_start3A_453 = tpu.memref_slice %arg9[%rem3A_450, %dma_start3A_451, %dma_start3A_452] : memref<4x64x128xf32, #tpu.memory_space<vmem>> -> memref<1x64x128xf32, #tpu.memory_space<vmem>>
        %dma_start3A_454 = tpu.memref_squeeze %dma_start3A_453 : memref<1x64x128xf32, #tpu.memory_space<vmem>> -> memref<64x128xf32, #tpu.memory_space<vmem>>
        %dma_start3A_455 = arith.constant 0 : i32
        %dma_start3A_456 = tpu.memref_slice %arg7[%rem3A_448, %dma_start3A_455] : memref<4x64xi32, #tpu.memory_space<vmem>> -> memref<1x64xi32, #tpu.memory_space<vmem>>
        %dma_start3A_457 = tpu.memref_squeeze %dma_start3A_456 : memref<1x64xi32, #tpu.memory_space<vmem>> -> memref<64xi32, #tpu.memory_space<vmem>>
        %dma_start3A_458 = arith.constant 0 : i32
        %dma_start3A_459 = arith.constant 0 : i32
        %dma_start3A_460 = tpu.memref_slice %arg2[%dma_start3A_458, %dma_start3A_459] : memref<10000x128xf32, #tpu.memory_space<hbm>> -> memref<10000x128xf32, #tpu.memory_space<hbm>>
        tpu.enqueue_indirect_dma source(%dma_start3A_460 : memref<10000x128xf32, #tpu.memory_space<hbm>>) target(%dma_start3A_454 : memref<64x128xf32, #tpu.memory_space<vmem>>) offsets(%dma_start3A_457 : memref<64xi32, #tpu.memory_space<vmem>>) semaphore(%arg11 : memref<!tpu.dma_semaphore, #tpu.memory_space<semaphore_mem>>)
      } else {
      }
      %dma_start3A_375 = arith.constant 0 : i32
      %dma_start3A_376 = arith.constant 0 : i32
      %dma_start3A_377 = tpu.memref_slice %arg9[%rem3A_273, %dma_start3A_375, %dma_start3A_376] : memref<4x64x128xf32, #tpu.memory_space<vmem>> -> memref<1x64x128xf32, #tpu.memory_space<vmem>>
      %dma_start3A_378 = tpu.memref_squeeze %dma_start3A_377 : memref<1x64x128xf32, #tpu.memory_space<vmem>> -> memref<64x128xf32, #tpu.memory_space<vmem>>
      %dma_start3A_379 = arith.constant 0 : i32
      %dma_start3A_380 = tpu.memref_slice %arg8[%rem3A_273, %dma_start3A_379] : memref<4x64xi32, #tpu.memory_space<vmem>> -> memref<1x64xi32, #tpu.memory_space<vmem>>
      %dma_start3A_381 = tpu.memref_squeeze %dma_start3A_380 : memref<1x64xi32, #tpu.memory_space<vmem>> -> memref<64xi32, #tpu.memory_space<vmem>>
      %dma_start3A_382 = arith.constant 0 : i32
      %dma_start3A_383 = arith.constant 0 : i32
      %dma_start3A_384 = tpu.memref_slice %arg10[%dma_start3A_382, %dma_start3A_383] : memref<10112x128xf32, #tpu.memory_space<vmem_shared>> -> memref<10112x128xf32, #tpu.memory_space<vmem_shared>>
      tpu.enqueue_indirect_dma source(%dma_start3A_378 : memref<64x128xf32, #tpu.memory_space<vmem>>) target(%dma_start3A_384 : memref<10112x128xf32, #tpu.memory_space<vmem_shared>>) offsets(%dma_start3A_381 : memref<64xi32, #tpu.memory_space<vmem>>) semaphore(%arg12 : memref<!tpu.dma_semaphore, #tpu.memory_space<semaphore_mem>>) {add = true}
    }
    %scan3A_252 = arith.constant 160 : i32
    %dma_wait3A = arith.constant 0 : i32
    %dma_wait3A_253 = arith.constant 0 : i32
    %dma_wait3A_254 = arith.constant 0 : i32
    %dma_wait3A_255 = tpu.memref_slice %arg9[%dma_wait3A, %dma_wait3A_253, %dma_wait3A_254] : memref<4x64x128xf32, #tpu.memory_space<vmem>> -> memref<1x64x128xf32, #tpu.memory_space<vmem>>
    %dma_wait3A_256 = tpu.memref_squeeze %dma_wait3A_255 : memref<1x64x128xf32, #tpu.memory_space<vmem>> -> memref<64x128xf32, #tpu.memory_space<vmem>>
    %dma_wait3A_257 = arith.constant 0 : i32
    %dma_wait3A_258 = arith.constant 0 : i32
    %dma_wait3A_259 = tpu.memref_slice %arg2[%dma_wait3A_257, %dma_wait3A_258] : memref<10000x128xf32, #tpu.memory_space<hbm>> -> memref<64x128xf32, #tpu.memory_space<hbm>>
    %dma_wait3A_260 = arith.constant 0 : i32
    %dma_wait3A_261 = arith.constant 0 : i32
    %dma_wait3A_262 = tpu.memref_slice %arg9[%dma_wait3A, %dma_wait3A_260, %dma_wait3A_261] : memref<4x64x128xf32, #tpu.memory_space<vmem>> -> memref<1x64x128xf32, #tpu.memory_space<vmem>>
    %dma_wait3A_263 = tpu.memref_squeeze %dma_wait3A_262 : memref<1x64x128xf32, #tpu.memory_space<vmem>> -> memref<64x128xf32, #tpu.memory_space<vmem>>
    %dma_wait3A_264 = arith.constant 0 : i32
    %dma_wait3A_265 = arith.constant 0 : i32
    %dma_wait3A_266 = tpu.memref_slice %arg2[%dma_wait3A_264, %dma_wait3A_265] : memref<10000x128xf32, #tpu.memory_space<hbm>> -> memref<64x128xf32, #tpu.memory_space<hbm>>
    tpu.wait_dma2 semaphore(%arg12 : memref<!tpu.dma_semaphore, #tpu.memory_space<semaphore_mem>>) src(%dma_wait3A_266 : memref<64x128xf32, #tpu.memory_space<hbm>>) dst(%dma_wait3A_263 : memref<64x128xf32, #tpu.memory_space<vmem>>)
    %barrier3A_267 = arith.constant 0 : index
    tpu.barrier barrier_id(%barrier3A_267)
    %mul3A_268 = arith.constant 632 : i32
    %mul3A_269 = arith.muli %arg1, %mul3A_268 : i32
    %mul3A_270 = arith.constant 632 : i32
    %mul3A_271 = arith.muli %arg1, %mul3A_270 : i32
    "tpu.region"() ({
      %run_scoped3A_272 = tpu.sem_alloc : memref<!tpu.dma_semaphore, #tpu.memory_space<semaphore_mem>>
      %dma_start3A_273 = arith.constant 0 : i32
      %dma_start3A_274 = tpu.memref_slice %arg5[%arg0, %mul3A_271, %dma_start3A_273] : memref<2x10112x128xf32, #tpu.memory_space<hbm>> -> memref<1x632x128xf32, #tpu.memory_space<hbm>>
      %dma_start3A_275 = tpu.memref_squeeze %dma_start3A_274 : memref<1x632x128xf32, #tpu.memory_space<hbm>> -> memref<632x128xf32, #tpu.memory_space<hbm>>
      %dma_start3A_276 = arith.constant 0 : i32
      %dma_start3A_277 = tpu.memref_slice %arg10[%mul3A_269, %dma_start3A_276] : memref<10112x128xf32, #tpu.memory_space<vmem_shared>> -> memref<632x128xf32, #tpu.memory_space<vmem_shared>>
      tpu.enqueue_dma source(%dma_start3A_277 : memref<632x128xf32, #tpu.memory_space<vmem_shared>>) target(%dma_start3A_275 : memref<632x128xf32, #tpu.memory_space<hbm>>) target_semaphore(%run_scoped3A_272 : memref<!tpu.dma_semaphore, #tpu.memory_space<semaphore_mem>>)
      %dma_wait3A_278 = arith.constant 0 : i32
      %dma_wait3A_279 = tpu.memref_slice %arg5[%arg0, %mul3A_271, %dma_wait3A_278] : memref<2x10112x128xf32, #tpu.memory_space<hbm>> -> memref<1x632x128xf32, #tpu.memory_space<hbm>>
      %dma_wait3A_280 = tpu.memref_squeeze %dma_wait3A_279 : memref<1x632x128xf32, #tpu.memory_space<hbm>> -> memref<632x128xf32, #tpu.memory_space<hbm>>
      %dma_wait3A_281 = arith.constant 0 : i32
      %dma_wait3A_282 = tpu.memref_slice %arg10[%mul3A_269, %dma_wait3A_281] : memref<10112x128xf32, #tpu.memory_space<vmem_shared>> -> memref<632x128xf32, #tpu.memory_space<vmem_shared>>
      tpu.wait_dma2 semaphore(%run_scoped3A_272 : memref<!tpu.dma_semaphore, #tpu.memory_space<semaphore_mem>>) src(%dma_wait3A_282 : memref<632x128xf32, #tpu.memory_space<vmem_shared>>) dst(%dma_wait3A_280 : memref<632x128xf32, #tpu.memory_space<hbm>>)
      tpu.yield
    }) : () -> ()
    return
  }
}

#map = affine_map<(d0, d1) -> (0, 0)>
#map1 = affine_map<(d0, d1) -> (0, 0, 0)>
module attributes {stable_mosaic.version = 14 : i64} {
  func.func @_deg_sc(%arg0: i32, %arg1: i32, %arg2: memref<64x128xf32, #tpu.memory_space<hbm>>, %arg3: memref<32x160x64xi32, #tpu.memory_space<hbm>>, %arg4: memref<10112x128xf32, #tpu.memory_space<hbm>>, %arg5: memref<2x10112x128xf32, #tpu.memory_space<hbm>>, %arg6: memref<160x64xi32, #tpu.memory_space<vmem>>, %arg7: memref<64x128xf32, #tpu.memory_space<vmem>>, %arg8: memref<10112x128xf32, #tpu.memory_space<vmem_shared>>, %arg9: memref<!tpu.dma_semaphore, #tpu.memory_space<semaphore_mem>>) attributes {dimension_semantics = [#tpu.dimension_semantics<core_parallel>, #tpu.dimension_semantics<subcore_parallel>], iteration_bounds = array<i64: 2, 16>, scalar_prefetch = 0 : i64, scratch_operands = 4 : i64, tpu.core_type = #tpu.core_type<sc_vector_subcore>, window_params = [{transform_indices = #map}, {transform_indices = #map1}, {transform_indices = #map}, {transform_indices = #map1}]} {
    %mul3A = arith.constant 2 : i32
    %mul3A_0 = arith.muli %arg1, %mul3A : i32
    %add3A = arith.addi %mul3A_0, %arg0 : i32
    %mul3A_1 = arith.constant 632 : i32
    %mul3A_2 = arith.muli %arg1, %mul3A_1 : i32
    %mul3A_3 = arith.constant 632 : i32
    %mul3A_4 = arith.muli %arg1, %mul3A_3 : i32
    "tpu.region"() ({
      %run_scoped3A = tpu.sem_alloc : memref<!tpu.dma_semaphore, #tpu.memory_space<semaphore_mem>>
      %dma_start3A = arith.constant 0 : i32
      %dma_start3A_15 = tpu.memref_slice %arg8[%mul3A_4, %dma_start3A] : memref<10112x128xf32, #tpu.memory_space<vmem_shared>> -> memref<632x128xf32, #tpu.memory_space<vmem_shared>>
      %dma_start3A_16 = arith.constant 0 : i32
      %dma_start3A_17 = tpu.memref_slice %arg4[%mul3A_2, %dma_start3A_16] : memref<10112x128xf32, #tpu.memory_space<hbm>> -> memref<632x128xf32, #tpu.memory_space<hbm>>
      tpu.enqueue_dma source(%dma_start3A_17 : memref<632x128xf32, #tpu.memory_space<hbm>>) target(%dma_start3A_15 : memref<632x128xf32, #tpu.memory_space<vmem_shared>>) target_semaphore(%run_scoped3A : memref<!tpu.dma_semaphore, #tpu.memory_space<semaphore_mem>>)
      %dma_wait3A = arith.constant 0 : i32
      %dma_wait3A_18 = tpu.memref_slice %arg8[%mul3A_4, %dma_wait3A] : memref<10112x128xf32, #tpu.memory_space<vmem_shared>> -> memref<632x128xf32, #tpu.memory_space<vmem_shared>>
      %dma_wait3A_19 = arith.constant 0 : i32
      %dma_wait3A_20 = tpu.memref_slice %arg4[%mul3A_2, %dma_wait3A_19] : memref<10112x128xf32, #tpu.memory_space<hbm>> -> memref<632x128xf32, #tpu.memory_space<hbm>>
      tpu.wait_dma2 semaphore(%run_scoped3A : memref<!tpu.dma_semaphore, #tpu.memory_space<semaphore_mem>>) src(%dma_wait3A_20 : memref<632x128xf32, #tpu.memory_space<hbm>>) dst(%dma_wait3A_18 : memref<632x128xf32, #tpu.memory_space<vmem_shared>>)
      tpu.yield
    }) : () -> ()
    "tpu.region"() ({
      %run_scoped3A = tpu.sem_alloc : memref<!tpu.dma_semaphore, #tpu.memory_space<semaphore_mem>>
      %dma_start3A = arith.constant 0 : i32
      %dma_start3A_15 = arith.constant 0 : i32
      %dma_start3A_16 = tpu.memref_slice %arg3[%add3A, %dma_start3A, %dma_start3A_15] : memref<32x160x64xi32, #tpu.memory_space<hbm>> -> memref<1x160x64xi32, #tpu.memory_space<hbm>>
      %dma_start3A_17 = tpu.memref_squeeze %dma_start3A_16 : memref<1x160x64xi32, #tpu.memory_space<hbm>> -> memref<160x64xi32, #tpu.memory_space<hbm>>
      %dma_start3A_18 = arith.constant 0 : i32
      %dma_start3A_19 = arith.constant 0 : i32
      %dma_start3A_20 = tpu.memref_slice %arg3[%add3A, %dma_start3A_18, %dma_start3A_19] : memref<32x160x64xi32, #tpu.memory_space<hbm>> -> memref<1x160x64xi32, #tpu.memory_space<hbm>>
      %dma_start3A_21 = tpu.memref_squeeze %dma_start3A_20 : memref<1x160x64xi32, #tpu.memory_space<hbm>> -> memref<160x64xi32, #tpu.memory_space<hbm>>
      tpu.enqueue_dma source(%dma_start3A_21 : memref<160x64xi32, #tpu.memory_space<hbm>>) target(%arg6 : memref<160x64xi32, #tpu.memory_space<vmem>>) target_semaphore(%run_scoped3A : memref<!tpu.dma_semaphore, #tpu.memory_space<semaphore_mem>>)
      %dma_wait3A = arith.constant 0 : i32
      %dma_wait3A_22 = arith.constant 0 : i32
      %dma_wait3A_23 = tpu.memref_slice %arg3[%add3A, %dma_wait3A, %dma_wait3A_22] : memref<32x160x64xi32, #tpu.memory_space<hbm>> -> memref<1x160x64xi32, #tpu.memory_space<hbm>>
      %dma_wait3A_24 = tpu.memref_squeeze %dma_wait3A_23 : memref<1x160x64xi32, #tpu.memory_space<hbm>> -> memref<160x64xi32, #tpu.memory_space<hbm>>
      %dma_wait3A_25 = arith.constant 0 : i32
      %dma_wait3A_26 = arith.constant 0 : i32
      %dma_wait3A_27 = tpu.memref_slice %arg3[%add3A, %dma_wait3A_25, %dma_wait3A_26] : memref<32x160x64xi32, #tpu.memory_space<hbm>> -> memref<1x160x64xi32, #tpu.memory_space<hbm>>
      %dma_wait3A_28 = tpu.memref_squeeze %dma_wait3A_27 : memref<1x160x64xi32, #tpu.memory_space<hbm>> -> memref<160x64xi32, #tpu.memory_space<hbm>>
      tpu.wait_dma2 semaphore(%run_scoped3A : memref<!tpu.dma_semaphore, #tpu.memory_space<semaphore_mem>>) src(%dma_wait3A_28 : memref<160x64xi32, #tpu.memory_space<hbm>>) dst(%arg6 : memref<160x64xi32, #tpu.memory_space<vmem>>)
      tpu.yield
    }) : () -> ()
    "tpu.region"() ({
      %run_scoped3A = tpu.sem_alloc : memref<!tpu.dma_semaphore, #tpu.memory_space<semaphore_mem>>
      tpu.enqueue_dma source(%arg2 : memref<64x128xf32, #tpu.memory_space<hbm>>) target(%arg7 : memref<64x128xf32, #tpu.memory_space<vmem>>) target_semaphore(%run_scoped3A : memref<!tpu.dma_semaphore, #tpu.memory_space<semaphore_mem>>)
      tpu.wait_dma2 semaphore(%run_scoped3A : memref<!tpu.dma_semaphore, #tpu.memory_space<semaphore_mem>>) src(%arg2 : memref<64x128xf32, #tpu.memory_space<hbm>>) dst(%arg7 : memref<64x128xf32, #tpu.memory_space<vmem>>)
      tpu.yield
    }) : () -> ()
    %barrier3A = arith.constant 0 : index
    tpu.barrier barrier_id(%barrier3A)
    %scan3A = arith.constant 0 : i32
    %scan3A_5 = arith.constant 0 : i32
    %scan3A_6 = arith.constant 160 : i32
    %scan3A_7 = arith.addi %scan3A_5, %scan3A_6 : i32
    %scan3A_8 = arith.constant 1 : i32
    scf.for %scan3A_15 = %scan3A_5 to %scan3A_7 step %scan3A_8  : i32 {
      %ge3A = arith.constant 2 : i32
      %ge3A_16 = arith.cmpi sge, %scan3A_15, %ge3A : i32
      %convert_element_type3A = arith.extui %ge3A_16 : i1 to i32
      %cond3A = arith.constant 0 : i32
      %cond3A_17 = arith.cmpi ne, %convert_element_type3A, %cond3A : i32
      scf.if %cond3A_17 {
        tpu.wait_dma2 semaphore(%arg9 : memref<!tpu.dma_semaphore, #tpu.memory_space<semaphore_mem>>) src(%arg2 : memref<64x128xf32, #tpu.memory_space<hbm>>) dst(%arg7 : memref<64x128xf32, #tpu.memory_space<vmem>>)
      } else {
      }
      %dma_start3A = arith.constant 0 : i32
      %dma_start3A_18 = tpu.memref_slice %arg6[%scan3A_15, %dma_start3A] : memref<160x64xi32, #tpu.memory_space<vmem>> -> memref<1x64xi32, #tpu.memory_space<vmem>>
      %dma_start3A_19 = tpu.memref_squeeze %dma_start3A_18 : memref<1x64xi32, #tpu.memory_space<vmem>> -> memref<64xi32, #tpu.memory_space<vmem>>
      %dma_start3A_20 = arith.constant 0 : i32
      %dma_start3A_21 = arith.constant 0 : i32
      %dma_start3A_22 = tpu.memref_slice %arg8[%dma_start3A_20, %dma_start3A_21] : memref<10112x128xf32, #tpu.memory_space<vmem_shared>> -> memref<10112x128xf32, #tpu.memory_space<vmem_shared>>
      tpu.enqueue_indirect_dma source(%arg7 : memref<64x128xf32, #tpu.memory_space<vmem>>) target(%dma_start3A_22 : memref<10112x128xf32, #tpu.memory_space<vmem_shared>>) offsets(%dma_start3A_19 : memref<64xi32, #tpu.memory_space<vmem>>) semaphore(%arg9 : memref<!tpu.dma_semaphore, #tpu.memory_space<semaphore_mem>>) {add = true}
    }
    %scan3A_9 = arith.constant 160 : i32
    tpu.wait_dma2 semaphore(%arg9 : memref<!tpu.dma_semaphore, #tpu.memory_space<semaphore_mem>>) src(%arg2 : memref<64x128xf32, #tpu.memory_space<hbm>>) dst(%arg7 : memref<64x128xf32, #tpu.memory_space<vmem>>)
    tpu.wait_dma2 semaphore(%arg9 : memref<!tpu.dma_semaphore, #tpu.memory_space<semaphore_mem>>) src(%arg2 : memref<64x128xf32, #tpu.memory_space<hbm>>) dst(%arg7 : memref<64x128xf32, #tpu.memory_space<vmem>>)
    %barrier3A_10 = arith.constant 0 : index
    tpu.barrier barrier_id(%barrier3A_10)
    %mul3A_11 = arith.constant 632 : i32
    %mul3A_12 = arith.muli %arg1, %mul3A_11 : i32
    %mul3A_13 = arith.constant 632 : i32
    %mul3A_14 = arith.muli %arg1, %mul3A_13 : i32
    "tpu.region"() ({
      %run_scoped3A = tpu.sem_alloc : memref<!tpu.dma_semaphore, #tpu.memory_space<semaphore_mem>>
      %dma_start3A = arith.constant 0 : i32
      %dma_start3A_15 = tpu.memref_slice %arg5[%arg0, %mul3A_14, %dma_start3A] : memref<2x10112x128xf32, #tpu.memory_space<hbm>> -> memref<1x632x128xf32, #tpu.memory_space<hbm>>
      %dma_start3A_16 = tpu.memref_squeeze %dma_start3A_15 : memref<1x632x128xf32, #tpu.memory_space<hbm>> -> memref<632x128xf32, #tpu.memory_space<hbm>>
      %dma_start3A_17 = arith.constant 0 : i32
      %dma_start3A_18 = tpu.memref_slice %arg8[%mul3A_12, %dma_start3A_17] : memref<10112x128xf32, #tpu.memory_space<vmem_shared>> -> memref<632x128xf32, #tpu.memory_space<vmem_shared>>
      tpu.enqueue_dma source(%dma_start3A_18 : memref<632x128xf32, #tpu.memory_space<vmem_shared>>) target(%dma_start3A_16 : memref<632x128xf32, #tpu.memory_space<hbm>>) target_semaphore(%run_scoped3A : memref<!tpu.dma_semaphore, #tpu.memory_space<semaphore_mem>>)
      %dma_wait3A = arith.constant 0 : i32
      %dma_wait3A_19 = tpu.memref_slice %arg5[%arg0, %mul3A_14, %dma_wait3A] : memref<2x10112x128xf32, #tpu.memory_space<hbm>> -> memref<1x632x128xf32, #tpu.memory_space<hbm>>
      %dma_wait3A_20 = tpu.memref_squeeze %dma_wait3A_19 : memref<1x632x128xf32, #tpu.memory_space<hbm>> -> memref<632x128xf32, #tpu.memory_space<hbm>>
      %dma_wait3A_21 = arith.constant 0 : i32
      %dma_wait3A_22 = tpu.memref_slice %arg8[%mul3A_12, %dma_wait3A_21] : memref<10112x128xf32, #tpu.memory_space<vmem_shared>> -> memref<632x128xf32, #tpu.memory_space<vmem_shared>>
      tpu.wait_dma2 semaphore(%run_scoped3A : memref<!tpu.dma_semaphore, #tpu.memory_space<semaphore_mem>>) src(%dma_wait3A_22 : memref<632x128xf32, #tpu.memory_space<vmem_shared>>) dst(%dma_wait3A_20 : memref<632x128xf32, #tpu.memory_space<hbm>>)
      tpu.yield
    }) : () -> ()
    return
  }
}

#map = affine_map<(d0, d1) -> (0, 0)>
#map1 = affine_map<(d0, d1) -> (0, 0, 0, 0)>
#map2 = affine_map<(d0, d1) -> (0, 0, 0)>
module attributes {stable_mosaic.version = 14 : i64} {
  func.func @_segsum_sc(%arg0: i32, %arg1: i32, %arg2: memref<10000x128xf32, #tpu.memory_space<hbm>>, %arg3: memref<32x5x32x64xi32, #tpu.memory_space<hbm>>, %arg4: memref<10112x128xf32, #tpu.memory_space<hbm>>, %arg5: memref<2x10112x128xf32, #tpu.memory_space<hbm>>, %arg6: memref<2x32x64xi32, #tpu.memory_space<vmem>>, %arg7: memref<4x64xi32, #tpu.memory_space<vmem>>, %arg8: memref<4x64xi32, #tpu.memory_space<vmem>>, %arg9: memref<4x64x128xf32, #tpu.memory_space<vmem>>, %arg10: memref<10112x128xf32, #tpu.memory_space<vmem_shared>>, %arg11: memref<!tpu.dma_semaphore, #tpu.memory_space<semaphore_mem>>, %arg12: memref<!tpu.dma_semaphore, #tpu.memory_space<semaphore_mem>>, %arg13: memref<!tpu.dma_semaphore, #tpu.memory_space<semaphore_mem>>) attributes {dimension_semantics = [#tpu.dimension_semantics<core_parallel>, #tpu.dimension_semantics<subcore_parallel>], iteration_bounds = array<i64: 2, 16>, scalar_prefetch = 0 : i64, scratch_operands = 8 : i64, tpu.core_type = #tpu.core_type<sc_vector_subcore>, window_params = [{transform_indices = #map}, {transform_indices = #map1}, {transform_indices = #map}, {transform_indices = #map2}]} {
    %mul3A = arith.constant 2 : i32
    %mul3A_0 = arith.muli %arg1, %mul3A : i32
    %add3A = arith.addi %mul3A_0, %arg0 : i32
    %mul3A_1 = arith.constant 632 : i32
    %mul3A_2 = arith.muli %arg1, %mul3A_1 : i32
    %mul3A_3 = arith.constant 632 : i32
    %mul3A_4 = arith.muli %arg1, %mul3A_3 : i32
    "tpu.region"() ({
      %run_scoped3A_272 = tpu.sem_alloc : memref<!tpu.dma_semaphore, #tpu.memory_space<semaphore_mem>>
      %dma_start3A_273 = arith.constant 0 : i32
      %dma_start3A_274 = tpu.memref_slice %arg10[%mul3A_4, %dma_start3A_273] : memref<10112x128xf32, #tpu.memory_space<vmem_shared>> -> memref<632x128xf32, #tpu.memory_space<vmem_shared>>
      %dma_start3A_275 = arith.constant 0 : i32
      %dma_start3A_276 = tpu.memref_slice %arg4[%mul3A_2, %dma_start3A_275] : memref<10112x128xf32, #tpu.memory_space<hbm>> -> memref<632x128xf32, #tpu.memory_space<hbm>>
      tpu.enqueue_dma source(%dma_start3A_276 : memref<632x128xf32, #tpu.memory_space<hbm>>) target(%dma_start3A_274 : memref<632x128xf32, #tpu.memory_space<vmem_shared>>) target_semaphore(%run_scoped3A_272 : memref<!tpu.dma_semaphore, #tpu.memory_space<semaphore_mem>>)
      %dma_wait3A_277 = arith.constant 0 : i32
      %dma_wait3A_278 = tpu.memref_slice %arg10[%mul3A_4, %dma_wait3A_277] : memref<10112x128xf32, #tpu.memory_space<vmem_shared>> -> memref<632x128xf32, #tpu.memory_space<vmem_shared>>
      %dma_wait3A_279 = arith.constant 0 : i32
      %dma_wait3A_280 = tpu.memref_slice %arg4[%mul3A_2, %dma_wait3A_279] : memref<10112x128xf32, #tpu.memory_space<hbm>> -> memref<632x128xf32, #tpu.memory_space<hbm>>
      tpu.wait_dma2 semaphore(%run_scoped3A_272 : memref<!tpu.dma_semaphore, #tpu.memory_space<semaphore_mem>>) src(%dma_wait3A_280 : memref<632x128xf32, #tpu.memory_space<hbm>>) dst(%dma_wait3A_278 : memref<632x128xf32, #tpu.memory_space<vmem_shared>>)
      tpu.yield
    }) : () -> ()
    %run_scoped3A = arith.constant 0 : i32
    %run_scoped3A_5 = arith.constant 0 : i32
    "tpu.region"() ({
      %run_scoped3A_272 = tpu.sem_alloc : memref<!tpu.dma_semaphore, #tpu.memory_space<semaphore_mem>>
      %dma_start3A_273 = arith.constant 0 : i32
      %dma_start3A_274 = arith.constant 0 : i32
      %dma_start3A_275 = tpu.memref_slice %arg6[%run_scoped3A_5, %dma_start3A_273, %dma_start3A_274] : memref<2x32x64xi32, #tpu.memory_space<vmem>> -> memref<1x32x64xi32, #tpu.memory_space<vmem>>
      %dma_start3A_276 = tpu.memref_squeeze %dma_start3A_275 : memref<1x32x64xi32, #tpu.memory_space<vmem>> -> memref<32x64xi32, #tpu.memory_space<vmem>>
      %dma_start3A_277 = arith.constant 0 : i32
      %dma_start3A_278 = arith.constant 0 : i32
      %dma_start3A_279 = tpu.memref_slice %arg3[%add3A, %run_scoped3A, %dma_start3A_277, %dma_start3A_278] : memref<32x5x32x64xi32, #tpu.memory_space<hbm>> -> memref<1x1x32x64xi32, #tpu.memory_space<hbm>>
      %dma_start3A_280 = tpu.memref_squeeze %dma_start3A_279 : memref<1x1x32x64xi32, #tpu.memory_space<hbm>> -> memref<32x64xi32, #tpu.memory_space<hbm>>
      %dma_start3A_281 = arith.constant 0 : i32
      %dma_start3A_282 = arith.constant 0 : i32
      %dma_start3A_283 = tpu.memref_slice %arg6[%run_scoped3A_5, %dma_start3A_281, %dma_start3A_282] : memref<2x32x64xi32, #tpu.memory_space<vmem>> -> memref<1x32x64xi32, #tpu.memory_space<vmem>>
      %dma_start3A_284 = tpu.memref_squeeze %dma_start3A_283 : memref<1x32x64xi32, #tpu.memory_space<vmem>> -> memref<32x64xi32, #tpu.memory_space<vmem>>
      %dma_start3A_285 = arith.constant 0 : i32
      %dma_start3A_286 = arith.constant 0 : i32
      %dma_start3A_287 = tpu.memref_slice %arg3[%add3A, %run_scoped3A, %dma_start3A_285, %dma_start3A_286] : memref<32x5x32x64xi32, #tpu.memory_space<hbm>> -> memref<1x1x32x64xi32, #tpu.memory_space<hbm>>
      %dma_start3A_288 = tpu.memref_squeeze %dma_start3A_287 : memref<1x1x32x64xi32, #tpu.memory_space<hbm>> -> memref<32x64xi32, #tpu.memory_space<hbm>>
      tpu.enqueue_dma source(%dma_start3A_288 : memref<32x64xi32, #tpu.memory_space<hbm>>) target(%dma_start3A_284 : memref<32x64xi32, #tpu.memory_space<vmem>>) target_semaphore(%run_scoped3A_272 : memref<!tpu.dma_semaphore, #tpu.memory_space<semaphore_mem>>)
      %dma_wait3A_289 = arith.constant 0 : i32
      %dma_wait3A_290 = arith.constant 0 : i32
      %dma_wait3A_291 = tpu.memref_slice %arg6[%run_scoped3A_5, %dma_wait3A_289, %dma_wait3A_290] : memref<2x32x64xi32, #tpu.memory_space<vmem>> -> memref<1x32x64xi32, #tpu.memory_space<vmem>>
      %dma_wait3A_292 = tpu.memref_squeeze %dma_wait3A_291 : memref<1x32x64xi32, #tpu.memory_space<vmem>> -> memref<32x64xi32, #tpu.memory_space<vmem>>
      %dma_wait3A_293 = arith.constant 0 : i32
      %dma_wait3A_294 = arith.constant 0 : i32
      %dma_wait3A_295 = tpu.memref_slice %arg3[%add3A, %run_scoped3A, %dma_wait3A_293, %dma_wait3A_294] : memref<32x5x32x64xi32, #tpu.memory_space<hbm>> -> memref<1x1x32x64xi32, #tpu.memory_space<hbm>>
      %dma_wait3A_296 = tpu.memref_squeeze %dma_wait3A_295 : memref<1x1x32x64xi32, #tpu.memory_space<hbm>> -> memref<32x64xi32, #tpu.memory_space<hbm>>
      %dma_wait3A_297 = arith.constant 0 : i32
      %dma_wait3A_298 = arith.constant 0 : i32
      %dma_wait3A_299 = tpu.memref_slice %arg6[%run_scoped3A_5, %dma_wait3A_297, %dma_wait3A_298] : memref<2x32x64xi32, #tpu.memory_space<vmem>> -> memref<1x32x64xi32, #tpu.memory_space<vmem>>
      %dma_wait3A_300 = tpu.memref_squeeze %dma_wait3A_299 : memref<1x32x64xi32, #tpu.memory_space<vmem>> -> memref<32x64xi32, #tpu.memory_space<vmem>>
      %dma_wait3A_301 = arith.constant 0 : i32
      %dma_wait3A_302 = arith.constant 0 : i32
      %dma_wait3A_303 = tpu.memref_slice %arg3[%add3A, %run_scoped3A, %dma_wait3A_301, %dma_wait3A_302] : memref<32x5x32x64xi32, #tpu.memory_space<hbm>> -> memref<1x1x32x64xi32, #tpu.memory_space<hbm>>
      %dma_wait3A_304 = tpu.memref_squeeze %dma_wait3A_303 : memref<1x1x32x64xi32, #tpu.memory_space<hbm>> -> memref<32x64xi32, #tpu.memory_space<hbm>>
      tpu.wait_dma2 semaphore(%run_scoped3A_272 : memref<!tpu.dma_semaphore, #tpu.memory_space<semaphore_mem>>) src(%dma_wait3A_304 : memref<32x64xi32, #tpu.memory_space<hbm>>) dst(%dma_wait3A_300 : memref<32x64xi32, #tpu.memory_space<vmem>>)
      tpu.yield
    }) : () -> ()
    %dma_start3A = arith.constant 1 : i32
    %dma_start3A_6 = arith.constant 1 : i32
    %dma_start3A_7 = arith.constant 0 : i32
    %dma_start3A_8 = arith.constant 0 : i32
    %dma_start3A_9 = tpu.memref_slice %arg6[%dma_start3A_6, %dma_start3A_7, %dma_start3A_8] : memref<2x32x64xi32, #tpu.memory_space<vmem>> -> memref<1x32x64xi32, #tpu.memory_space<vmem>>
    %dma_start3A_10 = tpu.memref_squeeze %dma_start3A_9 : memref<1x32x64xi32, #tpu.memory_space<vmem>> -> memref<32x64xi32, #tpu.memory_space<vmem>>
    %dma_start3A_11 = arith.constant 0 : i32
    %dma_start3A_12 = arith.constant 0 : i32
    %dma_start3A_13 = tpu.memref_slice %arg3[%add3A, %dma_start3A, %dma_start3A_11, %dma_start3A_12] : memref<32x5x32x64xi32, #tpu.memory_space<hbm>> -> memref<1x1x32x64xi32, #tpu.memory_space<hbm>>
    %dma_start3A_14 = tpu.memref_squeeze %dma_start3A_13 : memref<1x1x32x64xi32, #tpu.memory_space<hbm>> -> memref<32x64xi32, #tpu.memory_space<hbm>>
    %dma_start3A_15 = arith.constant 0 : i32
    %dma_start3A_16 = arith.constant 0 : i32
    %dma_start3A_17 = tpu.memref_slice %arg6[%dma_start3A_6, %dma_start3A_15, %dma_start3A_16] : memref<2x32x64xi32, #tpu.memory_space<vmem>> -> memref<1x32x64xi32, #tpu.memory_space<vmem>>
    %dma_start3A_18 = tpu.memref_squeeze %dma_start3A_17 : memref<1x32x64xi32, #tpu.memory_space<vmem>> -> memref<32x64xi32, #tpu.memory_space<vmem>>
    %dma_start3A_19 = arith.constant 0 : i32
    %dma_start3A_20 = arith.constant 0 : i32
    %dma_start3A_21 = tpu.memref_slice %arg3[%add3A, %dma_start3A, %dma_start3A_19, %dma_start3A_20] : memref<32x5x32x64xi32, #tpu.memory_space<hbm>> -> memref<1x1x32x64xi32, #tpu.memory_space<hbm>>
    %dma_start3A_22 = tpu.memref_squeeze %dma_start3A_21 : memref<1x1x32x64xi32, #tpu.memory_space<hbm>> -> memref<32x64xi32, #tpu.memory_space<hbm>>
    tpu.enqueue_dma source(%dma_start3A_22 : memref<32x64xi32, #tpu.memory_space<hbm>>) target(%dma_start3A_18 : memref<32x64xi32, #tpu.memory_space<vmem>>) target_semaphore(%arg13 : memref<!tpu.dma_semaphore, #tpu.memory_space<semaphore_mem>>)
    %barrier3A = arith.constant 0 : index
    tpu.barrier barrier_id(%barrier3A)
    %get3A = arith.constant 0 : i32
    %get3A_23 = arith.constant 0 : i32
    %get3A_24 = arith.index_cast %get3A : i32 to index
    %get3A_25 = arith.index_cast %get3A_23 : i32 to index
    %get3A_26 = arith.constant 0 : index
    %get3A_27 = tpu.vector_load %arg6[%get3A_24, %get3A_25, %get3A_26] {strides = array<i32>} : memref<2x32x64xi32, #tpu.memory_space<vmem>>, vector<1x1x16xi32>,
    %get3A_28 = vector.shape_cast %get3A_27 : vector<1x1x16xi32> to vector<16xi32>
    %and3A = arith.constant 16383 : i32
    %and3A_29 = vector.broadcast %and3A : i32 to vector<16xi32>
    %and3A_30 = arith.andi %get3A_28, %and3A_29 : vector<16xi32>
    %swap3A = arith.constant 0 : i32
    %swap3A_31 = arith.index_cast %swap3A : i32 to index
    %swap3A_32 = arith.constant 0 : index
    %swap3A_33 = tpu.vector_load %arg7[%swap3A_31, %swap3A_32] {strides = array<i32>} : memref<4x64xi32, #tpu.memory_space<vmem>>, vector<1x16xi32>,
    %swap3A_34 = vector.shape_cast %swap3A_33 : vector<1x16xi32> to vector<16xi32>
    %swap3A_35 = vector.shape_cast %and3A_30 : vector<16xi32> to vector<1x16xi32>
    tpu.vector_store %arg7[%swap3A_31, %swap3A_32], %swap3A_35 {strides = array<i32>} : memref<4x64xi32, #tpu.memory_space<vmem>>, vector<1x16xi32>,
    %get3A_36 = arith.constant 0 : i32
    %get3A_37 = arith.constant 0 : i32
    %get3A_38 = arith.index_cast %get3A_36 : i32 to index
    %get3A_39 = arith.index_cast %get3A_37 : i32 to index
    %get3A_40 = arith.constant 16 : index
    %get3A_41 = tpu.vector_load %arg6[%get3A_38, %get3A_39, %get3A_40] {strides = array<i32>} : memref<2x32x64xi32, #tpu.memory_space<vmem>>, vector<1x1x16xi32>,
    %get3A_42 = vector.shape_cast %get3A_41 : vector<1x1x16xi32> to vector<16xi32>
    %and3A_43 = arith.constant 16383 : i32
    %and3A_44 = vector.broadcast %and3A_43 : i32 to vector<16xi32>
    %and3A_45 = arith.andi %get3A_42, %and3A_44 : vector<16xi32>
    %swap3A_46 = arith.constant 0 : i32
    %swap3A_47 = arith.index_cast %swap3A_46 : i32 to index
    %swap3A_48 = arith.constant 16 : index
    %swap3A_49 = tpu.vector_load %arg7[%swap3A_47, %swap3A_48] {strides = array<i32>} : memref<4x64xi32, #tpu.memory_space<vmem>>, vector<1x16xi32>,
    %swap3A_50 = vector.shape_cast %swap3A_49 : vector<1x16xi32> to vector<16xi32>
    %swap3A_51 = vector.shape_cast %and3A_45 : vector<16xi32> to vector<1x16xi32>
    tpu.vector_store %arg7[%swap3A_47, %swap3A_48], %swap3A_51 {strides = array<i32>} : memref<4x64xi32, #tpu.memory_space<vmem>>, vector<1x16xi32>,
    %get3A_52 = arith.constant 0 : i32
    %get3A_53 = arith.constant 0 : i32
    %get3A_54 = arith.index_cast %get3A_52 : i32 to index
    %get3A_55 = arith.index_cast %get3A_53 : i32 to index
    %get3A_56 = arith.constant 32 : index
    %get3A_57 = tpu.vector_load %arg6[%get3A_54, %get3A_55, %get3A_56] {strides = array<i32>} : memref<2x32x64xi32, #tpu.memory_space<vmem>>, vector<1x1x16xi32>,
    %get3A_58 = vector.shape_cast %get3A_57 : vector<1x1x16xi32> to vector<16xi32>
    %and3A_59 = arith.constant 16383 : i32
    %and3A_60 = vector.broadcast %and3A_59 : i32 to vector<16xi32>
    %and3A_61 = arith.andi %get3A_58, %and3A_60 : vector<16xi32>
    %swap3A_62 = arith.constant 0 : i32
    %swap3A_63 = arith.index_cast %swap3A_62 : i32 to index
    %swap3A_64 = arith.constant 32 : index
    %swap3A_65 = tpu.vector_load %arg7[%swap3A_63, %swap3A_64] {strides = array<i32>} : memref<4x64xi32, #tpu.memory_space<vmem>>, vector<1x16xi32>,
    %swap3A_66 = vector.shape_cast %swap3A_65 : vector<1x16xi32> to vector<16xi32>
    %swap3A_67 = vector.shape_cast %and3A_61 : vector<16xi32> to vector<1x16xi32>
    tpu.vector_store %arg7[%swap3A_63, %swap3A_64], %swap3A_67 {strides = array<i32>} : memref<4x64xi32, #tpu.memory_space<vmem>>, vector<1x16xi32>,
    %get3A_68 = arith.constant 0 : i32
    %get3A_69 = arith.constant 0 : i32
    %get3A_70 = arith.index_cast %get3A_68 : i32 to index
    %get3A_71 = arith.index_cast %get3A_69 : i32 to index
    %get3A_72 = arith.constant 48 : index
    %get3A_73 = tpu.vector_load %arg6[%get3A_70, %get3A_71, %get3A_72] {strides = array<i32>} : memref<2x32x64xi32, #tpu.memory_space<vmem>>, vector<1x1x16xi32>,
    %get3A_74 = vector.shape_cast %get3A_73 : vector<1x1x16xi32> to vector<16xi32>
    %and3A_75 = arith.constant 16383 : i32
    %and3A_76 = vector.broadcast %and3A_75 : i32 to vector<16xi32>
    %and3A_77 = arith.andi %get3A_74, %and3A_76 : vector<16xi32>
    %swap3A_78 = arith.constant 0 : i32
    %swap3A_79 = arith.index_cast %swap3A_78 : i32 to index
    %swap3A_80 = arith.constant 48 : index
    %swap3A_81 = tpu.vector_load %arg7[%swap3A_79, %swap3A_80] {strides = array<i32>} : memref<4x64xi32, #tpu.memory_space<vmem>>, vector<1x16xi32>,
    %swap3A_82 = vector.shape_cast %swap3A_81 : vector<1x16xi32> to vector<16xi32>
    %swap3A_83 = vector.shape_cast %and3A_77 : vector<16xi32> to vector<1x16xi32>
    tpu.vector_store %arg7[%swap3A_79, %swap3A_80], %swap3A_83 {strides = array<i32>} : memref<4x64xi32, #tpu.memory_space<vmem>>, vector<1x16xi32>,
    %dma_start3A_84 = arith.constant 0 : i32
    %dma_start3A_85 = arith.constant 0 : i32
    %dma_start3A_86 = arith.constant 0 : i32
    %dma_start3A_87 = arith.constant 0 : i32
    %dma_start3A_88 = tpu.memref_slice %arg9[%dma_start3A_85, %dma_start3A_86, %dma_start3A_87] : memref<4x64x128xf32, #tpu.memory_space<vmem>> -> memref<1x64x128xf32, #tpu.memory_space<vmem>>
    %dma_start3A_89 = tpu.memref_squeeze %dma_start3A_88 : memref<1x64x128xf32, #tpu.memory_space<vmem>> -> memref<64x128xf32, #tpu.memory_space<vmem>>
    %dma_start3A_90 = arith.constant 0 : i32
    %dma_start3A_91 = tpu.memref_slice %arg7[%dma_start3A_84, %dma_start3A_90] : memref<4x64xi32, #tpu.memory_space<vmem>> -> memref<1x64xi32, #tpu.memory_space<vmem>>
    %dma_start3A_92 = tpu.memref_squeeze %dma_start3A_91 : memref<1x64xi32, #tpu.memory_space<vmem>> -> memref<64xi32, #tpu.memory_space<vmem>>
    %dma_start3A_93 = arith.constant 0 : i32
    %dma_start3A_94 = arith.constant 0 : i32
    %dma_start3A_95 = tpu.memref_slice %arg2[%dma_start3A_93, %dma_start3A_94] : memref<10000x128xf32, #tpu.memory_space<hbm>> -> memref<10000x128xf32, #tpu.memory_space<hbm>>
    tpu.enqueue_indirect_dma source(%dma_start3A_95 : memref<10000x128xf32, #tpu.memory_space<hbm>>) target(%dma_start3A_89 : memref<64x128xf32, #tpu.memory_space<vmem>>) offsets(%dma_start3A_92 : memref<64xi32, #tpu.memory_space<vmem>>) semaphore(%arg11 : memref<!tpu.dma_semaphore, #tpu.memory_space<semaphore_mem>>)
    %get3A_96 = arith.constant 0 : i32
    %get3A_97 = arith.constant 1 : i32
    %get3A_98 = arith.index_cast %get3A_96 : i32 to index
    %get3A_99 = arith.index_cast %get3A_97 : i32 to index
    %get3A_100 = arith.constant 0 : index
    %get3A_101 = tpu.vector_load %arg6[%get3A_98, %get3A_99, %get3A_100] {strides = array<i32>} : memref<2x32x64xi32, #tpu.memory_space<vmem>>, vector<1x1x16xi32>,
    %get3A_102 = vector.shape_cast %get3A_101 : vector<1x1x16xi32> to vector<16xi32>
    %and3A_103 = arith.constant 16383 : i32
    %and3A_104 = vector.broadcast %and3A_103 : i32 to vector<16xi32>
    %and3A_105 = arith.andi %get3A_102, %and3A_104 : vector<16xi32>
    %swap3A_106 = arith.constant 1 : i32
    %swap3A_107 = arith.index_cast %swap3A_106 : i32 to index
    %swap3A_108 = arith.constant 0 : index
    %swap3A_109 = tpu.vector_load %arg7[%swap3A_107, %swap3A_108] {strides = array<i32>} : memref<4x64xi32, #tpu.memory_space<vmem>>, vector<1x16xi32>,
    %swap3A_110 = vector.shape_cast %swap3A_109 : vector<1x16xi32> to vector<16xi32>
    %swap3A_111 = vector.shape_cast %and3A_105 : vector<16xi32> to vector<1x16xi32>
    tpu.vector_store %arg7[%swap3A_107, %swap3A_108], %swap3A_111 {strides = array<i32>} : memref<4x64xi32, #tpu.memory_space<vmem>>, vector<1x16xi32>,
    %get3A_112 = arith.constant 0 : i32
    %get3A_113 = arith.constant 1 : i32
    %get3A_114 = arith.index_cast %get3A_112 : i32 to index
    %get3A_115 = arith.index_cast %get3A_113 : i32 to index
    %get3A_116 = arith.constant 16 : index
    %get3A_117 = tpu.vector_load %arg6[%get3A_114, %get3A_115, %get3A_116] {strides = array<i32>} : memref<2x32x64xi32, #tpu.memory_space<vmem>>, vector<1x1x16xi32>,
    %get3A_118 = vector.shape_cast %get3A_117 : vector<1x1x16xi32> to vector<16xi32>
    %and3A_119 = arith.constant 16383 : i32
    %and3A_120 = vector.broadcast %and3A_119 : i32 to vector<16xi32>
    %and3A_121 = arith.andi %get3A_118, %and3A_120 : vector<16xi32>
    %swap3A_122 = arith.constant 1 : i32
    %swap3A_123 = arith.index_cast %swap3A_122 : i32 to index
    %swap3A_124 = arith.constant 16 : index
    %swap3A_125 = tpu.vector_load %arg7[%swap3A_123, %swap3A_124] {strides = array<i32>} : memref<4x64xi32, #tpu.memory_space<vmem>>, vector<1x16xi32>,
    %swap3A_126 = vector.shape_cast %swap3A_125 : vector<1x16xi32> to vector<16xi32>
    %swap3A_127 = vector.shape_cast %and3A_121 : vector<16xi32> to vector<1x16xi32>
    tpu.vector_store %arg7[%swap3A_123, %swap3A_124], %swap3A_127 {strides = array<i32>} : memref<4x64xi32, #tpu.memory_space<vmem>>, vector<1x16xi32>,
    %get3A_128 = arith.constant 0 : i32
    %get3A_129 = arith.constant 1 : i32
    %get3A_130 = arith.index_cast %get3A_128 : i32 to index
    %get3A_131 = arith.index_cast %get3A_129 : i32 to index
    %get3A_132 = arith.constant 32 : index
    %get3A_133 = tpu.vector_load %arg6[%get3A_130, %get3A_131, %get3A_132] {strides = array<i32>} : memref<2x32x64xi32, #tpu.memory_space<vmem>>, vector<1x1x16xi32>,
    %get3A_134 = vector.shape_cast %get3A_133 : vector<1x1x16xi32> to vector<16xi32>
    %and3A_135 = arith.constant 16383 : i32
    %and3A_136 = vector.broadcast %and3A_135 : i32 to vector<16xi32>
    %and3A_137 = arith.andi %get3A_134, %and3A_136 : vector<16xi32>
    %swap3A_138 = arith.constant 1 : i32
    %swap3A_139 = arith.index_cast %swap3A_138 : i32 to index
    %swap3A_140 = arith.constant 32 : index
    %swap3A_141 = tpu.vector_load %arg7[%swap3A_139, %swap3A_140] {strides = array<i32>} : memref<4x64xi32, #tpu.memory_space<vmem>>, vector<1x16xi32>,
    %swap3A_142 = vector.shape_cast %swap3A_141 : vector<1x16xi32> to vector<16xi32>
    %swap3A_143 = vector.shape_cast %and3A_137 : vector<16xi32> to vector<1x16xi32>
    tpu.vector_store %arg7[%swap3A_139, %swap3A_140], %swap3A_143 {strides = array<i32>} : memref<4x64xi32, #tpu.memory_space<vmem>>, vector<1x16xi32>,
    %get3A_144 = arith.constant 0 : i32
    %get3A_145 = arith.constant 1 : i32
    %get3A_146 = arith.index_cast %get3A_144 : i32 to index
    %get3A_147 = arith.index_cast %get3A_145 : i32 to index
    %get3A_148 = arith.constant 48 : index
    %get3A_149 = tpu.vector_load %arg6[%get3A_146, %get3A_147, %get3A_148] {strides = array<i32>} : memref<2x32x64xi32, #tpu.memory_space<vmem>>, vector<1x1x16xi32>,
    %get3A_150 = vector.shape_cast %get3A_149 : vector<1x1x16xi32> to vector<16xi32>
    %and3A_151 = arith.constant 16383 : i32
    %and3A_152 = vector.broadcast %and3A_151 : i32 to vector<16xi32>
    %and3A_153 = arith.andi %get3A_150, %and3A_152 : vector<16xi32>
    %swap3A_154 = arith.constant 1 : i32
    %swap3A_155 = arith.index_cast %swap3A_154 : i32 to index
    %swap3A_156 = arith.constant 48 : index
    %swap3A_157 = tpu.vector_load %arg7[%swap3A_155, %swap3A_156] {strides = array<i32>} : memref<4x64xi32, #tpu.memory_space<vmem>>, vector<1x16xi32>,
    %swap3A_158 = vector.shape_cast %swap3A_157 : vector<1x16xi32> to vector<16xi32>
    %swap3A_159 = vector.shape_cast %and3A_153 : vector<16xi32> to vector<1x16xi32>
    tpu.vector_store %arg7[%swap3A_155, %swap3A_156], %swap3A_159 {strides = array<i32>} : memref<4x64xi32, #tpu.memory_space<vmem>>, vector<1x16xi32>,
    %dma_start3A_160 = arith.constant 1 : i32
    %dma_start3A_161 = arith.constant 1 : i32
    %dma_start3A_162 = arith.constant 0 : i32
    %dma_start3A_163 = arith.constant 0 : i32
    %dma_start3A_164 = tpu.memref_slice %arg9[%dma_start3A_161, %dma_start3A_162, %dma_start3A_163] : memref<4x64x128xf32, #tpu.memory_space<vmem>> -> memref<1x64x128xf32, #tpu.memory_space<vmem>>
    %dma_start3A_165 = tpu.memref_squeeze %dma_start3A_164 : memref<1x64x128xf32, #tpu.memory_space<vmem>> -> memref<64x128xf32, #tpu.memory_space<vmem>>
    %dma_start3A_166 = arith.constant 0 : i32
    %dma_start3A_167 = tpu.memref_slice %arg7[%dma_start3A_160, %dma_start3A_166] : memref<4x64xi32, #tpu.memory_space<vmem>> -> memref<1x64xi32, #tpu.memory_space<vmem>>
    %dma_start3A_168 = tpu.memref_squeeze %dma_start3A_167 : memref<1x64xi32, #tpu.memory_space<vmem>> -> memref<64xi32, #tpu.memory_space<vmem>>
    %dma_start3A_169 = arith.constant 0 : i32
    %dma_start3A_170 = arith.constant 0 : i32
    %dma_start3A_171 = tpu.memref_slice %arg2[%dma_start3A_169, %dma_start3A_170] : memref<10000x128xf32, #tpu.memory_space<hbm>> -> memref<10000x128xf32, #tpu.memory_space<hbm>>
    tpu.enqueue_indirect_dma source(%dma_start3A_171 : memref<10000x128xf32, #tpu.memory_space<hbm>>) target(%dma_start3A_165 : memref<64x128xf32, #tpu.memory_space<vmem>>) offsets(%dma_start3A_168 : memref<64xi32, #tpu.memory_space<vmem>>) semaphore(%arg11 : memref<!tpu.dma_semaphore, #tpu.memory_space<semaphore_mem>>)
    %get3A_172 = arith.constant 0 : i32
    %get3A_173 = arith.constant 2 : i32
    %get3A_174 = arith.index_cast %get3A_172 : i32 to index
    %get3A_175 = arith.index_cast %get3A_173 : i32 to index
    %get3A_176 = arith.constant 0 : index
    %get3A_177 = tpu.vector_load %arg6[%get3A_174, %get3A_175, %get3A_176] {strides = array<i32>} : memref<2x32x64xi32, #tpu.memory_space<vmem>>, vector<1x1x16xi32>,
    %get3A_178 = vector.shape_cast %get3A_177 : vector<1x1x16xi32> to vector<16xi32>
    %and3A_179 = arith.constant 16383 : i32
    %and3A_180 = vector.broadcast %and3A_179 : i32 to vector<16xi32>
    %and3A_181 = arith.andi %get3A_178, %and3A_180 : vector<16xi32>
    %swap3A_182 = arith.constant 2 : i32
    %swap3A_183 = arith.index_cast %swap3A_182 : i32 to index
    %swap3A_184 = arith.constant 0 : index
    %swap3A_185 = tpu.vector_load %arg7[%swap3A_183, %swap3A_184] {strides = array<i32>} : memref<4x64xi32, #tpu.memory_space<vmem>>, vector<1x16xi32>,
    %swap3A_186 = vector.shape_cast %swap3A_185 : vector<1x16xi32> to vector<16xi32>
    %swap3A_187 = vector.shape_cast %and3A_181 : vector<16xi32> to vector<1x16xi32>
    tpu.vector_store %arg7[%swap3A_183, %swap3A_184], %swap3A_187 {strides = array<i32>} : memref<4x64xi32, #tpu.memory_space<vmem>>, vector<1x16xi32>,
    %get3A_188 = arith.constant 0 : i32
    %get3A_189 = arith.constant 2 : i32
    %get3A_190 = arith.index_cast %get3A_188 : i32 to index
    %get3A_191 = arith.index_cast %get3A_189 : i32 to index
    %get3A_192 = arith.constant 16 : index
    %get3A_193 = tpu.vector_load %arg6[%get3A_190, %get3A_191, %get3A_192] {strides = array<i32>} : memref<2x32x64xi32, #tpu.memory_space<vmem>>, vector<1x1x16xi32>,
    %get3A_194 = vector.shape_cast %get3A_193 : vector<1x1x16xi32> to vector<16xi32>
    %and3A_195 = arith.constant 16383 : i32
    %and3A_196 = vector.broadcast %and3A_195 : i32 to vector<16xi32>
    %and3A_197 = arith.andi %get3A_194, %and3A_196 : vector<16xi32>
    %swap3A_198 = arith.constant 2 : i32
    %swap3A_199 = arith.index_cast %swap3A_198 : i32 to index
    %swap3A_200 = arith.constant 16 : index
    %swap3A_201 = tpu.vector_load %arg7[%swap3A_199, %swap3A_200] {strides = array<i32>} : memref<4x64xi32, #tpu.memory_space<vmem>>, vector<1x16xi32>,
    %swap3A_202 = vector.shape_cast %swap3A_201 : vector<1x16xi32> to vector<16xi32>
    %swap3A_203 = vector.shape_cast %and3A_197 : vector<16xi32> to vector<1x16xi32>
    tpu.vector_store %arg7[%swap3A_199, %swap3A_200], %swap3A_203 {strides = array<i32>} : memref<4x64xi32, #tpu.memory_space<vmem>>, vector<1x16xi32>,
    %get3A_204 = arith.constant 0 : i32
    %get3A_205 = arith.constant 2 : i32
    %get3A_206 = arith.index_cast %get3A_204 : i32 to index
    %get3A_207 = arith.index_cast %get3A_205 : i32 to index
    %get3A_208 = arith.constant 32 : index
    %get3A_209 = tpu.vector_load %arg6[%get3A_206, %get3A_207, %get3A_208] {strides = array<i32>} : memref<2x32x64xi32, #tpu.memory_space<vmem>>, vector<1x1x16xi32>,
    %get3A_210 = vector.shape_cast %get3A_209 : vector<1x1x16xi32> to vector<16xi32>
    %and3A_211 = arith.constant 16383 : i32
    %and3A_212 = vector.broadcast %and3A_211 : i32 to vector<16xi32>
    %and3A_213 = arith.andi %get3A_210, %and3A_212 : vector<16xi32>
    %swap3A_214 = arith.constant 2 : i32
    %swap3A_215 = arith.index_cast %swap3A_214 : i32 to index
    %swap3A_216 = arith.constant 32 : index
    %swap3A_217 = tpu.vector_load %arg7[%swap3A_215, %swap3A_216] {strides = array<i32>} : memref<4x64xi32, #tpu.memory_space<vmem>>, vector<1x16xi32>,
    %swap3A_218 = vector.shape_cast %swap3A_217 : vector<1x16xi32> to vector<16xi32>
    %swap3A_219 = vector.shape_cast %and3A_213 : vector<16xi32> to vector<1x16xi32>
    tpu.vector_store %arg7[%swap3A_215, %swap3A_216], %swap3A_219 {strides = array<i32>} : memref<4x64xi32, #tpu.memory_space<vmem>>, vector<1x16xi32>,
    %get3A_220 = arith.constant 0 : i32
    %get3A_221 = arith.constant 2 : i32
    %get3A_222 = arith.index_cast %get3A_220 : i32 to index
    %get3A_223 = arith.index_cast %get3A_221 : i32 to index
    %get3A_224 = arith.constant 48 : index
    %get3A_225 = tpu.vector_load %arg6[%get3A_222, %get3A_223, %get3A_224] {strides = array<i32>} : memref<2x32x64xi32, #tpu.memory_space<vmem>>, vector<1x1x16xi32>,
    %get3A_226 = vector.shape_cast %get3A_225 : vector<1x1x16xi32> to vector<16xi32>
    %and3A_227 = arith.constant 16383 : i32
    %and3A_228 = vector.broadcast %and3A_227 : i32 to vector<16xi32>
    %and3A_229 = arith.andi %get3A_226, %and3A_228 : vector<16xi32>
    %swap3A_230 = arith.constant 2 : i32
    %swap3A_231 = arith.index_cast %swap3A_230 : i32 to index
    %swap3A_232 = arith.constant 48 : index
    %swap3A_233 = tpu.vector_load %arg7[%swap3A_231, %swap3A_232] {strides = array<i32>} : memref<4x64xi32, #tpu.memory_space<vmem>>, vector<1x16xi32>,
    %swap3A_234 = vector.shape_cast %swap3A_233 : vector<1x16xi32> to vector<16xi32>
    %swap3A_235 = vector.shape_cast %and3A_229 : vector<16xi32> to vector<1x16xi32>
    tpu.vector_store %arg7[%swap3A_231, %swap3A_232], %swap3A_235 {strides = array<i32>} : memref<4x64xi32, #tpu.memory_space<vmem>>, vector<1x16xi32>,
    %dma_start3A_236 = arith.constant 2 : i32
    %dma_start3A_237 = arith.constant 2 : i32
    %dma_start3A_238 = arith.constant 0 : i32
    %dma_start3A_239 = arith.constant 0 : i32
    %dma_start3A_240 = tpu.memref_slice %arg9[%dma_start3A_237, %dma_start3A_238, %dma_start3A_239] : memref<4x64x128xf32, #tpu.memory_space<vmem>> -> memref<1x64x128xf32, #tpu.memory_space<vmem>>
    %dma_start3A_241 = tpu.memref_squeeze %dma_start3A_240 : memref<1x64x128xf32, #tpu.memory_space<vmem>> -> memref<64x128xf32, #tpu.memory_space<vmem>>
    %dma_start3A_242 = arith.constant 0 : i32
    %dma_start3A_243 = tpu.memref_slice %arg7[%dma_start3A_236, %dma_start3A_242] : memref<4x64xi32, #tpu.memory_space<vmem>> -> memref<1x64xi32, #tpu.memory_space<vmem>>
    %dma_start3A_244 = tpu.memref_squeeze %dma_start3A_243 : memref<1x64xi32, #tpu.memory_space<vmem>> -> memref<64xi32, #tpu.memory_space<vmem>>
    %dma_start3A_245 = arith.constant 0 : i32
    %dma_start3A_246 = arith.constant 0 : i32
    %dma_start3A_247 = tpu.memref_slice %arg2[%dma_start3A_245, %dma_start3A_246] : memref<10000x128xf32, #tpu.memory_space<hbm>> -> memref<10000x128xf32, #tpu.memory_space<hbm>>
    tpu.enqueue_indirect_dma source(%dma_start3A_247 : memref<10000x128xf32, #tpu.memory_space<hbm>>) target(%dma_start3A_241 : memref<64x128xf32, #tpu.memory_space<vmem>>) offsets(%dma_start3A_244 : memref<64xi32, #tpu.memory_space<vmem>>) semaphore(%arg11 : memref<!tpu.dma_semaphore, #tpu.memory_space<semaphore_mem>>)
    %scan3A = arith.constant 0 : i32
    %scan3A_248 = arith.constant 0 : i32
    %scan3A_249 = arith.constant 160 : i32
    %scan3A_250 = arith.addi %scan3A_248, %scan3A_249 : i32
    %scan3A_251 = arith.constant 1 : i32
    scf.for %scan3A_272 = %scan3A_248 to %scan3A_250 step %scan3A_251  : i32 {
      %rem3A = arith.constant 4 : i32
      %rem3A_273 = arith.remsi %scan3A_272, %rem3A : i32
      %div3A = arith.constant 32 : i32
      %div3A_274 = arith.divsi %scan3A_272, %div3A : i32
      %rem3A_275 = arith.constant 32 : i32
      %rem3A_276 = arith.remsi %scan3A_272, %rem3A_275 : i32
      %rem3A_277 = arith.constant 2 : i32
      %rem3A_278 = arith.remsi %div3A_274, %rem3A_277 : i32
      %dma_wait3A_279 = arith.constant 0 : i32
      %dma_wait3A_280 = arith.constant 0 : i32
      %dma_wait3A_281 = arith.constant 0 : i32
      %dma_wait3A_282 = tpu.memref_slice %arg9[%dma_wait3A_279, %dma_wait3A_280, %dma_wait3A_281] : memref<4x64x128xf32, #tpu.memory_space<vmem>> -> memref<1x64x128xf32, #tpu.memory_space<vmem>>
      %dma_wait3A_283 = tpu.memref_squeeze %dma_wait3A_282 : memref<1x64x128xf32, #tpu.memory_space<vmem>> -> memref<64x128xf32, #tpu.memory_space<vmem>>
      %dma_wait3A_284 = arith.constant 0 : i32
      %dma_wait3A_285 = arith.constant 0 : i32
      %dma_wait3A_286 = tpu.memref_slice %arg2[%dma_wait3A_284, %dma_wait3A_285] : memref<10000x128xf32, #tpu.memory_space<hbm>> -> memref<64x128xf32, #tpu.memory_space<hbm>>
      %dma_wait3A_287 = arith.constant 0 : i32
      %dma_wait3A_288 = arith.constant 0 : i32
      %dma_wait3A_289 = tpu.memref_slice %arg9[%dma_wait3A_279, %dma_wait3A_287, %dma_wait3A_288] : memref<4x64x128xf32, #tpu.memory_space<vmem>> -> memref<1x64x128xf32, #tpu.memory_space<vmem>>
      %dma_wait3A_290 = tpu.memref_squeeze %dma_wait3A_289 : memref<1x64x128xf32, #tpu.memory_space<vmem>> -> memref<64x128xf32, #tpu.memory_space<vmem>>
      %dma_wait3A_291 = arith.constant 0 : i32
      %dma_wait3A_292 = arith.constant 0 : i32
      %dma_wait3A_293 = tpu.memref_slice %arg2[%dma_wait3A_291, %dma_wait3A_292] : memref<10000x128xf32, #tpu.memory_space<hbm>> -> memref<64x128xf32, #tpu.memory_space<hbm>>
      tpu.wait_dma2 semaphore(%arg11 : memref<!tpu.dma_semaphore, #tpu.memory_space<semaphore_mem>>) src(%dma_wait3A_293 : memref<64x128xf32, #tpu.memory_space<hbm>>) dst(%dma_wait3A_290 : memref<64x128xf32, #tpu.memory_space<vmem>>)
      %ge3A = arith.constant 1 : i32
      %ge3A_294 = arith.cmpi sge, %scan3A_272, %ge3A : i32
      %convert_element_type3A = arith.extui %ge3A_294 : i1 to i32
      %cond3A = arith.constant 0 : i32
      %cond3A_295 = arith.cmpi ne, %convert_element_type3A, %cond3A : i32
      scf.if %cond3A_295 {
        %dma_wait3A_385 = arith.constant 0 : i32
        %dma_wait3A_386 = arith.constant 0 : i32
        %dma_wait3A_387 = arith.constant 0 : i32
        %dma_wait3A_388 = tpu.memref_slice %arg9[%dma_wait3A_385, %dma_wait3A_386, %dma_wait3A_387] : memref<4x64x128xf32, #tpu.memory_space<vmem>> -> memref<1x64x128xf32, #tpu.memory_space<vmem>>
        %dma_wait3A_389 = tpu.memref_squeeze %dma_wait3A_388 : memref<1x64x128xf32, #tpu.memory_space<vmem>> -> memref<64x128xf32, #tpu.memory_space<vmem>>
        %dma_wait3A_390 = arith.constant 0 : i32
        %dma_wait3A_391 = arith.constant 0 : i32
        %dma_wait3A_392 = tpu.memref_slice %arg2[%dma_wait3A_390, %dma_wait3A_391] : memref<10000x128xf32, #tpu.memory_space<hbm>> -> memref<64x128xf32, #tpu.memory_space<hbm>>
        %dma_wait3A_393 = arith.constant 0 : i32
        %dma_wait3A_394 = arith.constant 0 : i32
        %dma_wait3A_395 = tpu.memref_slice %arg9[%dma_wait3A_385, %dma_wait3A_393, %dma_wait3A_394] : memref<4x64x128xf32, #tpu.memory_space<vmem>> -> memref<1x64x128xf32, #tpu.memory_space<vmem>>
        %dma_wait3A_396 = tpu.memref_squeeze %dma_wait3A_395 : memref<1x64x128xf32, #tpu.memory_space<vmem>> -> memref<64x128xf32, #tpu.memory_space<vmem>>
        %dma_wait3A_397 = arith.constant 0 : i32
        %dma_wait3A_398 = arith.constant 0 : i32
        %dma_wait3A_399 = tpu.memref_slice %arg2[%dma_wait3A_397, %dma_wait3A_398] : memref<10000x128xf32, #tpu.memory_space<hbm>> -> memref<64x128xf32, #tpu.memory_space<hbm>>
        tpu.wait_dma2 semaphore(%arg12 : memref<!tpu.dma_semaphore, #tpu.memory_space<semaphore_mem>>) src(%dma_wait3A_399 : memref<64x128xf32, #tpu.memory_space<hbm>>) dst(%dma_wait3A_396 : memref<64x128xf32, #tpu.memory_space<vmem>>)
      } else {
      }
      %eq3A = arith.constant 0 : i32
      %eq3A_296 = arith.cmpi eq, %rem3A_276, %eq3A : i32
      %ge3A_297 = arith.constant 1 : i32
      %ge3A_298 = arith.cmpi sge, %div3A_274, %ge3A_297 : i32
      %add3A_299 = arith.constant 1 : i32
      %add3A_300 = arith.addi %div3A_274, %add3A_299 : i32
      %lt3A = arith.constant 5 : i32
      %lt3A_301 = arith.cmpi slt, %add3A_300, %lt3A : i32
      %and3A_302 = arith.andi %ge3A_298, %lt3A_301 : i1
      %and3A_303 = arith.andi %eq3A_296, %and3A_302 : i1
      %convert_element_type3A_304 = arith.extui %and3A_303 : i1 to i32
      %cond3A_305 = arith.constant 0 : i32
      %cond3A_306 = arith.cmpi ne, %convert_element_type3A_304, %cond3A_305 : i32
      scf.if %cond3A_306 {
        %add3A_385 = arith.constant 1 : i32
        %add3A_386 = arith.addi %div3A_274, %add3A_385 : i32
        %sub3A = arith.constant 1 : i32
        %sub3A_387 = arith.subi %sub3A, %rem3A_278 : i32
        %dma_start3A_388 = arith.constant 0 : i32
        %dma_start3A_389 = arith.constant 0 : i32
        %dma_start3A_390 = tpu.memref_slice %arg6[%sub3A_387, %dma_start3A_388, %dma_start3A_389] : memref<2x32x64xi32, #tpu.memory_space<vmem>> -> memref<1x32x64xi32, #tpu.memory_space<vmem>>
        %dma_start3A_391 = tpu.memref_squeeze %dma_start3A_390 : memref<1x32x64xi32, #tpu.memory_space<vmem>> -> memref<32x64xi32, #tpu.memory_space<vmem>>
        %dma_start3A_392 = arith.constant 0 : i32
        %dma_start3A_393 = arith.constant 0 : i32
        %dma_start3A_394 = tpu.memref_slice %arg3[%add3A, %add3A_386, %dma_start3A_392, %dma_start3A_393] : memref<32x5x32x64xi32, #tpu.memory_space<hbm>> -> memref<1x1x32x64xi32, #tpu.memory_space<hbm>>
        %dma_start3A_395 = tpu.memref_squeeze %dma_start3A_394 : memref<1x1x32x64xi32, #tpu.memory_space<hbm>> -> memref<32x64xi32, #tpu.memory_space<hbm>>
        %dma_start3A_396 = arith.constant 0 : i32
        %dma_start3A_397 = arith.constant 0 : i32
        %dma_start3A_398 = tpu.memref_slice %arg6[%sub3A_387, %dma_start3A_396, %dma_start3A_397] : memref<2x32x64xi32, #tpu.memory_space<vmem>> -> memref<1x32x64xi32, #tpu.memory_space<vmem>>
        %dma_start3A_399 = tpu.memref_squeeze %dma_start3A_398 : memref<1x32x64xi32, #tpu.memory_space<vmem>> -> memref<32x64xi32, #tpu.memory_space<vmem>>
        %dma_start3A_400 = arith.constant 0 : i32
        %dma_start3A_401 = arith.constant 0 : i32
        %dma_start3A_402 = tpu.memref_slice %arg3[%add3A, %add3A_386, %dma_start3A_400, %dma_start3A_401] : memref<32x5x32x64xi32, #tpu.memory_space<hbm>> -> memref<1x1x32x64xi32, #tpu.memory_space<hbm>>
        %dma_start3A_403 = tpu.memref_squeeze %dma_start3A_402 : memref<1x1x32x64xi32, #tpu.memory_space<hbm>> -> memref<32x64xi32, #tpu.memory_space<hbm>>
        tpu.enqueue_dma source(%dma_start3A_403 : memref<32x64xi32, #tpu.memory_space<hbm>>) target(%dma_start3A_399 : memref<32x64xi32, #tpu.memory_space<vmem>>) target_semaphore(%arg13 : memref<!tpu.dma_semaphore, #tpu.memory_space<semaphore_mem>>)
      } else {
      }
      %eq3A_307 = arith.constant 29 : i32
      %eq3A_308 = arith.cmpi eq, %rem3A_276, %eq3A_307 : i32
      %add3A_309 = arith.constant 3 : i32
      %add3A_310 = arith.addi %scan3A_272, %add3A_309 : i32
      %lt3A_311 = arith.constant 160 : i32
      %lt3A_312 = arith.cmpi slt, %add3A_310, %lt3A_311 : i32
      %and3A_313 = arith.andi %eq3A_308, %lt3A_312 : i1
      %convert_element_type3A_314 = arith.extui %and3A_313 : i1 to i32
      %cond3A_315 = arith.constant 0 : i32
      %cond3A_316 = arith.cmpi ne, %convert_element_type3A_314, %cond3A_315 : i32
      scf.if %cond3A_316 {
        %dma_wait3A_385 = arith.constant 0 : i32
        %dma_wait3A_386 = arith.constant 0 : i32
        %dma_wait3A_387 = arith.constant 0 : i32
        %dma_wait3A_388 = arith.constant 0 : i32
        %dma_wait3A_389 = tpu.memref_slice %arg6[%dma_wait3A_386, %dma_wait3A_387, %dma_wait3A_388] : memref<2x32x64xi32, #tpu.memory_space<vmem>> -> memref<1x32x64xi32, #tpu.memory_space<vmem>>
        %dma_wait3A_390 = tpu.memref_squeeze %dma_wait3A_389 : memref<1x32x64xi32, #tpu.memory_space<vmem>> -> memref<32x64xi32, #tpu.memory_space<vmem>>
        %dma_wait3A_391 = arith.constant 0 : i32
        %dma_wait3A_392 = arith.constant 0 : i32
        %dma_wait3A_393 = tpu.memref_slice %arg3[%add3A, %dma_wait3A_385, %dma_wait3A_391, %dma_wait3A_392] : memref<32x5x32x64xi32, #tpu.memory_space<hbm>> -> memref<1x1x32x64xi32, #tpu.memory_space<hbm>>
        %dma_wait3A_394 = tpu.memref_squeeze %dma_wait3A_393 : memref<1x1x32x64xi32, #tpu.memory_space<hbm>> -> memref<32x64xi32, #tpu.memory_space<hbm>>
        %dma_wait3A_395 = arith.constant 0 : i32
        %dma_wait3A_396 = arith.constant 0 : i32
        %dma_wait3A_397 = tpu.memref_slice %arg6[%dma_wait3A_386, %dma_wait3A_395, %dma_wait3A_396] : memref<2x32x64xi32, #tpu.memory_space<vmem>> -> memref<1x32x64xi32, #tpu.memory_space<vmem>>
        %dma_wait3A_398 = tpu.memref_squeeze %dma_wait3A_397 : memref<1x32x64xi32, #tpu.memory_space<vmem>> -> memref<32x64xi32, #tpu.memory_space<vmem>>
        %dma_wait3A_399 = arith.constant 0 : i32
        %dma_wait3A_400 = arith.constant 0 : i32
        %dma_wait3A_401 = tpu.memref_slice %arg3[%add3A, %dma_wait3A_385, %dma_wait3A_399, %dma_wait3A_400] : memref<32x5x32x64xi32, #tpu.memory_space<hbm>> -> memref<1x1x32x64xi32, #tpu.memory_space<hbm>>
        %dma_wait3A_402 = tpu.memref_squeeze %dma_wait3A_401 : memref<1x1x32x64xi32, #tpu.memory_space<hbm>> -> memref<32x64xi32, #tpu.memory_space<hbm>>
        tpu.wait_dma2 semaphore(%arg13 : memref<!tpu.dma_semaphore, #tpu.memory_space<semaphore_mem>>) src(%dma_wait3A_402 : memref<32x64xi32, #tpu.memory_space<hbm>>) dst(%dma_wait3A_398 : memref<32x64xi32, #tpu.memory_space<vmem>>)
      } else {
      }
      %get3A_317 = arith.index_cast %rem3A_278 : i32 to index
      %get3A_318 = arith.index_cast %rem3A_276 : i32 to index
      %get3A_319 = arith.constant 0 : index
      %get3A_320 = tpu.vector_load %arg6[%get3A_317, %get3A_318, %get3A_319] {strides = array<i32>} : memref<2x32x64xi32, #tpu.memory_space<vmem>>, vector<1x1x16xi32>,
      %get3A_321 = vector.shape_cast %get3A_320 : vector<1x1x16xi32> to vector<16xi32>
      %shift_right_logical3A = arith.constant 14 : i32
      %shift_right_logical3A_322 = vector.broadcast %shift_right_logical3A : i32 to vector<16xi32>
      %shift_right_logical3A_323 = arith.shrui %get3A_321, %shift_right_logical3A_322 : vector<16xi32>
      %swap3A_324 = arith.index_cast %rem3A_273 : i32 to index
      %swap3A_325 = arith.constant 0 : index
      %swap3A_326 = tpu.vector_load %arg8[%swap3A_324, %swap3A_325] {strides = array<i32>} : memref<4x64xi32, #tpu.memory_space<vmem>>, vector<1x16xi32>,
      %swap3A_327 = vector.shape_cast %swap3A_326 : vector<1x16xi32> to vector<16xi32>
      %swap3A_328 = vector.shape_cast %shift_right_logical3A_323 : vector<16xi32> to vector<1x16xi32>
      tpu.vector_store %arg8[%swap3A_324, %swap3A_325], %swap3A_328 {strides = array<i32>} : memref<4x64xi32, #tpu.memory_space<vmem>>, vector<1x16xi32>,
      %get3A_329 = arith.index_cast %rem3A_278 : i32 to index
      %get3A_330 = arith.index_cast %rem3A_276 : i32 to index
      %get3A_331 = arith.constant 16 : index
      %get3A_332 = tpu.vector_load %arg6[%get3A_329, %get3A_330, %get3A_331] {strides = array<i32>} : memref<2x32x64xi32, #tpu.memory_space<vmem>>, vector<1x1x16xi32>,
      %get3A_333 = vector.shape_cast %get3A_332 : vector<1x1x16xi32> to vector<16xi32>
      %shift_right_logical3A_334 = arith.constant 14 : i32
      %shift_right_logical3A_335 = vector.broadcast %shift_right_logical3A_334 : i32 to vector<16xi32>
      %shift_right_logical3A_336 = arith.shrui %get3A_333, %shift_right_logical3A_335 : vector<16xi32>
      %swap3A_337 = arith.index_cast %rem3A_273 : i32 to index
      %swap3A_338 = arith.constant 16 : index
      %swap3A_339 = tpu.vector_load %arg8[%swap3A_337, %swap3A_338] {strides = array<i32>} : memref<4x64xi32, #tpu.memory_space<vmem>>, vector<1x16xi32>,
      %swap3A_340 = vector.shape_cast %swap3A_339 : vector<1x16xi32> to vector<16xi32>
      %swap3A_341 = vector.shape_cast %shift_right_logical3A_336 : vector<16xi32> to vector<1x16xi32>
      tpu.vector_store %arg8[%swap3A_337, %swap3A_338], %swap3A_341 {strides = array<i32>} : memref<4x64xi32, #tpu.memory_space<vmem>>, vector<1x16xi32>,
      %get3A_342 = arith.index_cast %rem3A_278 : i32 to index
      %get3A_343 = arith.index_cast %rem3A_276 : i32 to index
      %get3A_344 = arith.constant 32 : index
      %get3A_345 = tpu.vector_load %arg6[%get3A_342, %get3A_343, %get3A_344] {strides = array<i32>} : memref<2x32x64xi32, #tpu.memory_space<vmem>>, vector<1x1x16xi32>,
      %get3A_346 = vector.shape_cast %get3A_345 : vector<1x1x16xi32> to vector<16xi32>
      %shift_right_logical3A_347 = arith.constant 14 : i32
      %shift_right_logical3A_348 = vector.broadcast %shift_right_logical3A_347 : i32 to vector<16xi32>
      %shift_right_logical3A_349 = arith.shrui %get3A_346, %shift_right_logical3A_348 : vector<16xi32>
      %swap3A_350 = arith.index_cast %rem3A_273 : i32 to index
      %swap3A_351 = arith.constant 32 : index
      %swap3A_352 = tpu.vector_load %arg8[%swap3A_350, %swap3A_351] {strides = array<i32>} : memref<4x64xi32, #tpu.memory_space<vmem>>, vector<1x16xi32>,
      %swap3A_353 = vector.shape_cast %swap3A_352 : vector<1x16xi32> to vector<16xi32>
      %swap3A_354 = vector.shape_cast %shift_right_logical3A_349 : vector<16xi32> to vector<1x16xi32>
      tpu.vector_store %arg8[%swap3A_350, %swap3A_351], %swap3A_354 {strides = array<i32>} : memref<4x64xi32, #tpu.memory_space<vmem>>, vector<1x16xi32>,
      %get3A_355 = arith.index_cast %rem3A_278 : i32 to index
      %get3A_356 = arith.index_cast %rem3A_276 : i32 to index
      %get3A_357 = arith.constant 48 : index
      %get3A_358 = tpu.vector_load %arg6[%get3A_355, %get3A_356, %get3A_357] {strides = array<i32>} : memref<2x32x64xi32, #tpu.memory_space<vmem>>, vector<1x1x16xi32>,
      %get3A_359 = vector.shape_cast %get3A_358 : vector<1x1x16xi32> to vector<16xi32>
      %shift_right_logical3A_360 = arith.constant 14 : i32
      %shift_right_logical3A_361 = vector.broadcast %shift_right_logical3A_360 : i32 to vector<16xi32>
      %shift_right_logical3A_362 = arith.shrui %get3A_359, %shift_right_logical3A_361 : vector<16xi32>
      %swap3A_363 = arith.index_cast %rem3A_273 : i32 to index
      %swap3A_364 = arith.constant 48 : index
      %swap3A_365 = tpu.vector_load %arg8[%swap3A_363, %swap3A_364] {strides = array<i32>} : memref<4x64xi32, #tpu.memory_space<vmem>>, vector<1x16xi32>,
      %swap3A_366 = vector.shape_cast %swap3A_365 : vector<1x16xi32> to vector<16xi32>
      %swap3A_367 = vector.shape_cast %shift_right_logical3A_362 : vector<16xi32> to vector<1x16xi32>
      tpu.vector_store %arg8[%swap3A_363, %swap3A_364], %swap3A_367 {strides = array<i32>} : memref<4x64xi32, #tpu.memory_space<vmem>>, vector<1x16xi32>,
      %add3A_368 = arith.constant 3 : i32
      %add3A_369 = arith.addi %scan3A_272, %add3A_368 : i32
      %lt3A_370 = arith.constant 160 : i32
      %lt3A_371 = arith.cmpi slt, %add3A_369, %lt3A_370 : i32
      %convert_element_type3A_372 = arith.extui %lt3A_371 : i1 to i32
      %cond3A_373 = arith.constant 0 : i32
      %cond3A_374 = arith.cmpi ne, %convert_element_type3A_372, %cond3A_373 : i32
      scf.if %cond3A_374 {
        %add3A_385 = arith.constant 3 : i32
        %add3A_386 = arith.addi %scan3A_272, %add3A_385 : i32
        %div3A_387 = arith.constant 32 : i32
        %div3A_388 = arith.divsi %add3A_386, %div3A_387 : i32
        %rem3A_389 = arith.constant 2 : i32
        %rem3A_390 = arith.remsi %div3A_388, %rem3A_389 : i32
        %rem3A_391 = arith.constant 32 : i32
        %rem3A_392 = arith.remsi %add3A_386, %rem3A_391 : i32
        %rem3A_393 = arith.constant 4 : i32
        %rem3A_394 = arith.remsi %add3A_386, %rem3A_393 : i32
        %get3A_395 = arith.index_cast %rem3A_390 : i32 to index
        %get3A_396 = arith.index_cast %rem3A_392 : i32 to index
        %get3A_397 = arith.constant 0 : index
        %get3A_398 = tpu.vector_load %arg6[%get3A_395, %get3A_396, %get3A_397] {strides = array<i32>} : memref<2x32x64xi32, #tpu.memory_space<vmem>>, vector<1x1x16xi32>,
        %get3A_399 = vector.shape_cast %get3A_398 : vector<1x1x16xi32> to vector<16xi32>
        %and3A_400 = arith.constant 16383 : i32
        %and3A_401 = vector.broadcast %and3A_400 : i32 to vector<16xi32>
        %and3A_402 = arith.andi %get3A_399, %and3A_401 : vector<16xi32>
        %swap3A_403 = arith.index_cast %rem3A_394 : i32 to index
        %swap3A_404 = arith.constant 0 : index
        %swap3A_405 = tpu.vector_load %arg7[%swap3A_403, %swap3A_404] {strides = array<i32>} : memref<4x64xi32, #tpu.memory_space<vmem>>, vector<1x16xi32>,
        %swap3A_406 = vector.shape_cast %swap3A_405 : vector<1x16xi32> to vector<16xi32>
        %swap3A_407 = vector.shape_cast %and3A_402 : vector<16xi32> to vector<1x16xi32>
        tpu.vector_store %arg7[%swap3A_403, %swap3A_404], %swap3A_407 {strides = array<i32>} : memref<4x64xi32, #tpu.memory_space<vmem>>, vector<1x16xi32>,
        %get3A_408 = arith.index_cast %rem3A_390 : i32 to index
        %get3A_409 = arith.index_cast %rem3A_392 : i32 to index
        %get3A_410 = arith.constant 16 : index
        %get3A_411 = tpu.vector_load %arg6[%get3A_408, %get3A_409, %get3A_410] {strides = array<i32>} : memref<2x32x64xi32, #tpu.memory_space<vmem>>, vector<1x1x16xi32>,
        %get3A_412 = vector.shape_cast %get3A_411 : vector<1x1x16xi32> to vector<16xi32>
        %and3A_413 = arith.constant 16383 : i32
        %and3A_414 = vector.broadcast %and3A_413 : i32 to vector<16xi32>
        %and3A_415 = arith.andi %get3A_412, %and3A_414 : vector<16xi32>
        %swap3A_416 = arith.index_cast %rem3A_394 : i32 to index
        %swap3A_417 = arith.constant 16 : index
        %swap3A_418 = tpu.vector_load %arg7[%swap3A_416, %swap3A_417] {strides = array<i32>} : memref<4x64xi32, #tpu.memory_space<vmem>>, vector<1x16xi32>,
        %swap3A_419 = vector.shape_cast %swap3A_418 : vector<1x16xi32> to vector<16xi32>
        %swap3A_420 = vector.shape_cast %and3A_415 : vector<16xi32> to vector<1x16xi32>
        tpu.vector_store %arg7[%swap3A_416, %swap3A_417], %swap3A_420 {strides = array<i32>} : memref<4x64xi32, #tpu.memory_space<vmem>>, vector<1x16xi32>,
        %get3A_421 = arith.index_cast %rem3A_390 : i32 to index
        %get3A_422 = arith.index_cast %rem3A_392 : i32 to index
        %get3A_423 = arith.constant 32 : index
        %get3A_424 = tpu.vector_load %arg6[%get3A_421, %get3A_422, %get3A_423] {strides = array<i32>} : memref<2x32x64xi32, #tpu.memory_space<vmem>>, vector<1x1x16xi32>,
        %get3A_425 = vector.shape_cast %get3A_424 : vector<1x1x16xi32> to vector<16xi32>
        %and3A_426 = arith.constant 16383 : i32
        %and3A_427 = vector.broadcast %and3A_426 : i32 to vector<16xi32>
        %and3A_428 = arith.andi %get3A_425, %and3A_427 : vector<16xi32>
        %swap3A_429 = arith.index_cast %rem3A_394 : i32 to index
        %swap3A_430 = arith.constant 32 : index
        %swap3A_431 = tpu.vector_load %arg7[%swap3A_429, %swap3A_430] {strides = array<i32>} : memref<4x64xi32, #tpu.memory_space<vmem>>, vector<1x16xi32>,
        %swap3A_432 = vector.shape_cast %swap3A_431 : vector<1x16xi32> to vector<16xi32>
        %swap3A_433 = vector.shape_cast %and3A_428 : vector<16xi32> to vector<1x16xi32>
        tpu.vector_store %arg7[%swap3A_429, %swap3A_430], %swap3A_433 {strides = array<i32>} : memref<4x64xi32, #tpu.memory_space<vmem>>, vector<1x16xi32>,
        %get3A_434 = arith.index_cast %rem3A_390 : i32 to index
        %get3A_435 = arith.index_cast %rem3A_392 : i32 to index
        %get3A_436 = arith.constant 48 : index
        %get3A_437 = tpu.vector_load %arg6[%get3A_434, %get3A_435, %get3A_436] {strides = array<i32>} : memref<2x32x64xi32, #tpu.memory_space<vmem>>, vector<1x1x16xi32>,
        %get3A_438 = vector.shape_cast %get3A_437 : vector<1x1x16xi32> to vector<16xi32>
        %and3A_439 = arith.constant 16383 : i32
        %and3A_440 = vector.broadcast %and3A_439 : i32 to vector<16xi32>
        %and3A_441 = arith.andi %get3A_438, %and3A_440 : vector<16xi32>
        %swap3A_442 = arith.index_cast %rem3A_394 : i32 to index
        %swap3A_443 = arith.constant 48 : index
        %swap3A_444 = tpu.vector_load %arg7[%swap3A_442, %swap3A_443] {strides = array<i32>} : memref<4x64xi32, #tpu.memory_space<vmem>>, vector<1x16xi32>,
        %swap3A_445 = vector.shape_cast %swap3A_444 : vector<1x16xi32> to vector<16xi32>
        %swap3A_446 = vector.shape_cast %and3A_441 : vector<16xi32> to vector<1x16xi32>
        tpu.vector_store %arg7[%swap3A_442, %swap3A_443], %swap3A_446 {strides = array<i32>} : memref<4x64xi32, #tpu.memory_space<vmem>>, vector<1x16xi32>,
        %rem3A_447 = arith.constant 4 : i32
        %rem3A_448 = arith.remsi %add3A_386, %rem3A_447 : i32
        %rem3A_449 = arith.constant 4 : i32
        %rem3A_450 = arith.remsi %add3A_386, %rem3A_449 : i32
        %dma_start3A_451 = arith.constant 0 : i32
        %dma_start3A_452 = arith.constant 0 : i32
        %dma_start3A_453 = tpu.memref_slice %arg9[%rem3A_450, %dma_start3A_451, %dma_start3A_452] : memref<4x64x128xf32, #tpu.memory_space<vmem>> -> memref<1x64x128xf32, #tpu.memory_space<vmem>>
        %dma_start3A_454 = tpu.memref_squeeze %dma_start3A_453 : memref<1x64x128xf32, #tpu.memory_space<vmem>> -> memref<64x128xf32, #tpu.memory_space<vmem>>
        %dma_start3A_455 = arith.constant 0 : i32
        %dma_start3A_456 = tpu.memref_slice %arg7[%rem3A_448, %dma_start3A_455] : memref<4x64xi32, #tpu.memory_space<vmem>> -> memref<1x64xi32, #tpu.memory_space<vmem>>
        %dma_start3A_457 = tpu.memref_squeeze %dma_start3A_456 : memref<1x64xi32, #tpu.memory_space<vmem>> -> memref<64xi32, #tpu.memory_space<vmem>>
        %dma_start3A_458 = arith.constant 0 : i32
        %dma_start3A_459 = arith.constant 0 : i32
        %dma_start3A_460 = tpu.memref_slice %arg2[%dma_start3A_458, %dma_start3A_459] : memref<10000x128xf32, #tpu.memory_space<hbm>> -> memref<10000x128xf32, #tpu.memory_space<hbm>>
        tpu.enqueue_indirect_dma source(%dma_start3A_460 : memref<10000x128xf32, #tpu.memory_space<hbm>>) target(%dma_start3A_454 : memref<64x128xf32, #tpu.memory_space<vmem>>) offsets(%dma_start3A_457 : memref<64xi32, #tpu.memory_space<vmem>>) semaphore(%arg11 : memref<!tpu.dma_semaphore, #tpu.memory_space<semaphore_mem>>)
      } else {
      }
      %dma_start3A_375 = arith.constant 0 : i32
      %dma_start3A_376 = arith.constant 0 : i32
      %dma_start3A_377 = tpu.memref_slice %arg9[%rem3A_273, %dma_start3A_375, %dma_start3A_376] : memref<4x64x128xf32, #tpu.memory_space<vmem>> -> memref<1x64x128xf32, #tpu.memory_space<vmem>>
      %dma_start3A_378 = tpu.memref_squeeze %dma_start3A_377 : memref<1x64x128xf32, #tpu.memory_space<vmem>> -> memref<64x128xf32, #tpu.memory_space<vmem>>
      %dma_start3A_379 = arith.constant 0 : i32
      %dma_start3A_380 = tpu.memref_slice %arg8[%rem3A_273, %dma_start3A_379] : memref<4x64xi32, #tpu.memory_space<vmem>> -> memref<1x64xi32, #tpu.memory_space<vmem>>
      %dma_start3A_381 = tpu.memref_squeeze %dma_start3A_380 : memref<1x64xi32, #tpu.memory_space<vmem>> -> memref<64xi32, #tpu.memory_space<vmem>>
      %dma_start3A_382 = arith.constant 0 : i32
      %dma_start3A_383 = arith.constant 0 : i32
      %dma_start3A_384 = tpu.memref_slice %arg10[%dma_start3A_382, %dma_start3A_383] : memref<10112x128xf32, #tpu.memory_space<vmem_shared>> -> memref<10112x128xf32, #tpu.memory_space<vmem_shared>>
      tpu.enqueue_indirect_dma source(%dma_start3A_378 : memref<64x128xf32, #tpu.memory_space<vmem>>) target(%dma_start3A_384 : memref<10112x128xf32, #tpu.memory_space<vmem_shared>>) offsets(%dma_start3A_381 : memref<64xi32, #tpu.memory_space<vmem>>) semaphore(%arg12 : memref<!tpu.dma_semaphore, #tpu.memory_space<semaphore_mem>>) {add = true}
    }
    %scan3A_252 = arith.constant 160 : i32
    %dma_wait3A = arith.constant 0 : i32
    %dma_wait3A_253 = arith.constant 0 : i32
    %dma_wait3A_254 = arith.constant 0 : i32
    %dma_wait3A_255 = tpu.memref_slice %arg9[%dma_wait3A, %dma_wait3A_253, %dma_wait3A_254] : memref<4x64x128xf32, #tpu.memory_space<vmem>> -> memref<1x64x128xf32, #tpu.memory_space<vmem>>
    %dma_wait3A_256 = tpu.memref_squeeze %dma_wait3A_255 : memref<1x64x128xf32, #tpu.memory_space<vmem>> -> memref<64x128xf32, #tpu.memory_space<vmem>>
    %dma_wait3A_257 = arith.constant 0 : i32
    %dma_wait3A_258 = arith.constant 0 : i32
    %dma_wait3A_259 = tpu.memref_slice %arg2[%dma_wait3A_257, %dma_wait3A_258] : memref<10000x128xf32, #tpu.memory_space<hbm>> -> memref<64x128xf32, #tpu.memory_space<hbm>>
    %dma_wait3A_260 = arith.constant 0 : i32
    %dma_wait3A_261 = arith.constant 0 : i32
    %dma_wait3A_262 = tpu.memref_slice %arg9[%dma_wait3A, %dma_wait3A_260, %dma_wait3A_261] : memref<4x64x128xf32, #tpu.memory_space<vmem>> -> memref<1x64x128xf32, #tpu.memory_space<vmem>>
    %dma_wait3A_263 = tpu.memref_squeeze %dma_wait3A_262 : memref<1x64x128xf32, #tpu.memory_space<vmem>> -> memref<64x128xf32, #tpu.memory_space<vmem>>
    %dma_wait3A_264 = arith.constant 0 : i32
    %dma_wait3A_265 = arith.constant 0 : i32
    %dma_wait3A_266 = tpu.memref_slice %arg2[%dma_wait3A_264, %dma_wait3A_265] : memref<10000x128xf32, #tpu.memory_space<hbm>> -> memref<64x128xf32, #tpu.memory_space<hbm>>
    tpu.wait_dma2 semaphore(%arg12 : memref<!tpu.dma_semaphore, #tpu.memory_space<semaphore_mem>>) src(%dma_wait3A_266 : memref<64x128xf32, #tpu.memory_space<hbm>>) dst(%dma_wait3A_263 : memref<64x128xf32, #tpu.memory_space<vmem>>)
    %barrier3A_267 = arith.constant 0 : index
    tpu.barrier barrier_id(%barrier3A_267)
    %mul3A_268 = arith.constant 632 : i32
    %mul3A_269 = arith.muli %arg1, %mul3A_268 : i32
    %mul3A_270 = arith.constant 632 : i32
    %mul3A_271 = arith.muli %arg1, %mul3A_270 : i32
    "tpu.region"() ({
      %run_scoped3A_272 = tpu.sem_alloc : memref<!tpu.dma_semaphore, #tpu.memory_space<semaphore_mem>>
      %dma_start3A_273 = arith.constant 0 : i32
      %dma_start3A_274 = tpu.memref_slice %arg5[%arg0, %mul3A_271, %dma_start3A_273] : memref<2x10112x128xf32, #tpu.memory_space<hbm>> -> memref<1x632x128xf32, #tpu.memory_space<hbm>>
      %dma_start3A_275 = tpu.memref_squeeze %dma_start3A_274 : memref<1x632x128xf32, #tpu.memory_space<hbm>> -> memref<632x128xf32, #tpu.memory_space<hbm>>
      %dma_start3A_276 = arith.constant 0 : i32
      %dma_start3A_277 = tpu.memref_slice %arg10[%mul3A_269, %dma_start3A_276] : memref<10112x128xf32, #tpu.memory_space<vmem_shared>> -> memref<632x128xf32, #tpu.memory_space<vmem_shared>>
      tpu.enqueue_dma source(%dma_start3A_277 : memref<632x128xf32, #tpu.memory_space<vmem_shared>>) target(%dma_start3A_275 : memref<632x128xf32, #tpu.memory_space<hbm>>) target_semaphore(%run_scoped3A_272 : memref<!tpu.dma_semaphore, #tpu.memory_space<semaphore_mem>>)
      %dma_wait3A_278 = arith.constant 0 : i32
      %dma_wait3A_279 = tpu.memref_slice %arg5[%arg0, %mul3A_271, %dma_wait3A_278] : memref<2x10112x128xf32, #tpu.memory_space<hbm>> -> memref<1x632x128xf32, #tpu.memory_space<hbm>>
      %dma_wait3A_280 = tpu.memref_squeeze %dma_wait3A_279 : memref<1x632x128xf32, #tpu.memory_space<hbm>> -> memref<632x128xf32, #tpu.memory_space<hbm>>
      %dma_wait3A_281 = arith.constant 0 : i32
      %dma_wait3A_282 = tpu.memref_slice %arg10[%mul3A_269, %dma_wait3A_281] : memref<10112x128xf32, #tpu.memory_space<vmem_shared>> -> memref<632x128xf32, #tpu.memory_space<vmem_shared>>
      tpu.wait_dma2 semaphore(%run_scoped3A_272 : memref<!tpu.dma_semaphore, #tpu.memory_space<semaphore_mem>>) src(%dma_wait3A_282 : memref<632x128xf32, #tpu.memory_space<vmem_shared>>) dst(%dma_wait3A_280 : memref<632x128xf32, #tpu.memory_space<hbm>>)
      tpu.yield
    }) : () -> ()
    return
  }
}

module attributes {stable_mosaic.version = 14 : i64} {
  func.func @_lin_body(%arg0: i32, %arg1: memref<1000x128xf32, #tpu.memory_space<vmem>>, %arg2: memref<128x128xf32, #tpu.memory_space<vmem>>, %arg3: memref<1x128xf32, #tpu.memory_space<vmem>>, %arg4: memref<128x128xf32, #tpu.memory_space<vmem>>, %arg5: memref<1000x128xf32, #tpu.memory_space<vmem>>, %arg6: memref<1000x128xf32, #tpu.memory_space<vmem>>) attributes {dimension_semantics = [#tpu.dimension_semantics<arbitrary>], iteration_bounds = array<i64: 10>, scalar_prefetch = 0 : i64, scratch_operands = 0 : i64, tpu.core_type = #tpu.core_type<tc>, window_params = [{transform_indices = @transform_0, window_bounds = array<i64: 1000, 128>}, {pipeline_mode = #tpu.pipeline_mode<synchronous>, transform_indices = @transform_1, window_bounds = array<i64: 128, 128>}, {pipeline_mode = #tpu.pipeline_mode<synchronous>, transform_indices = @transform_2, window_bounds = array<i64: 1, 128>}, {pipeline_mode = #tpu.pipeline_mode<synchronous>, transform_indices = @transform_3, window_bounds = array<i64: 128, 128>}, {transform_indices = @transform_4, window_bounds = array<i64: 1000, 128>}, {transform_indices = @transform_5, window_bounds = array<i64: 1000, 128>}]} {
    %get3A = arith.constant 0 : index
    %get3A_0 = arith.constant 0 : index
    %get3A_1 = vector.load %arg1[%get3A, %get3A_0] : memref<1000x128xf32, #tpu.memory_space<vmem>>, vector<1000x128xf32>
    %get3A_2 = arith.constant 0 : index
    %get3A_3 = arith.constant 0 : index
    %get3A_4 = vector.load %arg2[%get3A_2, %get3A_3] : memref<128x128xf32, #tpu.memory_space<vmem>>, vector<128x128xf32>
    %dot_general3A = arith.constant dense<0.000000e+00> : vector<1000x128xf32>
    %dot_general3A_5 = tpu.matmul %get3A_1, %get3A_4, %dot_general3A {dimension_numbers = #tpu.dot_dimension_numbers<[1], [0], [0], [1], [0, 0, 1, 1], [], []>, precision = #tpu.contract_precision<fp32>, transpose_lhs_hint = false} : vector<1000x128xf32>, vector<128x128xf32>, vector<1000x128xf32> -> vector<1000x128xf32>
    %get3A_6 = arith.constant 0 : index
    %get3A_7 = arith.constant 0 : index
    %get3A_8 = vector.load %arg3[%get3A_6, %get3A_7] : memref<1x128xf32, #tpu.memory_space<vmem>>, vector<1x128xf32>
    %add3A = vector.broadcast %get3A_8 : vector<1x128xf32> to vector<1000x128xf32>
    %add3A_9 = arith.addf %dot_general3A_5, %add3A : vector<1000x128xf32>
    %swap3A = arith.constant 0 : index
    %swap3A_10 = arith.constant 0 : index
    %swap3A_11 = vector.load %arg5[%swap3A, %swap3A_10] : memref<1000x128xf32, #tpu.memory_space<vmem>>, vector<1000x128xf32>
    tpu.vector_store %arg5[%swap3A, %swap3A_10], %add3A_9 {strides = array<i32>} : memref<1000x128xf32, #tpu.memory_space<vmem>>, vector<1000x128xf32>,
    %get3A_12 = arith.constant 0 : index
    %get3A_13 = arith.constant 0 : index
    %get3A_14 = vector.load %arg4[%get3A_12, %get3A_13] : memref<128x128xf32, #tpu.memory_space<vmem>>, vector<128x128xf32>
    %dot_general3A_15 = arith.constant dense<0.000000e+00> : vector<1000x128xf32>
    %dot_general3A_16 = tpu.matmul %get3A_1, %get3A_14, %dot_general3A_15 {dimension_numbers = #tpu.dot_dimension_numbers<[1], [0], [0], [1], [0, 0, 1, 1], [], []>, precision = #tpu.contract_precision<fp32>, transpose_lhs_hint = false} : vector<1000x128xf32>, vector<128x128xf32>, vector<1000x128xf32> -> vector<1000x128xf32>
    %swap3A_17 = arith.constant 0 : index
    %swap3A_18 = arith.constant 0 : index
    %swap3A_19 = vector.load %arg6[%swap3A_17, %swap3A_18] : memref<1000x128xf32, #tpu.memory_space<vmem>>, vector<1000x128xf32>
    tpu.vector_store %arg6[%swap3A_17, %swap3A_18], %dot_general3A_16 {strides = array<i32>} : memref<1000x128xf32, #tpu.memory_space<vmem>>, vector<1000x128xf32>,
    return
  }
  func.func @transform_0(%arg0: i32) -> (i32, i32) {
    %c0_i32 = arith.constant 0 : i32
    %c0_i32_0 = arith.constant 0 : i32
    return %arg0, %c0_i32 : i32, i32
  }
  func.func @transform_1(%arg0: i32) -> (i32, i32) {
    %c0_i32 = arith.constant 0 : i32
    %c0_i32_0 = arith.constant 0 : i32
    %c0_i32_1 = arith.constant 0 : i32
    return %c0_i32, %c0_i32_0 : i32, i32
  }
  func.func @transform_2(%arg0: i32) -> (i32, i32) {
    %c0_i32 = arith.constant 0 : i32
    %c0_i32_0 = arith.constant 0 : i32
    %c0_i32_1 = arith.constant 0 : i32
    return %c0_i32, %c0_i32_0 : i32, i32
  }
  func.func @transform_3(%arg0: i32) -> (i32, i32) {
    %c0_i32 = arith.constant 0 : i32
    %c0_i32_0 = arith.constant 0 : i32
    %c0_i32_1 = arith.constant 0 : i32
    return %c0_i32, %c0_i32_0 : i32, i32
  }
  func.func @transform_4(%arg0: i32) -> (i32, i32) {
    %c0_i32 = arith.constant 0 : i32
    %c0_i32_0 = arith.constant 0 : i32
    return %arg0, %c0_i32 : i32, i32
  }
  func.func @transform_5(%arg0: i32) -> (i32, i32) {
    %c0_i32 = arith.constant 0 : i32
    %c0_i32_0 = arith.constant 0 : i32
    return %arg0, %c0_i32 : i32, i32
  }
}

module attributes {stable_mosaic.version = 14 : i64} {
  func.func @_scale_body(%arg0: i32, %arg1: memref<2x1000x128xf32, #tpu.memory_space<vmem>>, %arg2: memref<1000x128xf32, #tpu.memory_space<vmem>>, %arg3: memref<1000x128xf32, #tpu.memory_space<vmem>>, %arg4: memref<1000x128xf32, #tpu.memory_space<vmem>>) attributes {dimension_semantics = [#tpu.dimension_semantics<arbitrary>], iteration_bounds = array<i64: 10>, scalar_prefetch = 0 : i64, scratch_operands = 0 : i64, tpu.core_type = #tpu.core_type<tc>, window_params = [{transform_indices = @transform_0, window_bounds = array<i64: 2, 1000, 128>}, {transform_indices = @transform_1, window_bounds = array<i64: 1000, 128>}, {transform_indices = @transform_2, window_bounds = array<i64: 1000, 128>}, {transform_indices = @transform_3, window_bounds = array<i64: 1000, 128>}]} {
    %get3A = arith.constant 0 : index
    %get3A_0 = arith.constant 0 : index
    %get3A_1 = arith.constant 0 : index
    %get3A_2 = vector.load %arg1[%get3A, %get3A_0, %get3A_1] : memref<2x1000x128xf32, #tpu.memory_space<vmem>>, vector<1x1000x1xf32>
    %get3A_3 = vector.shape_cast %get3A_2 : vector<1x1000x1xf32> to vector<1000x1xf32>
    %add3A = arith.constant 1.000000e+00 : f32
    %add3A_4 = vector.broadcast %add3A : f32 to vector<1000x1xf32>
    %add3A_5 = arith.addf %add3A_4, %get3A_3 : vector<1000x1xf32>
    %get3A_6 = arith.constant 1 : index
    %get3A_7 = arith.constant 0 : index
    %get3A_8 = arith.constant 0 : index
    %get3A_9 = vector.load %arg1[%get3A_6, %get3A_7, %get3A_8] : memref<2x1000x128xf32, #tpu.memory_space<vmem>>, vector<1x1000x1xf32>
    %get3A_10 = vector.shape_cast %get3A_9 : vector<1x1000x1xf32> to vector<1000x1xf32>
    %add3A_11 = arith.addf %add3A_5, %get3A_10 : vector<1000x1xf32>
    %rsqrt3A = math.rsqrt %add3A_11 : vector<1000x1xf32>
    %get3A_12 = arith.constant 0 : index
    %get3A_13 = arith.constant 0 : index
    %get3A_14 = vector.load %arg2[%get3A_12, %get3A_13] : memref<1000x128xf32, #tpu.memory_space<vmem>>, vector<1000x128xf32>
    %mul3A = vector.broadcast %rsqrt3A : vector<1000x1xf32> to vector<1000x128xf32>
    %mul3A_15 = arith.mulf %get3A_14, %mul3A : vector<1000x128xf32>
    %swap3A = arith.constant 0 : index
    %swap3A_16 = arith.constant 0 : index
    %swap3A_17 = vector.load %arg3[%swap3A, %swap3A_16] : memref<1000x128xf32, #tpu.memory_space<vmem>>, vector<1000x128xf32>
    tpu.vector_store %arg3[%swap3A, %swap3A_16], %mul3A_15 {strides = array<i32>} : memref<1000x128xf32, #tpu.memory_space<vmem>>, vector<1000x128xf32>,
    %broadcast_in_dim3A = vector.shape_cast %rsqrt3A : vector<1000x1xf32> to vector<1000x1xf32>
    %broadcast_in_dim3A_18 = vector.broadcast %broadcast_in_dim3A : vector<1000x1xf32> to vector<1000x128xf32>
    %swap3A_19 = arith.constant 0 : index
    %swap3A_20 = arith.constant 0 : index
    %swap3A_21 = vector.load %arg4[%swap3A_19, %swap3A_20] : memref<1000x128xf32, #tpu.memory_space<vmem>>, vector<1000x128xf32>
    tpu.vector_store %arg4[%swap3A_19, %swap3A_20], %broadcast_in_dim3A_18 {strides = array<i32>} : memref<1000x128xf32, #tpu.memory_space<vmem>>, vector<1000x128xf32>,
    return
  }
  func.func @transform_0(%arg0: i32) -> (i32, i32, i32) {
    %c0_i32 = arith.constant 0 : i32
    %c0_i32_0 = arith.constant 0 : i32
    %c0_i32_1 = arith.constant 0 : i32
    return %c0_i32, %arg0, %c0_i32_0 : i32, i32, i32
  }
  func.func @transform_1(%arg0: i32) -> (i32, i32) {
    %c0_i32 = arith.constant 0 : i32
    %c0_i32_0 = arith.constant 0 : i32
    return %arg0, %c0_i32 : i32, i32
  }
  func.func @transform_2(%arg0: i32) -> (i32, i32) {
    %c0_i32 = arith.constant 0 : i32
    %c0_i32_0 = arith.constant 0 : i32
    return %arg0, %c0_i32 : i32, i32
  }
  func.func @transform_3(%arg0: i32) -> (i32, i32) {
    %c0_i32 = arith.constant 0 : i32
    %c0_i32_0 = arith.constant 0 : i32
    return %arg0, %c0_i32 : i32, i32
  }
}

module attributes {stable_mosaic.version = 14 : i64} {
  func.func @_mid_body(%arg0: i32, %arg1: memref<2x1000x128xf32, #tpu.memory_space<vmem>>, %arg2: memref<1000x128xf32, #tpu.memory_space<vmem>>, %arg3: memref<1000x128xf32, #tpu.memory_space<vmem>>, %arg4: memref<1000x128xf32, #tpu.memory_space<vmem>>, %arg5: memref<128x128xf32, #tpu.memory_space<vmem>>, %arg6: memref<1000x128xf32, #tpu.memory_space<vmem>>) attributes {dimension_semantics = [#tpu.dimension_semantics<arbitrary>], iteration_bounds = array<i64: 10>, scalar_prefetch = 0 : i64, scratch_operands = 0 : i64, tpu.core_type = #tpu.core_type<tc>, window_params = [{transform_indices = @transform_0, window_bounds = array<i64: 2, 1000, 128>}, {transform_indices = @transform_1, window_bounds = array<i64: 1000, 128>}, {transform_indices = @transform_2, window_bounds = array<i64: 1000, 128>}, {transform_indices = @transform_3, window_bounds = array<i64: 1000, 128>}, {pipeline_mode = #tpu.pipeline_mode<synchronous>, transform_indices = @transform_4, window_bounds = array<i64: 128, 128>}, {transform_indices = @transform_5, window_bounds = array<i64: 1000, 128>}]} {
    %get3A = arith.constant 0 : index
    %get3A_0 = arith.constant 0 : index
    %get3A_1 = vector.load %arg3[%get3A, %get3A_0] : memref<1000x128xf32, #tpu.memory_space<vmem>>, vector<1000x128xf32>
    %get3A_2 = arith.constant 0 : index
    %get3A_3 = arith.constant 0 : index
    %get3A_4 = arith.constant 0 : index
    %get3A_5 = vector.load %arg1[%get3A_2, %get3A_3, %get3A_4] : memref<2x1000x128xf32, #tpu.memory_space<vmem>>, vector<1x1000x128xf32>
    %get3A_6 = vector.shape_cast %get3A_5 : vector<1x1000x128xf32> to vector<1000x128xf32>
    %get3A_7 = arith.constant 1 : index
    %get3A_8 = arith.constant 0 : index
    %get3A_9 = arith.constant 0 : index
    %get3A_10 = vector.load %arg1[%get3A_7, %get3A_8, %get3A_9] : memref<2x1000x128xf32, #tpu.memory_space<vmem>>, vector<1x1000x128xf32>
    %get3A_11 = vector.shape_cast %get3A_10 : vector<1x1000x128xf32> to vector<1000x128xf32>
    %add3A = arith.addf %get3A_6, %get3A_11 : vector<1000x128xf32>
    %get3A_12 = arith.constant 0 : index
    %get3A_13 = arith.constant 0 : index
    %get3A_14 = vector.load %arg2[%get3A_12, %get3A_13] : memref<1000x128xf32, #tpu.memory_space<vmem>>, vector<1000x128xf32>
    %add3A_15 = arith.addf %add3A, %get3A_14 : vector<1000x128xf32>
    %mul3A = arith.mulf %add3A_15, %get3A_1 : vector<1000x128xf32>
    %max3A = arith.constant 0.000000e+00 : f32
    %max3A_16 = vector.broadcast %max3A : f32 to vector<1000x128xf32>
    %max3A_17 = arith.maximumf %mul3A, %max3A_16 : vector<1000x128xf32>
    %get3A_18 = arith.constant 0 : index
    %get3A_19 = arith.constant 0 : index
    %get3A_20 = vector.load %arg4[%get3A_18, %get3A_19] : memref<1000x128xf32, #tpu.memory_space<vmem>>, vector<1000x128xf32>
    %add3A_21 = arith.addf %max3A_17, %get3A_20 : vector<1000x128xf32>
    %get3A_22 = arith.constant 0 : index
    %get3A_23 = arith.constant 0 : index
    %get3A_24 = vector.load %arg5[%get3A_22, %get3A_23] : memref<128x128xf32, #tpu.memory_space<vmem>>, vector<128x128xf32>
    %dot_general3A = arith.constant dense<0.000000e+00> : vector<1000x128xf32>
    %dot_general3A_25 = tpu.matmul %add3A_21, %get3A_24, %dot_general3A {dimension_numbers = #tpu.dot_dimension_numbers<[1], [0], [0], [1], [0, 0, 1, 1], [], []>, precision = #tpu.contract_precision<fp32>, transpose_lhs_hint = false} : vector<1000x128xf32>, vector<128x128xf32>, vector<1000x128xf32> -> vector<1000x128xf32>
    %mul3A_26 = arith.mulf %dot_general3A_25, %get3A_1 : vector<1000x128xf32>
    %swap3A = arith.constant 0 : index
    %swap3A_27 = arith.constant 0 : index
    %swap3A_28 = vector.load %arg6[%swap3A, %swap3A_27] : memref<1000x128xf32, #tpu.memory_space<vmem>>, vector<1000x128xf32>
    tpu.vector_store %arg6[%swap3A, %swap3A_27], %mul3A_26 {strides = array<i32>} : memref<1000x128xf32, #tpu.memory_space<vmem>>, vector<1000x128xf32>,
    return
  }
  func.func @transform_0(%arg0: i32) -> (i32, i32, i32) {
    %c0_i32 = arith.constant 0 : i32
    %c0_i32_0 = arith.constant 0 : i32
    %c0_i32_1 = arith.constant 0 : i32
    return %c0_i32, %arg0, %c0_i32_0 : i32, i32, i32
  }
  func.func @transform_1(%arg0: i32) -> (i32, i32) {
    %c0_i32 = arith.constant 0 : i32
    %c0_i32_0 = arith.constant 0 : i32
    return %arg0, %c0_i32 : i32, i32
  }
  func.func @transform_2(%arg0: i32) -> (i32, i32) {
    %c0_i32 = arith.constant 0 : i32
    %c0_i32_0 = arith.constant 0 : i32
    return %arg0, %c0_i32 : i32, i32
  }
  func.func @transform_3(%arg0: i32) -> (i32, i32) {
    %c0_i32 = arith.constant 0 : i32
    %c0_i32_0 = arith.constant 0 : i32
    return %arg0, %c0_i32 : i32, i32
  }
  func.func @transform_4(%arg0: i32) -> (i32, i32) {
    %c0_i32 = arith.constant 0 : i32
    %c0_i32_0 = arith.constant 0 : i32
    %c0_i32_1 = arith.constant 0 : i32
    return %c0_i32, %c0_i32_0 : i32, i32
  }
  func.func @transform_5(%arg0: i32) -> (i32, i32) {
    %c0_i32 = arith.constant 0 : i32
    %c0_i32_0 = arith.constant 0 : i32
    return %arg0, %c0_i32 : i32, i32
  }
}

module attributes {stable_mosaic.version = 14 : i64} {
  func.func @_final_body(%arg0: i32, %arg1: memref<2x1000x128xf32, #tpu.memory_space<vmem>>, %arg2: memref<1000x128xf32, #tpu.memory_space<vmem>>, %arg3: memref<1000x128xf32, #tpu.memory_space<vmem>>, %arg4: memref<1000x128xf32, #tpu.memory_space<vmem>>) attributes {dimension_semantics = [#tpu.dimension_semantics<arbitrary>], iteration_bounds = array<i64: 10>, scalar_prefetch = 0 : i64, scratch_operands = 0 : i64, tpu.core_type = #tpu.core_type<tc>, window_params = [{transform_indices = @transform_0, window_bounds = array<i64: 2, 1000, 128>}, {transform_indices = @transform_1, window_bounds = array<i64: 1000, 128>}, {transform_indices = @transform_2, window_bounds = array<i64: 1000, 128>}, {transform_indices = @transform_3, window_bounds = array<i64: 1000, 128>}]} {
    %get3A = arith.constant 0 : index
    %get3A_0 = arith.constant 0 : index
    %get3A_1 = arith.constant 0 : index
    %get3A_2 = vector.load %arg1[%get3A, %get3A_0, %get3A_1] : memref<2x1000x128xf32, #tpu.memory_space<vmem>>, vector<1x1000x128xf32>
    %get3A_3 = vector.shape_cast %get3A_2 : vector<1x1000x128xf32> to vector<1000x128xf32>
    %get3A_4 = arith.constant 1 : index
    %get3A_5 = arith.constant 0 : index
    %get3A_6 = arith.constant 0 : index
    %get3A_7 = vector.load %arg1[%get3A_4, %get3A_5, %get3A_6] : memref<2x1000x128xf32, #tpu.memory_space<vmem>>, vector<1x1000x128xf32>
    %get3A_8 = vector.shape_cast %get3A_7 : vector<1x1000x128xf32> to vector<1000x128xf32>
    %add3A = arith.addf %get3A_3, %get3A_8 : vector<1000x128xf32>
    %get3A_9 = arith.constant 0 : index
    %get3A_10 = arith.constant 0 : index
    %get3A_11 = vector.load %arg2[%get3A_9, %get3A_10] : memref<1000x128xf32, #tpu.memory_space<vmem>>, vector<1000x128xf32>
    %add3A_12 = arith.addf %add3A, %get3A_11 : vector<1000x128xf32>
    %get3A_13 = arith.constant 0 : index
    %get3A_14 = arith.constant 0 : index
    %get3A_15 = vector.load %arg3[%get3A_13, %get3A_14] : memref<1000x128xf32, #tpu.memory_space<vmem>>, vector<1000x128xf32>
    %mul3A = arith.mulf %add3A_12, %get3A_15 : vector<1000x128xf32>
    %swap3A = arith.constant 0 : index
    %swap3A_16 = arith.constant 0 : index
    %swap3A_17 = vector.load %arg4[%swap3A, %swap3A_16] : memref<1000x128xf32, #tpu.memory_space<vmem>>, vector<1000x128xf32>
    tpu.vector_store %arg4[%swap3A, %swap3A_16], %mul3A {strides = array<i32>} : memref<1000x128xf32, #tpu.memory_space<vmem>>, vector<1000x128xf32>,
    return
  }
  func.func @transform_0(%arg0: i32) -> (i32, i32, i32) {
    %c0_i32 = arith.constant 0 : i32
    %c0_i32_0 = arith.constant 0 : i32
    %c0_i32_1 = arith.constant 0 : i32
    return %c0_i32, %arg0, %c0_i32_0 : i32, i32, i32
  }
  func.func @transform_1(%arg0: i32) -> (i32, i32) {
    %c0_i32 = arith.constant 0 : i32
    %c0_i32_0 = arith.constant 0 : i32
    return %arg0, %c0_i32 : i32, i32
  }
  func.func @transform_2(%arg0: i32) -> (i32, i32) {
    %c0_i32 = arith.constant 0 : i32
    %c0_i32_0 = arith.constant 0 : i32
    return %arg0, %c0_i32 : i32, i32
  }
  func.func @transform_3(%arg0: i32) -> (i32, i32) {
    %c0_i32 = arith.constant 0 : i32
    %c0_i32_0 = arith.constant 0 : i32
    return %arg0, %c0_i32 : i32, i32
  }
}

</mosaic_0001>

<sc_bundles>
// kernel: kernel.11.cloned.1.call-start
scs
__scs_entry_jumppad:
0x0: {  	(pc) =	sbr.rel $0x88, $3  }
0x1: {  	(tag) =	ssettag $0x0;
	lr =	simm.s32 $0x1  }
0x2: {  	[smem:$0x3F9A] =	sst lr;
	_ =	strace $0xD0000000  }
0x3: {  	_ = 	snop  }
0x4: {  	_ = 	snop  }
0x5: {  	_ = 	snop  }
0x6: {  	_ = 	snop  }
0x7: {  	_ = 	snop  }
__scs_overlays_trampoline_lowered:
0x8: {  	[smem:$0x3FA9] =	sst s0  }
0x9: {  	[smem:$0x3FAA] =	sst s1  }
0xa: {  	[smem:$0x3FAB] =	sst s2  }
0xb: {  	[smem:$0x3FAC] =	sst s3  }
0xc: {  	[smem:$0x3FAD] =	sst s4  }
0xd: {  	[smem:$0x3FAE] =	sst s5  }
0xe: {  	[smem:$0x3FAF] =	sst s6  }
0xf: {  	[smem:$0x3FB0] =	sst s7  }
0x10: {  	[smem:$0x3FB1] =	sst s8  }
0x11: {  	[smem:$0x3FB2] =	sst s9;
	s0 =	simm.s32 @!p0 $0x0  }
0x12: {  	s1 =	sld [smem:$0x3F98];
	s0 =	simm.s32 @p0 $0x1  }
0x13: {  	[smem:$0x3FB3] =	sst s0;
	s0 =	simm.s32 @!p1 $0x0  }
0x14: {  	s2 =	sld [smem:$0x3F97];
	s0 =	simm.s32 @p1 $0x1  }
0x15: {  	[smem:$0x3FB4] =	sst s0;
	s0 =	simm.s32 @!p2 $0x0  }
0x16: {  	s3 =	sld [smem:$0x3FDB];
	s0 =	simm.s32 @p2 $0x1  }
0x17: {  	s4 =	simm.s32 $0x1BF5;
	[smem:$0x3FB6] =	sst s0  }
0x18: {  	s0 =	sld [smem:$0x3F99];
	_ =	swait.ge [sflag:s4], $0x0  }
0x19: {  	s7 =	sld [smem:$0x3F9A]  }
0x1a: {  	s8 =	sadd.s32 $0xFFFFE003, lr  }
0x1b: {  	s9 =	sadd.s32 $0xFFFFFEF7, lr;
	s5 =	simm.s32 $0xFFFFFFFF;
	p2 =	slt.u32 s8, $0xFFFFF086  }
0x1c: {  	p1 =	slt.u32 s9, $0xF7A;
	s5 =	simm.s32 @!p2 $0x0  }
0x1d: {  	s5 =	simm.s32 @p1 $0x1;
	p0 =	seq.s32 s7, s2  }
0x1e: {  	s7 =	smul.u32 @!p0 $0xF7A, s2;
	p2 =	seq.s32 @!p0 s5, $0x0  }
0x1f: {  	s9 =	smul.u32 $0xF7A, s1;
	s8 =	simm.s32 @!p0 $0x1BF5;
	p2 =	por !p2, p0  }
0x20: {  	[sflag:s8] =	ssyncset.s32 @!p0 $0xFFFFF086;
	s6 =	sadd.s32 @!p0 s3, s7;
	s7 =	simm.s32 @!p0 $0x108  }
0x21: {  	s3 =	sadd.s32 s3, s9;
	s6 =	sadd.s32 @!p0 $0x88, s6;
	s7 =	simm.s32 @p2 $0x1082  }
0x22: {  	[simem:s7], [sflag:s8] =	dma.local @!p0 [hbm:s6], $0xF7A  }
0x23: {  	s9 =	sor.u32 $0xD0000000, s2;
	s6 =	simm.s32 $0x108;
	_ =	swait.ge @!p0 [sflag:s8], $0x0  }
0x24: {  	s3 =	sadd.s32 $0x88, s3;
	s6 =	simm.s32 @!p1 $0x1082;
	[sflag:s4] =	ssyncset.s32 $0xFFFFF086  }
0x25: {  	[simem:s6], [sflag:s4] =	dma.local [hbm:s3], $0xF7A  }
0x26: {  	[smem:$0x3F9A] =	sst s1;
	(tag) =	ssettag s2;
	_ =	strace s9  }
0x27: {  	s1 =	sld [smem:$0x3FAA]  }
0x28: {  	s2 =	sld [smem:$0x3FAB]  }
0x29: {  	s4 =	sld [smem:$0x3FAD]  }
0x2a: {  	p0 =	seq.s32 s5, $0x0;
	s5 =	sld [smem:$0x3FAE]  }
0x2b: {  	s6 =	sld [smem:$0x3FAF]  }
0x2c: {  	s7 =	sld [smem:$0x3FB0]  }
0x2d: {  	s3 =	simm.s32 $0x108;
	s8 =	sld [smem:$0x3FB1]  }
0x2e: {  	s3 =	simm.s32 @!p0 $0x1082;
	s9 =	sld [smem:$0x3FB2]  }
0x2f: {  	lr =	sadd.s32 s0, s3;
	s0 =	sld [smem:$0x3FA9]  }
0x30: {  	s3 =	sld [smem:$0x3FAC]  }
0x31: {  	[smem:$0x3FB5] =	sst s10  }
0x32: {  	s10 =	sld [smem:$0x3FB3];
	_ =	sdelay $0x3  }
0x33: {  	p0 =	seq.s32 s10, $0x1;
	s10 =	sld [smem:$0x3FB5];
	_ =	sdelay $0x3  }
0x34: {  	[smem:$0x3FB5] =	sst s10  }
0x35: {  	s10 =	sld [smem:$0x3FB4];
	_ =	sdelay $0x3  }
0x36: {  	p1 =	seq.s32 s10, $0x1;
	s10 =	sld [smem:$0x3FB5];
	_ =	sdelay $0x3  }
0x37: {  	[smem:$0x3FB5] =	sst s10  }
0x38: {  	s10 =	sld [smem:$0x3FB6]  }
0x39: {  	_ = 	snop;
	(pc) =	sbr.ind lr, $3  }
0x3a: {  	_ = 	snop  }
0x3b: {  	_ = 	snop  }
0x3c: {  	p2 =	seq.s32 s10, $0x1;
	s10 =	sld [smem:$0x3FB5]  }
0x3d: {  	_ =	shalt  }
0x3e: {  	_ =	shalt  }
0x3f: {  	_ =	shalt  }
0x40: {  	_ =	shalt  }
0x41: {  	_ =	shalt  }
0x42: {  	_ =	shalt  }
0x43: {  	_ =	shalt  }
0x44: {  	_ =	shalt  }
0x45: {  	_ =	shalt  }
0x46: {  	_ =	shalt  }
0x47: {  	_ =	shalt  }
0x48: {  	_ =	shalt  }
0x49: {  	_ =	shalt  }
0x4a: {  	_ =	shalt  }
0x4b: {  	_ =	shalt  }
0x4c: {  	_ =	shalt  }
0x4d: {  	_ =	shalt  }
0x4e: {  	_ =	shalt  }
0x4f: {  	_ =	shalt  }
0x50: {  	_ =	shalt  }
0x51: {  	_ =	shalt  }
0x52: {  	_ =	shalt  }
0x53: {  	_ =	shalt  }
0x54: {  	_ =	shalt  }
0x55: {  	_ =	shalt  }
0x56: {  	_ =	shalt  }
0x57: {  	_ =	shalt  }
0x58: {  	_ =	shalt  }
0x59: {  	_ =	shalt  }
0x5a: {  	_ =	shalt  }
0x5b: {  	_ =	shalt  }
0x5c: {  	_ =	shalt  }
0x5d: {  	_ =	shalt  }
0x5e: {  	_ =	shalt  }
0x5f: {  	_ =	shalt  }
0x60: {  	_ =	shalt  }
0x61: {  	_ =	shalt  }
0x62: {  	_ =	shalt  }
0x63: {  	_ =	shalt  }
0x64: {  	_ =	shalt  }
0x65: {  	_ =	shalt  }
0x66: {  	_ =	shalt  }
0x67: {  	_ =	shalt  }
0x68: {  	_ =	shalt  }
0x69: {  	_ =	shalt  }
0x6a: {  	_ =	shalt  }
0x6b: {  	_ =	shalt  }
0x6c: {  	_ =	shalt  }
0x6d: {  	_ =	shalt  }
0x6e: {  	_ =	shalt  }
0x6f: {  	_ =	shalt  }
0x70: {  	_ =	shalt  }
0x71: {  	_ =	shalt  }
0x72: {  	_ =	shalt  }
0x73: {  	_ =	shalt  }
0x74: {  	_ =	shalt  }
0x75: {  	_ =	shalt  }
0x76: {  	_ =	shalt  }
0x77: {  	_ =	shalt  }
0x78: {  	_ =	shalt  }
0x79: {  	_ =	shalt  }
0x7a: {  	_ =	shalt  }
0x7b: {  	_ =	shalt  }
0x7c: {  	_ =	shalt  }
0x7d: {  	_ =	shalt  }
0x7e: {  	_ =	shalt  }
0x7f: {  	_ =	shalt  }
0x80: {  	_ =	shalt  }
0x81: {  	_ =	shalt  }
0x82: {  	_ =	shalt  }
0x83: {  	_ =	shalt  }
0x84: {  	_ =	shalt  }
0x85: {  	_ =	shalt  }
0x86: {  	_ =	shalt  }
0x87: {  	_ =	shalt  }
.Lfunc_end0:
.L_simem_size_0:
called_computation_lowered:
.L_overlay_start_0:
0x88: {  	s2 =	sld [smem:$0x3FD9]  }
0x89: {  	s3 =	sld [smem:$0x3FFE];
	_ =	sdelay $0x1  }
0x8a: {  	s1 =	srdreg.scid  }
0x8b: {  	s0 =	sand.u32 $0x1, s1  }
0x8c: {  	s17 =	sshll.u32 s0, $0xA;
	s2 =	sadd.s32 s3, s2  }
0x8d: {  	s2 =	sadd.s32 s2, s17  }
0x8e: {  	[smem:$0x3FC1] =	sst s2  }
0x8f: {  	_ = 	snop  }
0x90: {  	s2 =	sld [smem:$0x3FD0];
	(tm) =	ssettm $0x1  }
0x91: {  	s18 =	sld [smem:$0x3FFB];
	_ =	sdelay $0x3  }
0x92: {  	_ =	strace s18  }
0x93: {  	s3 =	sld [smem:$0x3FFC];
	_ =	sdelay $0x3  }
0x94: {  	_ =	strace s3  }
0x95: {  	s3 =	sld [smem:$0x3FFD];
	_ =	sdelay $0x3  }
0x96: {  	_ =	strace s3  }
0x97: {  	_ =	strace $0x8FFFFFFF  }
0x98: {  	s19 =	sld [smem:$0x3FDB];
	_ =	sdelay $0x1  }
0x99: {  	s4 =	simm.s32 $_scs_section_size  }
0x9a: {  	s5 =	simm.s32 $_size__tile_overlayer_lowered;
	s6 =	simm.s32 $_tile_overlayer_lowered  }
0x9b: {  	s22 =	simm.s32 $0x1BFF;
	s21 =	sshll.u32 s6, $0x1;
	s3 =	sadd.s32 s4, s19  }
0x9c: {  	s7 =	simm.s32 $0x0;
	s20 =	sshll.u32 s5, $0x1;
	s5 =	sadd.s32 s21, s3  }
0x9d: {  	[timem:s7], [sflag:s22] =	dma.local [hbm:s5], s20  }
0x9e: {  	_ =	swait.ge [sflag:s22], s20  }
0x9f: {  	s4 =	ssub.s32 $0x0, s20;
	[sflag:s22] =	ssyncset.done $0x0  }
0xa0: {  	[sflag:s22] =	ssyncadd.s32 s4;
	_ =	sdelay $0x1  }
0xa1: {  	s23 =	simm.s32 $0x1B8B  }
0xa2: {  	_ =	swait.ge [sflag:s23], $0x1  }
0xa3: {  	[sflag:s23] =	ssyncset.done $0x0  }
0xa4: {  	s25 =	simm.s32 $0x1B8E;
	s24 =	sld [smem:$0x3FFE];
	[sflag:s23] =	ssyncadd.s32 $0xFFFFFFFF  }
0xa5: {  	s26 =	simm.s32 $execute0_lowered;
	[smem:$0x3FD2] =	sst s25  }
0xa6: {  	s5 =	sshll.u32 s26, $0x1;
	_ =	strace $0x80000046;
	[dreg:$0x1] =	wrdreg $0xFFFFFFFF  }
0xa7: {  	s28 =	simm.s32 $_size_execute0_lowered;
	s3 =	sadd.s32 s3, s5;
	[dreg:$0x0] =	wrdreg $0x0  }
0xa8: {  	s5 =	sshll.u32 s28, $0x1;
	[dreg:$0x2] =	wrdreg s3  }
0xa9: {  	[dreg:$0x3] =	wrdreg s5  }
0xaa: {  	[dreg:$0x4] =	wrdreg $0xC0  }
0xab: {  	_ =	task [dreg:s7], $0x5FFFF  }
0xac: {  	[dreg:$0x1] =	wrdreg $0xFFFFFFFF  }
0xad: {  	[dreg:$0x0] =	wrdreg $0x60  }
0xae: {  	[dreg:$0x2] =	wrdreg s24  }
0xaf: {  	[dreg:$0x3] =	wrdreg s2  }
0xb0: {  	[dreg:$0x4] =	wrdreg $0x70000  }
0xb1: {  	[dreg:$0x5] =	wrdreg $0x9  }
0xb2: {  	_ =	task.clear_ibuf [dreg:s7], $0x6FFFF;
	_ =	strace $0x90000046  }
0xb3: {  	s29 =	simm.s32 $0x9;
	_ =	strace $0x80000048  }
0xb4: {  	_ =	swait.ge [sflag:s29], $0x1  }
0xb5: {  	[sflag:s29] =	ssyncadd.s32 $0xFFFFFFFF  }
0xb6: {  	_ =	strace $0x90000048  }
0xb7: {  	_ =	sfence  }
0xb8: {  	s30 =	sld [smem:$0x0];
	_ =	sdelay $0x2  }
0xb9: {  	s31 =	sshll.u32 s1, $0xD;
	s1 =	sshrl.u32 s1, $0x2  }
0xba: {  	s3 =	sand.u32 $0x4000, s31;
	s1 =	sadd.s32 s1, s30  }
0xbb: {  	s0 =	sor.u32 s3, s0;
	s1 =	sshll.u32 s1, $0x11  }
0xbc: {  	s0 =	sor.u32 s1, s0  }
0xbd: {  	s0 =	sadd.s32 $0x8F2B, s0  }
0xbe: {  	[sflag:s0] =	ssyncadd.remote.s32 $0x1  }
0xbf: {  	_ =	sfence.sel $0xFFFF  }
0xc0: {  	[dreg:$0x0] =	wrdreg $0xFFFFFFFF;
	(pc) =	sbr.abs _section_cstart, $3  }
0xc1: {  	[dreg:$0x1] =	wrdreg $0xFFFFFFFF  }
0xc2: {  	_ =	task.clear_ibuf [dreg:s7], $0x2FFFF;
	_ =	strace $0x9FFFFFFF  }
0xc3: {  	(tm) =	ssettm $0x7FFFFFFF  }
tec
execute0_lowered:
.L_overlay_start_1:
0x0: {  	(tag) =	ssettag $0x1  }
0x1: {  	s5 =	rddreg [dreg:$0x0]  }
0x2: {  	s7 =	rddreg [dreg:$0x1]  }
0x3: {  	s2 =	rddreg [dreg:$0x2]  }
0x4: {  	s0 =	rddreg [dreg:$0x3]  }
0x5: {  	s1 =	stileid.u32;
	s4 =	srdreg.scid;
	s3 =	simm.s32 $0x0  }
0x6: {  	s15 =	simm.s32 $0x1;
	s16 =	simm.s32 $0x0;
	s6 =	smul.u32 $0x13C00, s1  }
0x7: {  	s8 =	sand.u32 $0x1, s4;
	[smem:$0x7FF] =	sst s3;
	s4 =	sadd.s32 $0x2AC00, s5  }
0x8: {  	s26 =	smul.u32 $0x4F000, s1;
	s11 =	sshll.u32 s1, $0x1;
	s31 =	sshll.u32 s1, $0x6  }
0x9: {  	s9 =	smul.u32 $0x13C000, s8;
	_ =	strace $0x80000047;
	s28 =	ssub.s32 $0x2, s8  }
0xa: {  	s29 =	sor.u32 s8, s11;
	s10 =	sshrl.u32 s6, $0x3;
	s30 =	sshrl.u32 s28, $0x1  }
0xb: {  	s11 =	smul.u32 $0xA00, s29;
	s10 =	sadd.s32 s10, s5;
	s6 =	sadd.s32 s6, s9  }
0xc: {  	s9 =	sshrl.u32 s26, $0x2;
	s13 =	ssub.s32 s28, s30;
	s6 =	sshrl.u32 s6, $0x3  }
0xd: {  	s14 =	sadd.s32 s9, s2;
	s7 =	sadd.s32 s7, s11;
	s9 =	smax.u32 s13, $0x1  }
0xe: {  	s11 =	simm.s32 $0x2;
	s13 =	simm.s32 $0x40;
	s12 =	sadd.s32 s6, s5  }
0xf: {  	s5 =	sadd.s32 $0x3400, s10;
	s6 =	sor.u32 $0x1C02, s31;
	s10 =	sshrl.u32 s14, $0x3  }
0x10: {  	s14 =	simm.s32 $0x80;
	s8 =	sadd.s32 $0x2B000, s12;
	s12 =	simm.s32 $0x5000  }
.LBB2_1:
0x11: {  	[spmem:s10], [sflag:s6] =	dma.local [hbm:s5], $0x2780  }
0x12: {  	_ =	swait.ge [sflag:s11], $0x2780  }
0x13: {  	[sflag:s11] =	ssyncset.done $0x0  }
0x14: {  	[sflag:s11] =	ssyncadd.s32 $0xFFFFD880  }
0x15: {  	[tilespmem:s3], [sflag:$0x2] =	stream.linear.gather [hbm4b:s7+s3], $0x5000, $0x38;
	[tilespmem:$0x1AC00] =	vst v63  }
0x16: {  	_ =	swait.ge [sflag:s11], $0x5000  }
0x17: {  	[sflag:s11] =	ssyncset.done $0x0  }
0x18: {  	[sflag:s11] =	ssyncadd.s32 $0xFFFFB000  }
0x19: {  	[tilespmem:s12], [sflag:$0x2] =	stream.linear.gather [hbm4b:s4+s3], $0x2000, $0x38;
	[tilespmem:$0x1AC00] =	vst v63  }
0x1a: {  	_ =	swait.ge [sflag:s11], $0x2000  }
0x1b: {  	[sflag:s11] =	ssyncset.done $0x0  }
0x1c: {  	[sflag:s11] =	ssyncadd.s32 $0xFFFFE000  }
0x1d: {  	[bflag:$0x0] =	sbarrier.arrive $0xFFFF  }
0x1e: {  	[spmem:s2] =	stream.indirect.scatter.add.f32 [tilespmem:s12], [sflag:$0x1], $0x80, s3, s13, $0xb8;
	[tilespmem:$0x1AC00] =	vst v63  }
0x1f: {  	_ = 	snop  }
0x20: {  	[spmem:s2] =	stream.indirect.scatter.add.f32 [tilespmem:s12], [sflag:$0x1], $0x80, s14, s13, $0xb8;
	[tilespmem:$0x1AC00] =	vst v63  }
0x21: {  	_ =	swait.ge [sflag:s15], $0x2000  }
0x22: {  	[sflag:s15] =	ssyncset.done $0x0  }
0x23: {  	s17 =	simm.s32 $0x600;
	s18 =	simm.s32 $0x100;
	[sflag:s15] =	ssyncadd.s32 $0xFFFFE000  }
.LBB2_2:
0x24: {  	[spmem:s2] =	stream.indirect.scatter.add.f32 [tilespmem:s12], [sflag:$0x1], $0x80, s18, s13, $0xb8;
	[tilespmem:$0x1AC00] =	vst v63  }
0x25: {  	s18 =	smov.u32 s17;
	p0 =	sne.s32 s17, $0x13E00  }
.Ltmp0:
0x26: {  	s17 =	sadd.s32 $0x200, s17;
	(pc) =	sbr.rel @p0 .LBB2_2-.Ltmp0, $4  }
0x27: {  	_ = 	snop  }
0x28: {  	_ =	swait.ge [sflag:s15], $0x2000  }
0x29: {  	[sflag:s15] =	ssyncset.done $0x0  }
0x2a: {  	s18 =	sshra.s32 s18, $0x2;
	[sflag:s15] =	ssyncadd.s32 $0xFFFFE000  }
0x2b: {  	[spmem:s2] =	stream.indirect.scatter.add.f32 [tilespmem:s12], [sflag:$0x1], $0x80, s18, s13, $0xb8;
	[tilespmem:$0x1AC00] =	vst v63  }
0x2c: {  	_ =	swait.ge [sflag:s15], $0x2000  }
0x2d: {  	[sflag:s15] =	ssyncset.done $0x0  }
0x2e: {  	[sflag:s15] =	ssyncadd.s32 $0xFFFFE000  }
0x2f: {  	_ =	swait.ge [sflag:s15], $0x2000  }
0x30: {  	s16 =	sadd.s32 $0x1, s16;
	[sflag:s15] =	ssyncset.done $0x0  }
0x31: {  	p0 =	sne.s32 s16, s9;
	[sflag:s15] =	ssyncadd.s32 $0xFFFFE000  }
.Ltmp1:
0x32: {  	[bflag:$0x0] =	sbarrier.arrive $0xFFFF;
	(pc) =	sbr.rel @p0 .LBB2_1-.Ltmp1, $4  }
0x33: {  	[hbm:s8], [sflag:s6] =	dma.local [spmem:s10], $0x2780  }
0x34: {  	_ =	swait.ge [sflag:s11], $0x2780  }
0x35: {  	[sflag:s11] =	ssyncset.done $0x0  }
0x36: {  	[sflag:s11] =	ssyncadd.s32 $0xFFFFD880  }
0x37: {  	_ =	sfence.sel $0x180000  }
0x38: {  	[bflag:$0x0] =	sbarrier.arrive $0xFFFF  }
0x39: {  	p0 =	sne.s32 s1, $0x0;
	_ =	strace $0x90000047  }
0x3a: {  	s0 =	sadd.s32 @!p0 $0x100000, s0;
	[bflag:$0x2] =	sbarrier.arrive $0xFFFF  }
0x3b: {  	[sflag:s0] =	ssyncadd.tile.s32 @!p0 $0x1;
	_ =	shalt  }
.Lfunc_end2:
_tile_overlayer_lowered:
.L_overlay_start_2:
0x3c: {  	(tag) =	ssettag $0x2  }
0x3d: {  	s0 =	rddreg [dreg:$0x0];
	s2 =	stileid.u32  }
0x3e: {  	s1 =	rddreg [dreg:$0x1];
	p0 =	sne.s32 s2, $0x0  }
0x3f: {  	s3 =	rddreg [dreg:$0x2];
	[bflag:$0x3] =	sbarrier.arrive $0xFFFF;
	s2 =	simm.s32 @!p0 $0x1C02  }
0x40: {  	[timem:s3], [sflag:s2] =	dma.local @!p0 [hbm:s0], s1  }
0x41: {  	s0 =	simm.s32 @!p0 $0x2  }
0x42: {  	_ =	swait.ge @!p0 [sflag:s0], s1  }
0x43: {  	s1 =	ssub.s32 @!p0 $0x0, s1;
	[sflag:s0] =	ssyncset.done @!p0 $0x0  }
0x44: {  	[sflag:s0] =	ssyncadd.s32 @!p0 s1  }
0x45: {  	[bflag:$0x3] =	sbarrier.arrive $0xFFFF  }
0x46: {  	_ =	shalt  }

// kernel: kernel.14.cloned.1.call-start
scs
__scs_entry_jumppad:
0x0: {  	(pc) =	sbr.rel $0x88, $3  }
0x1: {  	(tag) =	ssettag $0x0;
	lr =	simm.s32 $0x1  }
0x2: {  	[smem:$0x3F9A] =	sst lr;
	_ =	strace $0xD0000000  }
0x3: {  	_ = 	snop  }
0x4: {  	_ = 	snop  }
0x5: {  	_ = 	snop  }
0x6: {  	_ = 	snop  }
0x7: {  	_ = 	snop  }
__scs_overlays_trampoline_lowered:
0x8: {  	[smem:$0x3FA9] =	sst s0  }
0x9: {  	[smem:$0x3FAA] =	sst s1  }
0xa: {  	[smem:$0x3FAB] =	sst s2  }
0xb: {  	[smem:$0x3FAC] =	sst s3  }
0xc: {  	[smem:$0x3FAD] =	sst s4  }
0xd: {  	[smem:$0x3FAE] =	sst s5  }
0xe: {  	[smem:$0x3FAF] =	sst s6  }
0xf: {  	[smem:$0x3FB0] =	sst s7  }
0x10: {  	[smem:$0x3FB1] =	sst s8  }
0x11: {  	[smem:$0x3FB2] =	sst s9;
	s0 =	simm.s32 @!p0 $0x0  }
0x12: {  	s1 =	sld [smem:$0x3F98];
	s0 =	simm.s32 @p0 $0x1  }
0x13: {  	[smem:$0x3FB3] =	sst s0;
	s0 =	simm.s32 @!p1 $0x0  }
0x14: {  	s2 =	sld [smem:$0x3F97];
	s0 =	simm.s32 @p1 $0x1  }
0x15: {  	[smem:$0x3FB4] =	sst s0;
	s0 =	simm.s32 @!p2 $0x0  }
0x16: {  	s3 =	sld [smem:$0x3FDB];
	s0 =	simm.s32 @p2 $0x1  }
0x17: {  	s4 =	simm.s32 $0x1BF5;
	[smem:$0x3FB6] =	sst s0  }
0x18: {  	s0 =	sld [smem:$0x3F99];
	_ =	swait.ge [sflag:s4], $0x0  }
0x19: {  	s7 =	sld [smem:$0x3F9A]  }
0x1a: {  	s8 =	sadd.s32 $0xFFFFE003, lr  }
0x1b: {  	s9 =	sadd.s32 $0xFFFFFEF7, lr;
	s5 =	simm.s32 $0xFFFFFFFF;
	p2 =	slt.u32 s8, $0xFFFFF086  }
0x1c: {  	p1 =	slt.u32 s9, $0xF7A;
	s5 =	simm.s32 @!p2 $0x0  }
0x1d: {  	s5 =	simm.s32 @p1 $0x1;
	p0 =	seq.s32 s7, s2  }
0x1e: {  	s7 =	smul.u32 @!p0 $0xF7A, s2;
	p2 =	seq.s32 @!p0 s5, $0x0  }
0x1f: {  	s9 =	smul.u32 $0xF7A, s1;
	s8 =	simm.s32 @!p0 $0x1BF5;
	p2 =	por !p2, p0  }
0x20: {  	[sflag:s8] =	ssyncset.s32 @!p0 $0xFFFFF086;
	s6 =	sadd.s32 @!p0 s3, s7;
	s7 =	simm.s32 @!p0 $0x108  }
0x21: {  	s3 =	sadd.s32 s3, s9;
	s6 =	sadd.s32 @!p0 $0x88, s6;
	s7 =	simm.s32 @p2 $0x1082  }
0x22: {  	[simem:s7], [sflag:s8] =	dma.local @!p0 [hbm:s6], $0xF7A  }
0x23: {  	s9 =	sor.u32 $0xD0000000, s2;
	s6 =	simm.s32 $0x108;
	_ =	swait.ge @!p0 [sflag:s8], $0x0  }
0x24: {  	s3 =	sadd.s32 $0x88, s3;
	s6 =	simm.s32 @!p1 $0x1082;
	[sflag:s4] =	ssyncset.s32 $0xFFFFF086  }
0x25: {  	[simem:s6], [sflag:s4] =	dma.local [hbm:s3], $0xF7A  }
0x26: {  	[smem:$0x3F9A] =	sst s1;
	(tag) =	ssettag s2;
	_ =	strace s9  }
0x27: {  	s1 =	sld [smem:$0x3FAA]  }
0x28: {  	s2 =	sld [smem:$0x3FAB]  }
0x29: {  	s4 =	sld [smem:$0x3FAD]  }
0x2a: {  	p0 =	seq.s32 s5, $0x0;
	s5 =	sld [smem:$0x3FAE]  }
0x2b: {  	s6 =	sld [smem:$0x3FAF]  }
0x2c: {  	s7 =	sld [smem:$0x3FB0]  }
0x2d: {  	s3 =	simm.s32 $0x108;
	s8 =	sld [smem:$0x3FB1]  }
0x2e: {  	s3 =	simm.s32 @!p0 $0x1082;
	s9 =	sld [smem:$0x3FB2]  }
0x2f: {  	lr =	sadd.s32 s0, s3;
	s0 =	sld [smem:$0x3FA9]  }
0x30: {  	s3 =	sld [smem:$0x3FAC]  }
0x31: {  	[smem:$0x3FB5] =	sst s10  }
0x32: {  	s10 =	sld [smem:$0x3FB3];
	_ =	sdelay $0x3  }
0x33: {  	p0 =	seq.s32 s10, $0x1;
	s10 =	sld [smem:$0x3FB5];
	_ =	sdelay $0x3  }
0x34: {  	[smem:$0x3FB5] =	sst s10  }
0x35: {  	s10 =	sld [smem:$0x3FB4];
	_ =	sdelay $0x3  }
0x36: {  	p1 =	seq.s32 s10, $0x1;
	s10 =	sld [smem:$0x3FB5];
	_ =	sdelay $0x3  }
0x37: {  	[smem:$0x3FB5] =	sst s10  }
0x38: {  	s10 =	sld [smem:$0x3FB6]  }
0x39: {  	_ = 	snop;
	(pc) =	sbr.ind lr, $3  }
0x3a: {  	_ = 	snop  }
0x3b: {  	_ = 	snop  }
0x3c: {  	p2 =	seq.s32 s10, $0x1;
	s10 =	sld [smem:$0x3FB5]  }
0x3d: {  	_ =	shalt  }
0x3e: {  	_ =	shalt  }
0x3f: {  	_ =	shalt  }
0x40: {  	_ =	shalt  }
0x41: {  	_ =	shalt  }
0x42: {  	_ =	shalt  }
0x43: {  	_ =	shalt  }
0x44: {  	_ =	shalt  }
0x45: {  	_ =	shalt  }
0x46: {  	_ =	shalt  }
0x47: {  	_ =	shalt  }
0x48: {  	_ =	shalt  }
0x49: {  	_ =	shalt  }
0x4a: {  	_ =	shalt  }
0x4b: {  	_ =	shalt  }
0x4c: {  	_ =	shalt  }
0x4d: {  	_ =	shalt  }
0x4e: {  	_ =	shalt  }
0x4f: {  	_ =	shalt  }
0x50: {  	_ =	shalt  }
0x51: {  	_ =	shalt  }
0x52: {  	_ =	shalt  }
0x53: {  	_ =	shalt  }
0x54: {  	_ =	shalt  }
0x55: {  	_ =	shalt  }
0x56: {  	_ =	shalt  }
0x57: {  	_ =	shalt  }
0x58: {  	_ =	shalt  }
0x59: {  	_ =	shalt  }
0x5a: {  	_ =	shalt  }
0x5b: {  	_ =	shalt  }
0x5c: {  	_ =	shalt  }
0x5d: {  	_ =	shalt  }
0x5e: {  	_ =	shalt  }
0x5f: {  	_ =	shalt  }
0x60: {  	_ =	shalt  }
0x61: {  	_ =	shalt  }
0x62: {  	_ =	shalt  }
0x63: {  	_ =	shalt  }
0x64: {  	_ =	shalt  }
0x65: {  	_ =	shalt  }
0x66: {  	_ =	shalt  }
0x67: {  	_ =	shalt  }
0x68: {  	_ =	shalt  }
0x69: {  	_ =	shalt  }
0x6a: {  	_ =	shalt  }
0x6b: {  	_ =	shalt  }
0x6c: {  	_ =	shalt  }
0x6d: {  	_ =	shalt  }
0x6e: {  	_ =	shalt  }
0x6f: {  	_ =	shalt  }
0x70: {  	_ =	shalt  }
0x71: {  	_ =	shalt  }
0x72: {  	_ =	shalt  }
0x73: {  	_ =	shalt  }
0x74: {  	_ =	shalt  }
0x75: {  	_ =	shalt  }
0x76: {  	_ =	shalt  }
0x77: {  	_ =	shalt  }
0x78: {  	_ =	shalt  }
0x79: {  	_ =	shalt  }
0x7a: {  	_ =	shalt  }
0x7b: {  	_ =	shalt  }
0x7c: {  	_ =	shalt  }
0x7d: {  	_ =	shalt  }
0x7e: {  	_ =	shalt  }
0x7f: {  	_ =	shalt  }
0x80: {  	_ =	shalt  }
0x81: {  	_ =	shalt  }
0x82: {  	_ =	shalt  }
0x83: {  	_ =	shalt  }
0x84: {  	_ =	shalt  }
0x85: {  	_ =	shalt  }
0x86: {  	_ =	shalt  }
0x87: {  	_ =	shalt  }
.Lfunc_end0:
.L_simem_size_0:
called_computation.1_lowered:
.L_overlay_start_0:
0x88: {  	s2 =	sld [smem:$0x3FD9]  }
0x89: {  	s3 =	sld [smem:$0x3FFE];
	_ =	sdelay $0x1  }
0x8a: {  	s1 =	srdreg.scid  }
0x8b: {  	s0 =	sand.u32 $0x1, s1  }
0x8c: {  	s17 =	sshll.u32 s0, $0xA;
	s2 =	sadd.s32 s3, s2  }
0x8d: {  	s2 =	sadd.s32 s2, s17  }
0x8e: {  	[smem:$0x3FC1] =	sst s2  }
0x8f: {  	_ = 	snop  }
0x90: {  	s2 =	sld [smem:$0x3FD0];
	(tm) =	ssettm $0x1  }
0x91: {  	s18 =	sld [smem:$0x3FFB];
	_ =	sdelay $0x3  }
0x92: {  	_ =	strace s18  }
0x93: {  	s3 =	sld [smem:$0x3FFC];
	_ =	sdelay $0x3  }
0x94: {  	_ =	strace s3  }
0x95: {  	s3 =	sld [smem:$0x3FFD];
	_ =	sdelay $0x3  }
0x96: {  	_ =	strace s3  }
0x97: {  	_ =	strace $0x8FFFFFFF  }
0x98: {  	s19 =	sld [smem:$0x3FDB];
	_ =	sdelay $0x1  }
0x99: {  	s4 =	simm.s32 $_scs_section_size  }
0x9a: {  	s5 =	simm.s32 $_size__tile_overlayer_lowered;
	s6 =	simm.s32 $_tile_overlayer_lowered  }
0x9b: {  	s22 =	simm.s32 $0x1BFF;
	s21 =	sshll.u32 s6, $0x1;
	s3 =	sadd.s32 s4, s19  }
0x9c: {  	s7 =	simm.s32 $0x0;
	s20 =	sshll.u32 s5, $0x1;
	s5 =	sadd.s32 s21, s3  }
0x9d: {  	[timem:s7], [sflag:s22] =	dma.local [hbm:s5], s20  }
0x9e: {  	_ =	swait.ge [sflag:s22], s20  }
0x9f: {  	s4 =	ssub.s32 $0x0, s20;
	[sflag:s22] =	ssyncset.done $0x0  }
0xa0: {  	[sflag:s22] =	ssyncadd.s32 s4;
	_ =	sdelay $0x1  }
0xa1: {  	s23 =	simm.s32 $0x1B8B  }
0xa2: {  	_ =	swait.ge [sflag:s23], $0x1  }
0xa3: {  	[sflag:s23] =	ssyncset.done $0x0  }
0xa4: {  	s25 =	simm.s32 $0x1B8E;
	s24 =	sld [smem:$0x3FFE];
	[sflag:s23] =	ssyncadd.s32 $0xFFFFFFFF  }
0xa5: {  	s26 =	simm.s32 $execute0_lowered;
	[smem:$0x3FD2] =	sst s25  }
0xa6: {  	s5 =	sshll.u32 s26, $0x1;
	_ =	strace $0x80000049;
	[dreg:$0x1] =	wrdreg $0xFFFFFFFF  }
0xa7: {  	s28 =	simm.s32 $_size_execute0_lowered;
	s3 =	sadd.s32 s3, s5;
	[dreg:$0x0] =	wrdreg $0x0  }
0xa8: {  	s5 =	sshll.u32 s28, $0x1;
	[dreg:$0x2] =	wrdreg s3  }
0xa9: {  	[dreg:$0x3] =	wrdreg s5  }
0xaa: {  	[dreg:$0x4] =	wrdreg $0xC0  }
0xab: {  	_ =	task [dreg:s7], $0x5FFFF  }
0xac: {  	[dreg:$0x1] =	wrdreg $0xFFFFFFFF  }
0xad: {  	[dreg:$0x0] =	wrdreg $0x60  }
0xae: {  	[dreg:$0x2] =	wrdreg s2  }
0xaf: {  	[dreg:$0x3] =	wrdreg s24  }
0xb0: {  	[dreg:$0x4] =	wrdreg $0xA4000  }
0xb1: {  	[dreg:$0x5] =	wrdreg $0x9  }
0xb2: {  	_ =	task.clear_ibuf [dreg:s7], $0x6FFFF;
	_ =	strace $0x90000049  }
0xb3: {  	s29 =	simm.s32 $0x9;
	_ =	strace $0x8000004B  }
0xb4: {  	_ =	swait.ge [sflag:s29], $0x1  }
0xb5: {  	[sflag:s29] =	ssyncadd.s32 $0xFFFFFFFF  }
0xb6: {  	_ =	strace $0x9000004B  }
0xb7: {  	_ =	sfence  }
0xb8: {  	s30 =	sld [smem:$0x0];
	_ =	sdelay $0x2  }
0xb9: {  	s31 =	sshll.u32 s1, $0xD;
	s1 =	sshrl.u32 s1, $0x2  }
0xba: {  	s3 =	sand.u32 $0x4000, s31;
	s1 =	sadd.s32 s1, s30  }
0xbb: {  	s0 =	sor.u32 s3, s0;
	s1 =	sshll.u32 s1, $0x11  }
0xbc: {  	s0 =	sor.u32 s1, s0  }
0xbd: {  	s0 =	sadd.s32 $0x8F2B, s0  }
0xbe: {  	[sflag:s0] =	ssyncadd.remote.s32 $0x1  }
0xbf: {  	_ =	sfence.sel $0xFFFF  }
0xc0: {  	[dreg:$0x0] =	wrdreg $0xFFFFFFFF;
	(pc) =	sbr.abs _section_cstart, $3  }
0xc1: {  	[dreg:$0x1] =	wrdreg $0xFFFFFFFF  }
0xc2: {  	_ =	task.clear_ibuf [dreg:s7], $0x2FFFF;
	_ =	strace $0x9FFFFFFF  }
0xc3: {  	(tm) =	ssettm $0x7FFFFFFF  }
tec
execute0_lowered:
.L_overlay_start_1:
0x0: {  	(tag) =	ssettag $0x1  }
0x1: {  	s2 =	rddreg [dreg:$0x0]  }
0x2: {  	s6 =	rddreg [dreg:$0x1]  }
0x3: {  	s3 =	rddreg [dreg:$0x2]  }
0x4: {  	s0 =	stileid.u32;
	s5 =	srdreg.scid  }
0x5: {  	s4 =	simm.s32 $0x0;
	s16 =	simm.s32 $0x40;
	s17 =	simm.s32 $0x2000  }
0x6: {  	s18 =	simm.s32 $0x2400;
	s19 =	simm.s32 $0x2080;
	s20 =	simm.s32 $0x4400  }
0x7: {  	s21 =	simm.s32 $0x2100;
	s22 =	simm.s32 $0x6400;
	s23 =	simm.s32 $0x1  }
0x8: {  	s24 =	simm.s32 $0x2;
	s7 =	smul.u32 $0x13C00, s0;
	s8 =	sand.u32 $0x1, s5  }
0x9: {  	[smem:$0x7FF] =	sst s4;
	s5 =	sadd.s32 $0x7A000, s6;
	s12 =	smul.u32 $0x4F000, s0  }
0xa: {  	s25 =	sshll.u32 s0, $0x1;
	s29 =	sshll.u32 s0, $0x6;
	s9 =	smul.u32 $0x13C000, s8  }
0xb: {  	_ =	strace $0x8000004A;
	s11 =	ssub.s32 $0x2, s8;
	s8 =	sor.u32 s8, s25  }
0xc: {  	s25 =	simm.s32 $0x0;
	s10 =	sshrl.u32 s7, $0x3;
	s26 =	sshrl.u32 s11, $0x1  }
0xd: {  	s8 =	smul.u32 $0x5000, s8;
	s28 =	sshrl.u32 s12, $0x2;
	s10 =	sadd.s32 s10, s6  }
0xe: {  	s7 =	sadd.s32 s7, s9;
	s14 =	ssub.s32 s11, s26;
	s15 =	sadd.s32 s28, s3  }
.Ltmp0:
0xf: {  	s7 =	sshrl.u32 s7, $0x3;
	s30 =	sshrl.u32 s8, $0x3;
	(pc) =	sbr.rel .LBB2_1-.Ltmp0, $4  }
0x10: {  	s12 =	smax.u32 s14, $0x1;
	s14 =	simm.s32 $0x4;
	s13 =	sadd.s32 s7, s6  }
0x11: {  	s6 =	sadd.s32 $0x3400, s10;
	s7 =	sadd.s32 $0x1000, s8;
	s8 =	sor.u32 $0x1C04, s29  }
0x12: {  	s9 =	sadd.s32 s5, s30;
	s31 =	sshrl.u32 s7, $0x3;
	s11 =	sadd.s32 $0x2AC00, s13  }
0x13: {  	s13 =	sshrl.u32 s15, $0x3;
	s15 =	simm.s32 $0x1000;
	s10 =	sadd.s32 s5, s31  }
.LBB2_7:
0x14: {  	_ =	swait.ge [sflag:s24], $0x2000  }
0x15: {  	s25 =	sadd.s32 $0x1, s25;
	[sflag:s24] =	ssyncset.done $0x0  }
0x16: {  	p0 =	sne.s32 s25, s12;
	[sflag:s24] =	ssyncadd.s32 $0xFFFFE000  }
.Ltmp1:
0x17: {  	[bflag:$0x0] =	sbarrier.arrive $0xFFFF;
	(pc) =	sbr.rel @!p0 .LBB2_8-.Ltmp1, $4  }
0x18: {  	[hbm:s11], [sflag:s8] =	dma.local [spmem:s13], $0x2780  }
0x19: {  	_ =	swait.ge [sflag:s14], $0x2780  }
0x1a: {  	[sflag:s14] =	ssyncset.done $0x0  }
0x1b: {  	[sflag:s14] =	ssyncadd.s32 $0xFFFFD880  }
.LBB2_1:
0x1c: {  	[spmem:s13], [sflag:s8] =	dma.local [hbm:s6], $0x2780  }
0x1d: {  	_ =	swait.ge [sflag:s14], $0x2780  }
0x1e: {  	[sflag:s14] =	ssyncset.done $0x0  }
0x1f: {  	[sflag:s14] =	ssyncadd.s32 $0xFFFFD880  }
0x20: {  	[tilespmem:s4], [sflag:$0x4] =	stream.linear.gather [hbm4b:s9+s4], $0x1000, $0x38;
	[tilespmem:$0x1E000] =	vst v63  }
0x21: {  	_ =	swait.ge [sflag:s14], $0x1000  }
0x22: {  	[sflag:s14] =	ssyncset.done $0x0  }
0x23: {  	[sflag:s14] =	ssyncadd.s32 $0xFFFFF000  }
0x24: {  	[tilespmem:s15], [sflag:$0x3] =	stream.linear.gather [hbm4b:s10+s4], $0x1000, $0x38;
	[tilespmem:$0x1E000] =	vst v63  }
0x25: {  	[bflag:$0x0] =	sbarrier.arrive $0xFFFF  }
0x26: {  	v0 =	vld [tilespmem:$0x0]  }
0x27: {  	v1 =	vld [tilespmem:$0x10]  }
0x28: {  	v2 =	vld [tilespmem:$0x20]  }
0x29: {  	v3 =	vld [tilespmem:$0x30];
	_ =	sdelay $0x1  }
0x2a: {  	v0 =	vand.u32 $0x3FFF, v0  }
0x2b: {  	v47 =	vand.u32 $0x3FFF, v1;
	[tilespmem:$0x2000] =	vst v0  }
0x2c: {  	v48 =	vand.u32 $0x3FFF, v2;
	[tilespmem:$0x2010] =	vst v47  }
0x2d: {  	v49 =	vand.u32 $0x3FFF, v3;
	[tilespmem:$0x2020] =	vst v48  }
0x2e: {  	[tilespmem:$0x2030] =	vst v49  }
0x2f: {  	[tilespmem:s18], [sflag:$0x1] =	stream.indirect.gather [hbm4b:s2+s16], $0x80, s17, s16, $0xb8;
	[tilespmem:$0x1E000] =	vst v63  }
0x30: {  	v50 =	vld [tilespmem:$0x80]  }
0x31: {  	v51 =	vld [tilespmem:$0x90]  }
0x32: {  	v52 =	vld [tilespmem:$0xA0]  }
0x33: {  	v53 =	vld [tilespmem:$0xB0];
	_ =	sdelay $0x1  }
0x34: {  	v0 =	vand.u32 $0x3FFF, v50  }
0x35: {  	v54 =	vand.u32 $0x3FFF, v51;
	[tilespmem:$0x2080] =	vst v0  }
0x36: {  	v55 =	vand.u32 $0x3FFF, v52;
	[tilespmem:$0x2090] =	vst v54  }
0x37: {  	v56 =	vand.u32 $0x3FFF, v53;
	[tilespmem:$0x20A0] =	vst v55  }
0x38: {  	[tilespmem:$0x20B0] =	vst v56  }
0x39: {  	[tilespmem:s20], [sflag:$0x1] =	stream.indirect.gather [hbm4b:s2+s16], $0x80, s19, s16, $0xb8;
	[tilespmem:$0x1E000] =	vst v63  }
0x3a: {  	v57 =	vld [tilespmem:$0x100]  }
0x3b: {  	v58 =	vld [tilespmem:$0x110]  }
0x3c: {  	v59 =	vld [tilespmem:$0x120]  }
0x3d: {  	v60 =	vld [tilespmem:$0x130];
	_ =	sdelay $0x1  }
0x3e: {  	v0 =	vand.u32 $0x3FFF, v57  }
.Ltmp2:
0x3f: {  	v61 =	vand.u32 $0x3FFF, v58;
	[tilespmem:$0x2100] =	vst v0;
	(pc) =	sbr.rel .LBB2_2-.Ltmp2, $4  }
0x40: {  	v62 =	vand.u32 $0x3FFF, v59;
	[tilespmem:$0x2110] =	vst v61  }
0x41: {  	v63 =	vand.u32 $0x3FFF, v60;
	[tilespmem:$0x2120] =	vst v62  }
0x42: {  	s26 =	simm.s32 $0x180;
	s28 =	simm.s32 $0x0;
	[tilespmem:$0x2130] =	vst v63  }
0x43: {  	[tilespmem:s22], [sflag:$0x1] =	stream.indirect.gather [hbm4b:s2+s16], $0x80, s21, s16, $0xb8;
	[tilespmem:$0x1E000] =	vst v63  }
.LBB2_5:
0x44: {  	p1 =	sgt.u32 s28, $0x9C  }
0x45: {  	p2 =	sne.s32 @!p1 s29, $0x1D  }
0x46: {  	p3 =	por p2, p1  }
0x47: {  	p0 =	slt.u32 s28, $0x9D;
	s0 =	simm.s32 @!p3 $0x3  }
0x48: {  	p2 =	por !p2, p1;
	p4 =	por @!p3 $0x1, $0x1;
	_ =	swait.ge @!p3 [sflag:s0], $0x1000  }
0x49: {  	p4 =	por @!p2 p0, p0;
	[sflag:s0] =	ssyncset.done @!p3 $0x0  }
0x4a: {  	p0 =	por @!p1 p4, p4;
	[sflag:s0] =	ssyncadd.s32 @!p3 $0xFFFFF000  }
.LBB2_6:
0x4b: {  	s0 =	sshll.u32 s30, $0xC;
	s29 =	sshll.u32 s29, $0x7  }
0x4c: {  	s0 =	sor.u32 s29, s0  }
0x4d: {  	v0 =	vld [tilespmem:s0+$0x0];
	_ =	sdelay $0x3  }
0x4e: {  	s29 =	sand.u32 $0x3, s28  }
0x4f: {  	s30 =	sshll.u32 s29, $0x7;
	v0 =	vshrl.u32 v0, $0xE  }
0x50: {  	[tilespmem:s30+$0x2200] =	vst v0  }
0x51: {  	v0 =	vld [tilespmem:s0+$0x10];
	_ =	sdelay $0x4  }
0x52: {  	v0 =	vshrl.u32 v0, $0xE  }
0x53: {  	[tilespmem:s30+$0x2210] =	vst v0  }
0x54: {  	v0 =	vld [tilespmem:s0+$0x20];
	_ =	sdelay $0x4  }
0x55: {  	v0 =	vshrl.u32 v0, $0xE  }
0x56: {  	[tilespmem:s30+$0x2220] =	vst v0  }
0x57: {  	v0 =	vld [tilespmem:s0+$0x30];
	_ =	sdelay $0x4  }
0x58: {  	v0 =	vshrl.u32 v0, $0xE  }
0x59: {  	s0 =	sand.u32 @p0 $0x1F80, s26;
	[tilespmem:s30+$0x2230] =	vst v0  }
0x5a: {  	v0 =	vld @p0 [tilespmem:s0+$0x0];
	_ =	sdelay $0x2  }
0x5b: {  	s31 =	sadd.s32 @p0 $0xFFFFFFFF, s28  }
0x5c: {  	s31 =	sand.u32 @p0 $0x3, s31  }
0x5d: {  	s1 =	sshll.u32 @p0 s31, $0x7;
	v0 =	vand.u32 @p0 $0x3FFF, v0  }
0x5e: {  	[tilespmem:s1+$0x2000] =	vst @p0 v0  }
0x5f: {  	v0 =	vld @p0 [tilespmem:s0+$0x10];
	_ =	sdelay $0x4  }
0x60: {  	v0 =	vand.u32 @p0 $0x3FFF, v0  }
0x61: {  	[tilespmem:s1+$0x2010] =	vst @p0 v0  }
0x62: {  	v0 =	vld @p0 [tilespmem:s0+$0x20];
	_ =	sdelay $0x4  }
0x63: {  	v0 =	vand.u32 @p0 $0x3FFF, v0  }
0x64: {  	[tilespmem:s1+$0x2020] =	vst @p0 v0  }
0x65: {  	v0 =	vld @p0 [tilespmem:s0+$0x30];
	_ =	sdelay $0x4  }
0x66: {  	s28 =	sadd.s32 $0x1, s28;
	s0 =	sshll.u32 @p0 s31, $0xD;
	v0 =	vand.u32 @p0 $0x3FFF, v0  }
0x67: {  	s31 =	sor.u32 @p0 $0x2000, s1;
	s0 =	sadd.s32 @p0 $0x2400, s0;
	[tilespmem:s1+$0x2030] =	vst @p0 v0;
	s1 =	simm.s32 @p0 $0x40  }
0x68: {  	[tilespmem:s0], [sflag:$0x1] =	stream.indirect.gather @p0 [hbm4b:s2+s1], $0x80, s31, s1, $0xb8;
	[tilespmem:$0x1E000] =	vst v63  }
0x69: {  	p0 =	sne.s32 s28, $0xA0  }
.Ltmp3:
0x6a: {  	_ = 	snop;
	(pc) =	sbr.rel @!p0 .LBB2_7-.Ltmp3, $4  }
0x6b: {  	_ = 	snop  }
0x6c: {  	s29 =	sshll.u32 s29, $0xD  }
0x6d: {  	s26 =	sadd.s32 $0x80, s26;
	s31 =	sor.u32 $0x2200, s30;
	s0 =	sadd.s32 $0x2400, s29  }
0x6e: {  	[spmem:s3] =	stream.indirect.scatter.add.f32 [tilespmem:s0], [sflag:$0x2], $0x80, s31, s16, $0xb8;
	[tilespmem:$0x1E000] =	vst v63  }
.LBB2_2:
0x6f: {  	p1 =	seq.s32 s28, $0x0  }
.Ltmp4:
0x70: {  	_ = 	snop;
	(pc) =	sbr.rel @p1 .LBB2_6-.Ltmp4, $4  }
0x71: {  	_ = 	snop  }
0x72: {  	_ =	swait.ge [sflag:s23], $0x2000  }
0x73: {  	s31 =	sshrl.u32 s28, $0x5;
	s29 =	sand.u32 $0x1F, s28;
	[sflag:s23] =	ssyncset.done $0x0  }
0x74: {  	p0 =	por $0x1, $0x1;
	s30 =	sand.u32 $0x1, s31;
	[sflag:s23] =	ssyncadd.s32 $0xFFFFE000  }
0x75: {  	p1 =	sne.s32 s29, $0x0;
	s0 =	sadd.s32 $0xFFFFFFE0, s28  }
0x76: {  	p2 =	sgt.u32 @!p1 s0, $0x5F  }
0x77: {  	p1 =	por p1, p2  }
.Ltmp5:
0x78: {  	_ = 	snop;
	(pc) =	sbr.rel @p1 .LBB2_5-.Ltmp5, $4  }
0x79: {  	_ = 	snop  }
0x7a: {  	_ =	swait.ge [sflag:s24], $0x2000  }
0x7b: {  	[sflag:s24] =	ssyncset.done $0x0  }
0x7c: {  	[sflag:s24] =	ssyncadd.s32 $0xFFFFE000  }
.Ltmp6:
0x7d: {  	s0 =	sshll.u32 s31, $0xC;
	(pc) =	sbr.rel .LBB2_6-.Ltmp6, $4  }
0x7e: {  	s0 =	sadd.s32 s0, s7  }
0x7f: {  	s1 =	sshll.u32 s30, $0xC;
	s0 =	sshrl.u32 s0, $0x3  }
0x80: {  	s31 =	sxor.u32 $0x1000, s1;
	s0 =	sadd.s32 s5, s0  }
0x81: {  	[tilespmem:s31], [sflag:$0x3] =	stream.linear.gather [hbm4b:s0+s4], $0x1000, $0x38;
	[tilespmem:$0x1E000] =	vst v63  }
.LBB2_8:
0x82: {  	_ =	sfence.sel $0x180000  }
0x83: {  	[bflag:$0x0] =	sbarrier.arrive $0xFFFF  }
0x84: {  	_ =	strace $0x9000004A  }
0x85: {  	s0 =	stileid.u32;
	[bflag:$0x2] =	sbarrier.arrive $0xFFFF  }
0x86: {  	p0 =	sne.s32 s0, $0x0;
	s0 =	rddreg [dreg:$0x3]  }
0x87: {  	s0 =	sadd.s32 @!p0 $0x100000, s0  }
0x88: {  	[sflag:s0] =	ssyncadd.tile.s32 @!p0 $0x1;
	_ =	shalt  }
.Lfunc_end2:
_tile_overlayer_lowered:
.L_overlay_start_2:
0x89: {  	(tag) =	ssettag $0x2  }
0x8a: {  	s0 =	rddreg [dreg:$0x0];
	s2 =	stileid.u32  }
0x8b: {  	s1 =	rddreg [dreg:$0x1];
	p0 =	sne.s32 s2, $0x0  }
0x8c: {  	s3 =	rddreg [dreg:$0x2];
	[bflag:$0x3] =	sbarrier.arrive $0xFFFF;
	s2 =	simm.s32 @!p0 $0x1C04  }
0x8d: {  	[timem:s3], [sflag:s2] =	dma.local @!p0 [hbm:s0], s1  }
0x8e: {  	s0 =	simm.s32 @!p0 $0x4  }
0x8f: {  	_ =	swait.ge @!p0 [sflag:s0], s1  }
0x90: {  	s1 =	ssub.s32 @!p0 $0x0, s1;
	[sflag:s0] =	ssyncset.done @!p0 $0x0  }
0x91: {  	[sflag:s0] =	ssyncadd.s32 @!p0 s1  }
0x92: {  	[bflag:$0x3] =	sbarrier.arrive $0xFFFF  }
0x93: {  	_ =	shalt  }

// kernel: kernel.17.cloned.1.call-start
scs
__scs_entry_jumppad:
0x0: {  	(pc) =	sbr.rel $0x88, $3  }
0x1: {  	(tag) =	ssettag $0x0;
	lr =	simm.s32 $0x1  }
0x2: {  	[smem:$0x3F9A] =	sst lr;
	_ =	strace $0xD0000000  }
0x3: {  	_ = 	snop  }
0x4: {  	_ = 	snop  }
0x5: {  	_ = 	snop  }
0x6: {  	_ = 	snop  }
0x7: {  	_ = 	snop  }
__scs_overlays_trampoline_lowered:
0x8: {  	[smem:$0x3FA9] =	sst s0  }
0x9: {  	[smem:$0x3FAA] =	sst s1  }
0xa: {  	[smem:$0x3FAB] =	sst s2  }
0xb: {  	[smem:$0x3FAC] =	sst s3  }
0xc: {  	[smem:$0x3FAD] =	sst s4  }
0xd: {  	[smem:$0x3FAE] =	sst s5  }
0xe: {  	[smem:$0x3FAF] =	sst s6  }
0xf: {  	[smem:$0x3FB0] =	sst s7  }
0x10: {  	[smem:$0x3FB1] =	sst s8  }
0x11: {  	[smem:$0x3FB2] =	sst s9;
	s0 =	simm.s32 @!p0 $0x0  }
0x12: {  	s1 =	sld [smem:$0x3F98];
	s0 =	simm.s32 @p0 $0x1  }
0x13: {  	[smem:$0x3FB3] =	sst s0;
	s0 =	simm.s32 @!p1 $0x0  }
0x14: {  	s2 =	sld [smem:$0x3F97];
	s0 =	simm.s32 @p1 $0x1  }
0x15: {  	[smem:$0x3FB4] =	sst s0;
	s0 =	simm.s32 @!p2 $0x0  }
0x16: {  	s3 =	sld [smem:$0x3FDB];
	s0 =	simm.s32 @p2 $0x1  }
0x17: {  	s4 =	simm.s32 $0x1BF5;
	[smem:$0x3FB6] =	sst s0  }
0x18: {  	s0 =	sld [smem:$0x3F99];
	_ =	swait.ge [sflag:s4], $0x0  }
0x19: {  	s7 =	sld [smem:$0x3F9A]  }
0x1a: {  	s8 =	sadd.s32 $0xFFFFE003, lr  }
0x1b: {  	s9 =	sadd.s32 $0xFFFFFEF7, lr;
	s5 =	simm.s32 $0xFFFFFFFF;
	p2 =	slt.u32 s8, $0xFFFFF086  }
0x1c: {  	p1 =	slt.u32 s9, $0xF7A;
	s5 =	simm.s32 @!p2 $0x0  }
0x1d: {  	s5 =	simm.s32 @p1 $0x1;
	p0 =	seq.s32 s7, s2  }
0x1e: {  	s7 =	smul.u32 @!p0 $0xF7A, s2;
	p2 =	seq.s32 @!p0 s5, $0x0  }
0x1f: {  	s9 =	smul.u32 $0xF7A, s1;
	s8 =	simm.s32 @!p0 $0x1BF5;
	p2 =	por !p2, p0  }
0x20: {  	[sflag:s8] =	ssyncset.s32 @!p0 $0xFFFFF086;
	s6 =	sadd.s32 @!p0 s3, s7;
	s7 =	simm.s32 @!p0 $0x108  }
0x21: {  	s3 =	sadd.s32 s3, s9;
	s6 =	sadd.s32 @!p0 $0x88, s6;
	s7 =	simm.s32 @p2 $0x1082  }
0x22: {  	[simem:s7], [sflag:s8] =	dma.local @!p0 [hbm:s6], $0xF7A  }
0x23: {  	s9 =	sor.u32 $0xD0000000, s2;
	s6 =	simm.s32 $0x108;
	_ =	swait.ge @!p0 [sflag:s8], $0x0  }
0x24: {  	s3 =	sadd.s32 $0x88, s3;
	s6 =	simm.s32 @!p1 $0x1082;
	[sflag:s4] =	ssyncset.s32 $0xFFFFF086  }
0x25: {  	[simem:s6], [sflag:s4] =	dma.local [hbm:s3], $0xF7A  }
0x26: {  	[smem:$0x3F9A] =	sst s1;
	(tag) =	ssettag s2;
	_ =	strace s9  }
0x27: {  	s1 =	sld [smem:$0x3FAA]  }
0x28: {  	s2 =	sld [smem:$0x3FAB]  }
0x29: {  	s4 =	sld [smem:$0x3FAD]  }
0x2a: {  	p0 =	seq.s32 s5, $0x0;
	s5 =	sld [smem:$0x3FAE]  }
0x2b: {  	s6 =	sld [smem:$0x3FAF]  }
0x2c: {  	s7 =	sld [smem:$0x3FB0]  }
0x2d: {  	s3 =	simm.s32 $0x108;
	s8 =	sld [smem:$0x3FB1]  }
0x2e: {  	s3 =	simm.s32 @!p0 $0x1082;
	s9 =	sld [smem:$0x3FB2]  }
0x2f: {  	lr =	sadd.s32 s0, s3;
	s0 =	sld [smem:$0x3FA9]  }
0x30: {  	s3 =	sld [smem:$0x3FAC]  }
0x31: {  	[smem:$0x3FB5] =	sst s10  }
0x32: {  	s10 =	sld [smem:$0x3FB3];
	_ =	sdelay $0x3  }
0x33: {  	p0 =	seq.s32 s10, $0x1;
	s10 =	sld [smem:$0x3FB5];
	_ =	sdelay $0x3  }
0x34: {  	[smem:$0x3FB5] =	sst s10  }
0x35: {  	s10 =	sld [smem:$0x3FB4];
	_ =	sdelay $0x3  }
0x36: {  	p1 =	seq.s32 s10, $0x1;
	s10 =	sld [smem:$0x3FB5];
	_ =	sdelay $0x3  }
0x37: {  	[smem:$0x3FB5] =	sst s10  }
0x38: {  	s10 =	sld [smem:$0x3FB6]  }
0x39: {  	_ = 	snop;
	(pc) =	sbr.ind lr, $3  }
0x3a: {  	_ = 	snop  }
0x3b: {  	_ = 	snop  }
0x3c: {  	p2 =	seq.s32 s10, $0x1;
	s10 =	sld [smem:$0x3FB5]  }
0x3d: {  	_ =	shalt  }
0x3e: {  	_ =	shalt  }
0x3f: {  	_ =	shalt  }
0x40: {  	_ =	shalt  }
0x41: {  	_ =	shalt  }
0x42: {  	_ =	shalt  }
0x43: {  	_ =	shalt  }
0x44: {  	_ =	shalt  }
0x45: {  	_ =	shalt  }
0x46: {  	_ =	shalt  }
0x47: {  	_ =	shalt  }
0x48: {  	_ =	shalt  }
0x49: {  	_ =	shalt  }
0x4a: {  	_ =	shalt  }
0x4b: {  	_ =	shalt  }
0x4c: {  	_ =	shalt  }
0x4d: {  	_ =	shalt  }
0x4e: {  	_ =	shalt  }
0x4f: {  	_ =	shalt  }
0x50: {  	_ =	shalt  }
0x51: {  	_ =	shalt  }
0x52: {  	_ =	shalt  }
0x53: {  	_ =	shalt  }
0x54: {  	_ =	shalt  }
0x55: {  	_ =	shalt  }
0x56: {  	_ =	shalt  }
0x57: {  	_ =	shalt  }
0x58: {  	_ =	shalt  }
0x59: {  	_ =	shalt  }
0x5a: {  	_ =	shalt  }
0x5b: {  	_ =	shalt  }
0x5c: {  	_ =	shalt  }
0x5d: {  	_ =	shalt  }
0x5e: {  	_ =	shalt  }
0x5f: {  	_ =	shalt  }
0x60: {  	_ =	shalt  }
0x61: {  	_ =	shalt  }
0x62: {  	_ =	shalt  }
0x63: {  	_ =	shalt  }
0x64: {  	_ =	shalt  }
0x65: {  	_ =	shalt  }
0x66: {  	_ =	shalt  }
0x67: {  	_ =	shalt  }
0x68: {  	_ =	shalt  }
0x69: {  	_ =	shalt  }
0x6a: {  	_ =	shalt  }
0x6b: {  	_ =	shalt  }
0x6c: {  	_ =	shalt  }
0x6d: {  	_ =	shalt  }
0x6e: {  	_ =	shalt  }
0x6f: {  	_ =	shalt  }
0x70: {  	_ =	shalt  }
0x71: {  	_ =	shalt  }
0x72: {  	_ =	shalt  }
0x73: {  	_ =	shalt  }
0x74: {  	_ =	shalt  }
0x75: {  	_ =	shalt  }
0x76: {  	_ =	shalt  }
0x77: {  	_ =	shalt  }
0x78: {  	_ =	shalt  }
0x79: {  	_ =	shalt  }
0x7a: {  	_ =	shalt  }
0x7b: {  	_ =	shalt  }
0x7c: {  	_ =	shalt  }
0x7d: {  	_ =	shalt  }
0x7e: {  	_ =	shalt  }
0x7f: {  	_ =	shalt  }
0x80: {  	_ =	shalt  }
0x81: {  	_ =	shalt  }
0x82: {  	_ =	shalt  }
0x83: {  	_ =	shalt  }
0x84: {  	_ =	shalt  }
0x85: {  	_ =	shalt  }
0x86: {  	_ =	shalt  }
0x87: {  	_ =	shalt  }
.Lfunc_end0:
.L_simem_size_0:
called_computation.2_lowered:
.L_overlay_start_0:
0x88: {  	s2 =	sld [smem:$0x3FD9]  }
0x89: {  	s3 =	sld [smem:$0x3FFE];
	_ =	sdelay $0x1  }
0x8a: {  	s1 =	srdreg.scid  }
0x8b: {  	s0 =	sand.u32 $0x1, s1  }
0x8c: {  	s17 =	sshll.u32 s0, $0xA;
	s2 =	sadd.s32 s3, s2  }
0x8d: {  	s2 =	sadd.s32 s2, s17  }
0x8e: {  	[smem:$0x3FC1] =	sst s2  }
0x8f: {  	_ = 	snop  }
0x90: {  	s2 =	sld [smem:$0x3FD0];
	(tm) =	ssettm $0x1  }
0x91: {  	s18 =	sld [smem:$0x3FFB];
	_ =	sdelay $0x3  }
0x92: {  	_ =	strace s18  }
0x93: {  	s3 =	sld [smem:$0x3FFC];
	_ =	sdelay $0x3  }
0x94: {  	_ =	strace s3  }
0x95: {  	s3 =	sld [smem:$0x3FFD];
	_ =	sdelay $0x3  }
0x96: {  	_ =	strace s3  }
0x97: {  	_ =	strace $0x8FFFFFFF  }
0x98: {  	s19 =	sld [smem:$0x3FDB];
	_ =	sdelay $0x1  }
0x99: {  	s4 =	simm.s32 $_scs_section_size  }
0x9a: {  	s5 =	simm.s32 $_size__tile_overlayer_lowered;
	s6 =	simm.s32 $_tile_overlayer_lowered  }
0x9b: {  	s22 =	simm.s32 $0x1BFF;
	s21 =	sshll.u32 s6, $0x1;
	s3 =	sadd.s32 s4, s19  }
0x9c: {  	s7 =	simm.s32 $0x0;
	s20 =	sshll.u32 s5, $0x1;
	s5 =	sadd.s32 s21, s3  }
0x9d: {  	[timem:s7], [sflag:s22] =	dma.local [hbm:s5], s20  }
0x9e: {  	_ =	swait.ge [sflag:s22], s20  }
0x9f: {  	s4 =	ssub.s32 $0x0, s20;
	[sflag:s22] =	ssyncset.done $0x0  }
0xa0: {  	[sflag:s22] =	ssyncadd.s32 s4;
	_ =	sdelay $0x1  }
0xa1: {  	s23 =	simm.s32 $0x1B8B  }
0xa2: {  	_ =	swait.ge [sflag:s23], $0x1  }
0xa3: {  	[sflag:s23] =	ssyncset.done $0x0  }
0xa4: {  	s25 =	simm.s32 $0x1B8E;
	s24 =	sld [smem:$0x3FFE];
	[sflag:s23] =	ssyncadd.s32 $0xFFFFFFFF  }
0xa5: {  	s26 =	simm.s32 $execute0_lowered;
	[smem:$0x3FD2] =	sst s25  }
0xa6: {  	s5 =	sshll.u32 s26, $0x1;
	_ =	strace $0x8000004C;
	[dreg:$0x1] =	wrdreg $0xFFFFFFFF  }
0xa7: {  	s28 =	simm.s32 $_size_execute0_lowered;
	s3 =	sadd.s32 s3, s5;
	[dreg:$0x0] =	wrdreg $0x0  }
0xa8: {  	s5 =	sshll.u32 s28, $0x1;
	[dreg:$0x2] =	wrdreg s3  }
0xa9: {  	[dreg:$0x3] =	wrdreg s5  }
0xaa: {  	[dreg:$0x4] =	wrdreg $0xC0  }
0xab: {  	_ =	task [dreg:s7], $0x5FFFF  }
0xac: {  	[dreg:$0x1] =	wrdreg $0xFFFFFFFF  }
0xad: {  	[dreg:$0x0] =	wrdreg $0x60  }
0xae: {  	[dreg:$0x2] =	wrdreg s2  }
0xaf: {  	[dreg:$0x3] =	wrdreg s24  }
0xb0: {  	[dreg:$0x4] =	wrdreg $0xA4000  }
0xb1: {  	[dreg:$0x5] =	wrdreg $0x9  }
0xb2: {  	_ =	task.clear_ibuf [dreg:s7], $0x6FFFF;
	_ =	strace $0x9000004C  }
0xb3: {  	s29 =	simm.s32 $0x9;
	_ =	strace $0x8000004E  }
0xb4: {  	_ =	swait.ge [sflag:s29], $0x1  }
0xb5: {  	[sflag:s29] =	ssyncadd.s32 $0xFFFFFFFF  }
0xb6: {  	_ =	strace $0x9000004E  }
0xb7: {  	_ =	sfence  }
0xb8: {  	s30 =	sld [smem:$0x0];
	_ =	sdelay $0x2  }
0xb9: {  	s31 =	sshll.u32 s1, $0xD;
	s1 =	sshrl.u32 s1, $0x2  }
0xba: {  	s3 =	sand.u32 $0x4000, s31;
	s1 =	sadd.s32 s1, s30  }
0xbb: {  	s0 =	sor.u32 s3, s0;
	s1 =	sshll.u32 s1, $0x11  }
0xbc: {  	s0 =	sor.u32 s1, s0  }
0xbd: {  	s0 =	sadd.s32 $0x8F2B, s0  }
0xbe: {  	[sflag:s0] =	ssyncadd.remote.s32 $0x1  }
0xbf: {  	_ =	sfence.sel $0xFFFF  }
0xc0: {  	[dreg:$0x0] =	wrdreg $0xFFFFFFFF;
	(pc) =	sbr.abs _section_cstart, $3  }
0xc1: {  	[dreg:$0x1] =	wrdreg $0xFFFFFFFF  }
0xc2: {  	_ =	task.clear_ibuf [dreg:s7], $0x2FFFF;
	_ =	strace $0x9FFFFFFF  }
0xc3: {  	(tm) =	ssettm $0x7FFFFFFF  }
tec
execute0_lowered:
.L_overlay_start_1:
0x0: {  	(tag) =	ssettag $0x1  }
0x1: {  	s2 =	rddreg [dreg:$0x0]  }
0x2: {  	s6 =	rddreg [dreg:$0x1]  }
0x3: {  	s3 =	rddreg [dreg:$0x2]  }
0x4: {  	s0 =	stileid.u32;
	s5 =	srdreg.scid  }
0x5: {  	s4 =	simm.s32 $0x0;
	s16 =	simm.s32 $0x40;
	s17 =	simm.s32 $0x2000  }
0x6: {  	s18 =	simm.s32 $0x2400;
	s19 =	simm.s32 $0x2080;
	s20 =	simm.s32 $0x4400  }
0x7: {  	s21 =	simm.s32 $0x2100;
	s22 =	simm.s32 $0x6400;
	s23 =	simm.s32 $0x1  }
0x8: {  	s24 =	simm.s32 $0x2;
	s7 =	smul.u32 $0x13C00, s0;
	s8 =	sand.u32 $0x1, s5  }
0x9: {  	[smem:$0x7FF] =	sst s4;
	s5 =	sadd.s32 $0x7A000, s6;
	s12 =	smul.u32 $0x4F000, s0  }
0xa: {  	s25 =	sshll.u32 s0, $0x1;
	s29 =	sshll.u32 s0, $0x6;
	s9 =	smul.u32 $0x13C000, s8  }
0xb: {  	_ =	strace $0x8000004D;
	s11 =	ssub.s32 $0x2, s8;
	s8 =	sor.u32 s8, s25  }
0xc: {  	s25 =	simm.s32 $0x0;
	s10 =	sshrl.u32 s7, $0x3;
	s26 =	sshrl.u32 s11, $0x1  }
0xd: {  	s8 =	smul.u32 $0x5000, s8;
	s28 =	sshrl.u32 s12, $0x2;
	s10 =	sadd.s32 s10, s6  }
0xe: {  	s7 =	sadd.s32 s7, s9;
	s14 =	ssub.s32 s11, s26;
	s15 =	sadd.s32 s28, s3  }
.Ltmp0:
0xf: {  	s7 =	sshrl.u32 s7, $0x3;
	s30 =	sshrl.u32 s8, $0x3;
	(pc) =	sbr.rel .LBB2_1-.Ltmp0, $4  }
0x10: {  	s12 =	smax.u32 s14, $0x1;
	s14 =	simm.s32 $0x4;
	s13 =	sadd.s32 s7, s6  }
0x11: {  	s6 =	sadd.s32 $0x3400, s10;
	s7 =	sadd.s32 $0x1000, s8;
	s8 =	sor.u32 $0x1C04, s29  }
0x12: {  	s9 =	sadd.s32 s5, s30;
	s31 =	sshrl.u32 s7, $0x3;
	s11 =	sadd.s32 $0x2AC00, s13  }
0x13: {  	s13 =	sshrl.u32 s15, $0x3;
	s15 =	simm.s32 $0x1000;
	s10 =	sadd.s32 s5, s31  }
.LBB2_7:
0x14: {  	_ =	swait.ge [sflag:s24], $0x2000  }
0x15: {  	s25 =	sadd.s32 $0x1, s25;
	[sflag:s24] =	ssyncset.done $0x0  }
0x16: {  	p0 =	sne.s32 s25, s12;
	[sflag:s24] =	ssyncadd.s32 $0xFFFFE000  }
.Ltmp1:
0x17: {  	[bflag:$0x0] =	sbarrier.arrive $0xFFFF;
	(pc) =	sbr.rel @!p0 .LBB2_8-.Ltmp1, $4  }
0x18: {  	[hbm:s11], [sflag:s8] =	dma.local [spmem:s13], $0x2780  }
0x19: {  	_ =	swait.ge [sflag:s14], $0x2780  }
0x1a: {  	[sflag:s14] =	ssyncset.done $0x0  }
0x1b: {  	[sflag:s14] =	ssyncadd.s32 $0xFFFFD880  }
.LBB2_1:
0x1c: {  	[spmem:s13], [sflag:s8] =	dma.local [hbm:s6], $0x2780  }
0x1d: {  	_ =	swait.ge [sflag:s14], $0x2780  }
0x1e: {  	[sflag:s14] =	ssyncset.done $0x0  }
0x1f: {  	[sflag:s14] =	ssyncadd.s32 $0xFFFFD880  }
0x20: {  	[tilespmem:s4], [sflag:$0x4] =	stream.linear.gather [hbm4b:s9+s4], $0x1000, $0x38;
	[tilespmem:$0x1E000] =	vst v63  }
0x21: {  	_ =	swait.ge [sflag:s14], $0x1000  }
0x22: {  	[sflag:s14] =	ssyncset.done $0x0  }
0x23: {  	[sflag:s14] =	ssyncadd.s32 $0xFFFFF000  }
0x24: {  	[tilespmem:s15], [sflag:$0x3] =	stream.linear.gather [hbm4b:s10+s4], $0x1000, $0x38;
	[tilespmem:$0x1E000] =	vst v63  }
0x25: {  	[bflag:$0x0] =	sbarrier.arrive $0xFFFF  }
0x26: {  	v0 =	vld [tilespmem:$0x0]  }
0x27: {  	v1 =	vld [tilespmem:$0x10]  }
0x28: {  	v2 =	vld [tilespmem:$0x20]  }
0x29: {  	v3 =	vld [tilespmem:$0x30];
	_ =	sdelay $0x1  }
0x2a: {  	v0 =	vand.u32 $0x3FFF, v0  }
0x2b: {  	v47 =	vand.u32 $0x3FFF, v1;
	[tilespmem:$0x2000] =	vst v0  }
0x2c: {  	v48 =	vand.u32 $0x3FFF, v2;
	[tilespmem:$0x2010] =	vst v47  }
0x2d: {  	v49 =	vand.u32 $0x3FFF, v3;
	[tilespmem:$0x2020] =	vst v48  }
0x2e: {  	[tilespmem:$0x2030] =	vst v49  }
0x2f: {  	[tilespmem:s18], [sflag:$0x1] =	stream.indirect.gather [hbm4b:s2+s16], $0x80, s17, s16, $0xb8;
	[tilespmem:$0x1E000] =	vst v63  }
0x30: {  	v50 =	vld [tilespmem:$0x80]  }
0x31: {  	v51 =	vld [tilespmem:$0x90]  }
0x32: {  	v52 =	vld [tilespmem:$0xA0]  }
0x33: {  	v53 =	vld [tilespmem:$0xB0];
	_ =	sdelay $0x1  }
0x34: {  	v0 =	vand.u32 $0x3FFF, v50  }
0x35: {  	v54 =	vand.u32 $0x3FFF, v51;
	[tilespmem:$0x2080] =	vst v0  }
0x36: {  	v55 =	vand.u32 $0x3FFF, v52;
	[tilespmem:$0x2090] =	vst v54  }
0x37: {  	v56 =	vand.u32 $0x3FFF, v53;
	[tilespmem:$0x20A0] =	vst v55  }
0x38: {  	[tilespmem:$0x20B0] =	vst v56  }
0x39: {  	[tilespmem:s20], [sflag:$0x1] =	stream.indirect.gather [hbm4b:s2+s16], $0x80, s19, s16, $0xb8;
	[tilespmem:$0x1E000] =	vst v63  }
0x3a: {  	v57 =	vld [tilespmem:$0x100]  }
0x3b: {  	v58 =	vld [tilespmem:$0x110]  }
0x3c: {  	v59 =	vld [tilespmem:$0x120]  }
0x3d: {  	v60 =	vld [tilespmem:$0x130];
	_ =	sdelay $0x1  }
0x3e: {  	v0 =	vand.u32 $0x3FFF, v57  }
.Ltmp2:
0x3f: {  	v61 =	vand.u32 $0x3FFF, v58;
	[tilespmem:$0x2100] =	vst v0;
	(pc) =	sbr.rel .LBB2_2-.Ltmp2, $4  }
0x40: {  	v62 =	vand.u32 $0x3FFF, v59;
	[tilespmem:$0x2110] =	vst v61  }
0x41: {  	v63 =	vand.u32 $0x3FFF, v60;
	[tilespmem:$0x2120] =	vst v62  }
0x42: {  	s26 =	simm.s32 $0x180;
	s28 =	simm.s32 $0x0;
	[tilespmem:$0x2130] =	vst v63  }
0x43: {  	[tilespmem:s22], [sflag:$0x1] =	stream.indirect.gather [hbm4b:s2+s16], $0x80, s21, s16, $0xb8;
	[tilespmem:$0x1E000] =	vst v63  }
.LBB2_5:
0x44: {  	p1 =	sgt.u32 s28, $0x9C  }
0x45: {  	p2 =	sne.s32 @!p1 s29, $0x1D  }
0x46: {  	p3 =	por p2, p1  }
0x47: {  	p0 =	slt.u32 s28, $0x9D;
	s0 =	simm.s32 @!p3 $0x3  }
0x48: {  	p2 =	por !p2, p1;
	p4 =	por @!p3 $0x1, $0x1;
	_ =	swait.ge @!p3 [sflag:s0], $0x1000  }
0x49: {  	p4 =	por @!p2 p0, p0;
	[sflag:s0] =	ssyncset.done @!p3 $0x0  }
0x4a: {  	p0 =	por @!p1 p4, p4;
	[sflag:s0] =	ssyncadd.s32 @!p3 $0xFFFFF000  }
.LBB2_6:
0x4b: {  	s0 =	sshll.u32 s30, $0xC;
	s29 =	sshll.u32 s29, $0x7  }
0x4c: {  	s0 =	sor.u32 s29, s0  }
0x4d: {  	v0 =	vld [tilespmem:s0+$0x0];
	_ =	sdelay $0x3  }
0x4e: {  	s29 =	sand.u32 $0x3, s28  }
0x4f: {  	s30 =	sshll.u32 s29, $0x7;
	v0 =	vshrl.u32 v0, $0xE  }
0x50: {  	[tilespmem:s30+$0x2200] =	vst v0  }
0x51: {  	v0 =	vld [tilespmem:s0+$0x10];
	_ =	sdelay $0x4  }
0x52: {  	v0 =	vshrl.u32 v0, $0xE  }
0x53: {  	[tilespmem:s30+$0x2210] =	vst v0  }
0x54: {  	v0 =	vld [tilespmem:s0+$0x20];
	_ =	sdelay $0x4  }
0x55: {  	v0 =	vshrl.u32 v0, $0xE  }
0x56: {  	[tilespmem:s30+$0x2220] =	vst v0  }
0x57: {  	v0 =	vld [tilespmem:s0+$0x30];
	_ =	sdelay $0x4  }
0x58: {  	v0 =	vshrl.u32 v0, $0xE  }
0x59: {  	s0 =	sand.u32 @p0 $0x1F80, s26;
	[tilespmem:s30+$0x2230] =	vst v0  }
0x5a: {  	v0 =	vld @p0 [tilespmem:s0+$0x0];
	_ =	sdelay $0x2  }
0x5b: {  	s31 =	sadd.s32 @p0 $0xFFFFFFFF, s28  }
0x5c: {  	s31 =	sand.u32 @p0 $0x3, s31  }
0x5d: {  	s1 =	sshll.u32 @p0 s31, $0x7;
	v0 =	vand.u32 @p0 $0x3FFF, v0  }
0x5e: {  	[tilespmem:s1+$0x2000] =	vst @p0 v0  }
0x5f: {  	v0 =	vld @p0 [tilespmem:s0+$0x10];
	_ =	sdelay $0x4  }
0x60: {  	v0 =	vand.u32 @p0 $0x3FFF, v0  }
0x61: {  	[tilespmem:s1+$0x2010] =	vst @p0 v0  }
0x62: {  	v0 =	vld @p0 [tilespmem:s0+$0x20];
	_ =	sdelay $0x4  }
0x63: {  	v0 =	vand.u32 @p0 $0x3FFF, v0  }
0x64: {  	[tilespmem:s1+$0x2020] =	vst @p0 v0  }
0x65: {  	v0 =	vld @p0 [tilespmem:s0+$0x30];
	_ =	sdelay $0x4  }
0x66: {  	s28 =	sadd.s32 $0x1, s28;
	s0 =	sshll.u32 @p0 s31, $0xD;
	v0 =	vand.u32 @p0 $0x3FFF, v0  }
0x67: {  	s31 =	sor.u32 @p0 $0x2000, s1;
	s0 =	sadd.s32 @p0 $0x2400, s0;
	[tilespmem:s1+$0x2030] =	vst @p0 v0;
	s1 =	simm.s32 @p0 $0x40  }
0x68: {  	[tilespmem:s0], [sflag:$0x1] =	stream.indirect.gather @p0 [hbm4b:s2+s1], $0x80, s31, s1, $0xb8;
	[tilespmem:$0x1E000] =	vst v63  }
0x69: {  	p0 =	sne.s32 s28, $0xA0  }
.Ltmp3:
0x6a: {  	_ = 	snop;
	(pc) =	sbr.rel @!p0 .LBB2_7-.Ltmp3, $4  }
0x6b: {  	_ = 	snop  }
0x6c: {  	s29 =	sshll.u32 s29, $0xD  }
0x6d: {  	s26 =	sadd.s32 $0x80, s26;
	s31 =	sor.u32 $0x2200, s30;
	s0 =	sadd.s32 $0x2400, s29  }
0x6e: {  	[spmem:s3] =	stream.indirect.scatter.add.f32 [tilespmem:s0], [sflag:$0x2], $0x80, s31, s16, $0xb8;
	[tilespmem:$0x1E000] =	vst v63  }
.LBB2_2:
0x6f: {  	p1 =	seq.s32 s28, $0x0  }
.Ltmp4:
0x70: {  	_ = 	snop;
	(pc) =	sbr.rel @p1 .LBB2_6-.Ltmp4, $4  }
0x71: {  	_ = 	snop  }
0x72: {  	_ =	swait.ge [sflag:s23], $0x2000  }
0x73: {  	s31 =	sshrl.u32 s28, $0x5;
	s29 =	sand.u32 $0x1F, s28;
	[sflag:s23] =	ssyncset.done $0x0  }
0x74: {  	p0 =	por $0x1, $0x1;
	s30 =	sand.u32 $0x1, s31;
	[sflag:s23] =	ssyncadd.s32 $0xFFFFE000  }
0x75: {  	p1 =	sne.s32 s29, $0x0;
	s0 =	sadd.s32 $0xFFFFFFE0, s28  }
0x76: {  	p2 =	sgt.u32 @!p1 s0, $0x5F  }
0x77: {  	p1 =	por p1, p2  }
.Ltmp5:
0x78: {  	_ = 	snop;
	(pc) =	sbr.rel @p1 .LBB2_5-.Ltmp5, $4  }
0x79: {  	_ = 	snop  }
0x7a: {  	_ =	swait.ge [sflag:s24], $0x2000  }
0x7b: {  	[sflag:s24] =	ssyncset.done $0x0  }
0x7c: {  	[sflag:s24] =	ssyncadd.s32 $0xFFFFE000  }
.Ltmp6:
0x7d: {  	s0 =	sshll.u32 s31, $0xC;
	(pc) =	sbr.rel .LBB2_6-.Ltmp6, $4  }
0x7e: {  	s0 =	sadd.s32 s0, s7  }
0x7f: {  	s1 =	sshll.u32 s30, $0xC;
	s0 =	sshrl.u32 s0, $0x3  }
0x80: {  	s31 =	sxor.u32 $0x1000, s1;
	s0 =	sadd.s32 s5, s0  }
0x81: {  	[tilespmem:s31], [sflag:$0x3] =	stream.linear.gather [hbm4b:s0+s4], $0x1000, $0x38;
	[tilespmem:$0x1E000] =	vst v63  }
.LBB2_8:
0x82: {  	_ =	sfence.sel $0x180000  }
0x83: {  	[bflag:$0x0] =	sbarrier.arrive $0xFFFF  }
0x84: {  	_ =	strace $0x9000004D  }
0x85: {  	s0 =	stileid.u32;
	[bflag:$0x2] =	sbarrier.arrive $0xFFFF  }
0x86: {  	p0 =	sne.s32 s0, $0x0;
	s0 =	rddreg [dreg:$0x3]  }
0x87: {  	s0 =	sadd.s32 @!p0 $0x100000, s0  }
0x88: {  	[sflag:s0] =	ssyncadd.tile.s32 @!p0 $0x1;
	_ =	shalt  }
.Lfunc_end2:
_tile_overlayer_lowered:
.L_overlay_start_2:
0x89: {  	(tag) =	ssettag $0x2  }
0x8a: {  	s0 =	rddreg [dreg:$0x0];
	s2 =	stileid.u32  }
0x8b: {  	s1 =	rddreg [dreg:$0x1];
	p0 =	sne.s32 s2, $0x0  }
0x8c: {  	s3 =	rddreg [dreg:$0x2];
	[bflag:$0x3] =	sbarrier.arrive $0xFFFF;
	s2 =	simm.s32 @!p0 $0x1C04  }
0x8d: {  	[timem:s3], [sflag:s2] =	dma.local @!p0 [hbm:s0], s1  }
0x8e: {  	s0 =	simm.s32 @!p0 $0x4  }
0x8f: {  	_ =	swait.ge @!p0 [sflag:s0], s1  }
0x90: {  	s1 =	ssub.s32 @!p0 $0x0, s1;
	[sflag:s0] =	ssyncset.done @!p0 $0x0  }
0x91: {  	[sflag:s0] =	ssyncadd.s32 @!p0 s1  }
0x92: {  	[bflag:$0x3] =	sbarrier.arrive $0xFFFF  }
0x93: {  	_ =	shalt  }

// kernel: kernel.20.cloned.1.call-start
scs
__scs_entry_jumppad:
0x0: {  	(pc) =	sbr.rel $0x88, $3  }
0x1: {  	(tag) =	ssettag $0x0;
	lr =	simm.s32 $0x1  }
0x2: {  	[smem:$0x3F9A] =	sst lr;
	_ =	strace $0xD0000000  }
0x3: {  	_ = 	snop  }
0x4: {  	_ = 	snop  }
0x5: {  	_ = 	snop  }
0x6: {  	_ = 	snop  }
0x7: {  	_ = 	snop  }
__scs_overlays_trampoline_lowered:
0x8: {  	[smem:$0x3FA9] =	sst s0  }
0x9: {  	[smem:$0x3FAA] =	sst s1  }
0xa: {  	[smem:$0x3FAB] =	sst s2  }
0xb: {  	[smem:$0x3FAC] =	sst s3  }
0xc: {  	[smem:$0x3FAD] =	sst s4  }
0xd: {  	[smem:$0x3FAE] =	sst s5  }
0xe: {  	[smem:$0x3FAF] =	sst s6  }
0xf: {  	[smem:$0x3FB0] =	sst s7  }
0x10: {  	[smem:$0x3FB1] =	sst s8  }
0x11: {  	[smem:$0x3FB2] =	sst s9;
	s0 =	simm.s32 @!p0 $0x0  }
0x12: {  	s1 =	sld [smem:$0x3F98];
	s0 =	simm.s32 @p0 $0x1  }
0x13: {  	[smem:$0x3FB3] =	sst s0;
	s0 =	simm.s32 @!p1 $0x0  }
0x14: {  	s2 =	sld [smem:$0x3F97];
	s0 =	simm.s32 @p1 $0x1  }
0x15: {  	[smem:$0x3FB4] =	sst s0;
	s0 =	simm.s32 @!p2 $0x0  }
0x16: {  	s3 =	sld [smem:$0x3FDB];
	s0 =	simm.s32 @p2 $0x1  }
0x17: {  	s4 =	simm.s32 $0x1BF5;
	[smem:$0x3FB6] =	sst s0  }
0x18: {  	s0 =	sld [smem:$0x3F99];
	_ =	swait.ge [sflag:s4], $0x0  }
0x19: {  	s7 =	sld [smem:$0x3F9A]  }
0x1a: {  	s8 =	sadd.s32 $0xFFFFE003, lr  }
0x1b: {  	s9 =	sadd.s32 $0xFFFFFEF7, lr;
	s5 =	simm.s32 $0xFFFFFFFF;
	p2 =	slt.u32 s8, $0xFFFFF086  }
0x1c: {  	p1 =	slt.u32 s9, $0xF7A;
	s5 =	simm.s32 @!p2 $0x0  }
0x1d: {  	s5 =	simm.s32 @p1 $0x1;
	p0 =	seq.s32 s7, s2  }
0x1e: {  	s7 =	smul.u32 @!p0 $0xF7A, s2;
	p2 =	seq.s32 @!p0 s5, $0x0  }
0x1f: {  	s9 =	smul.u32 $0xF7A, s1;
	s8 =	simm.s32 @!p0 $0x1BF5;
	p2 =	por !p2, p0  }
0x20: {  	[sflag:s8] =	ssyncset.s32 @!p0 $0xFFFFF086;
	s6 =	sadd.s32 @!p0 s3, s7;
	s7 =	simm.s32 @!p0 $0x108  }
0x21: {  	s3 =	sadd.s32 s3, s9;
	s6 =	sadd.s32 @!p0 $0x88, s6;
	s7 =	simm.s32 @p2 $0x1082  }
0x22: {  	[simem:s7], [sflag:s8] =	dma.local @!p0 [hbm:s6], $0xF7A  }
0x23: {  	s9 =	sor.u32 $0xD0000000, s2;
	s6 =	simm.s32 $0x108;
	_ =	swait.ge @!p0 [sflag:s8], $0x0  }
0x24: {  	s3 =	sadd.s32 $0x88, s3;
	s6 =	simm.s32 @!p1 $0x1082;
	[sflag:s4] =	ssyncset.s32 $0xFFFFF086  }
0x25: {  	[simem:s6], [sflag:s4] =	dma.local [hbm:s3], $0xF7A  }
0x26: {  	[smem:$0x3F9A] =	sst s1;
	(tag) =	ssettag s2;
	_ =	strace s9  }
0x27: {  	s1 =	sld [smem:$0x3FAA]  }
0x28: {  	s2 =	sld [smem:$0x3FAB]  }
0x29: {  	s4 =	sld [smem:$0x3FAD]  }
0x2a: {  	p0 =	seq.s32 s5, $0x0;
	s5 =	sld [smem:$0x3FAE]  }
0x2b: {  	s6 =	sld [smem:$0x3FAF]  }
0x2c: {  	s7 =	sld [smem:$0x3FB0]  }
0x2d: {  	s3 =	simm.s32 $0x108;
	s8 =	sld [smem:$0x3FB1]  }
0x2e: {  	s3 =	simm.s32 @!p0 $0x1082;
	s9 =	sld [smem:$0x3FB2]  }
0x2f: {  	lr =	sadd.s32 s0, s3;
	s0 =	sld [smem:$0x3FA9]  }
0x30: {  	s3 =	sld [smem:$0x3FAC]  }
0x31: {  	[smem:$0x3FB5] =	sst s10  }
0x32: {  	s10 =	sld [smem:$0x3FB3];
	_ =	sdelay $0x3  }
0x33: {  	p0 =	seq.s32 s10, $0x1;
	s10 =	sld [smem:$0x3FB5];
	_ =	sdelay $0x3  }
0x34: {  	[smem:$0x3FB5] =	sst s10  }
0x35: {  	s10 =	sld [smem:$0x3FB4];
	_ =	sdelay $0x3  }
0x36: {  	p1 =	seq.s32 s10, $0x1;
	s10 =	sld [smem:$0x3FB5];
	_ =	sdelay $0x3  }
0x37: {  	[smem:$0x3FB5] =	sst s10  }
0x38: {  	s10 =	sld [smem:$0x3FB6]  }
0x39: {  	_ = 	snop;
	(pc) =	sbr.ind lr, $3  }
0x3a: {  	_ = 	snop  }
0x3b: {  	_ = 	snop  }
0x3c: {  	p2 =	seq.s32 s10, $0x1;
	s10 =	sld [smem:$0x3FB5]  }
0x3d: {  	_ =	shalt  }
0x3e: {  	_ =	shalt  }
0x3f: {  	_ =	shalt  }
0x40: {  	_ =	shalt  }
0x41: {  	_ =	shalt  }
0x42: {  	_ =	shalt  }
0x43: {  	_ =	shalt  }
0x44: {  	_ =	shalt  }
0x45: {  	_ =	shalt  }
0x46: {  	_ =	shalt  }
0x47: {  	_ =	shalt  }
0x48: {  	_ =	shalt  }
0x49: {  	_ =	shalt  }
0x4a: {  	_ =	shalt  }
0x4b: {  	_ =	shalt  }
0x4c: {  	_ =	shalt  }
0x4d: {  	_ =	shalt  }
0x4e: {  	_ =	shalt  }
0x4f: {  	_ =	shalt  }
0x50: {  	_ =	shalt  }
0x51: {  	_ =	shalt  }
0x52: {  	_ =	shalt  }
0x53: {  	_ =	shalt  }
0x54: {  	_ =	shalt  }
0x55: {  	_ =	shalt  }
0x56: {  	_ =	shalt  }
0x57: {  	_ =	shalt  }
0x58: {  	_ =	shalt  }
0x59: {  	_ =	shalt  }
0x5a: {  	_ =	shalt  }
0x5b: {  	_ =	shalt  }
0x5c: {  	_ =	shalt  }
0x5d: {  	_ =	shalt  }
0x5e: {  	_ =	shalt  }
0x5f: {  	_ =	shalt  }
0x60: {  	_ =	shalt  }
0x61: {  	_ =	shalt  }
0x62: {  	_ =	shalt  }
0x63: {  	_ =	shalt  }
0x64: {  	_ =	shalt  }
0x65: {  	_ =	shalt  }
0x66: {  	_ =	shalt  }
0x67: {  	_ =	shalt  }
0x68: {  	_ =	shalt  }
0x69: {  	_ =	shalt  }
0x6a: {  	_ =	shalt  }
0x6b: {  	_ =	shalt  }
0x6c: {  	_ =	shalt  }
0x6d: {  	_ =	shalt  }
0x6e: {  	_ =	shalt  }
0x6f: {  	_ =	shalt  }
0x70: {  	_ =	shalt  }
0x71: {  	_ =	shalt  }
0x72: {  	_ =	shalt  }
0x73: {  	_ =	shalt  }
0x74: {  	_ =	shalt  }
0x75: {  	_ =	shalt  }
0x76: {  	_ =	shalt  }
0x77: {  	_ =	shalt  }
0x78: {  	_ =	shalt  }
0x79: {  	_ =	shalt  }
0x7a: {  	_ =	shalt  }
0x7b: {  	_ =	shalt  }
0x7c: {  	_ =	shalt  }
0x7d: {  	_ =	shalt  }
0x7e: {  	_ =	shalt  }
0x7f: {  	_ =	shalt  }
0x80: {  	_ =	shalt  }
0x81: {  	_ =	shalt  }
0x82: {  	_ =	shalt  }
0x83: {  	_ =	shalt  }
0x84: {  	_ =	shalt  }
0x85: {  	_ =	shalt  }
0x86: {  	_ =	shalt  }
0x87: {  	_ =	shalt  }
.Lfunc_end0:
.L_simem_size_0:
called_computation.3_lowered:
.L_overlay_start_0:
0x88: {  	s2 =	sld [smem:$0x3FD9]  }
0x89: {  	s3 =	sld [smem:$0x3FFE];
	_ =	sdelay $0x1  }
0x8a: {  	s1 =	srdreg.scid  }
0x8b: {  	s0 =	sand.u32 $0x1, s1  }
0x8c: {  	s17 =	sshll.u32 s0, $0xA;
	s2 =	sadd.s32 s3, s2  }
0x8d: {  	s2 =	sadd.s32 s2, s17  }
0x8e: {  	[smem:$0x3FC1] =	sst s2  }
0x8f: {  	_ = 	snop  }
0x90: {  	s2 =	sld [smem:$0x3FD0];
	(tm) =	ssettm $0x1  }
0x91: {  	s18 =	sld [smem:$0x3FFB];
	_ =	sdelay $0x3  }
0x92: {  	_ =	strace s18  }
0x93: {  	s3 =	sld [smem:$0x3FFC];
	_ =	sdelay $0x3  }
0x94: {  	_ =	strace s3  }
0x95: {  	s3 =	sld [smem:$0x3FFD];
	_ =	sdelay $0x3  }
0x96: {  	_ =	strace s3  }
0x97: {  	_ =	strace $0x8FFFFFFF  }
0x98: {  	s19 =	sld [smem:$0x3FDB];
	_ =	sdelay $0x1  }
0x99: {  	s4 =	simm.s32 $_scs_section_size  }
0x9a: {  	s5 =	simm.s32 $_size__tile_overlayer_lowered;
	s6 =	simm.s32 $_tile_overlayer_lowered  }
0x9b: {  	s22 =	simm.s32 $0x1BFF;
	s21 =	sshll.u32 s6, $0x1;
	s3 =	sadd.s32 s4, s19  }
0x9c: {  	s7 =	simm.s32 $0x0;
	s20 =	sshll.u32 s5, $0x1;
	s5 =	sadd.s32 s21, s3  }
0x9d: {  	[timem:s7], [sflag:s22] =	dma.local [hbm:s5], s20  }
0x9e: {  	_ =	swait.ge [sflag:s22], s20  }
0x9f: {  	s4 =	ssub.s32 $0x0, s20;
	[sflag:s22] =	ssyncset.done $0x0  }
0xa0: {  	[sflag:s22] =	ssyncadd.s32 s4;
	_ =	sdelay $0x1  }
0xa1: {  	s23 =	simm.s32 $0x1B8B  }
0xa2: {  	_ =	swait.ge [sflag:s23], $0x1  }
0xa3: {  	[sflag:s23] =	ssyncset.done $0x0  }
0xa4: {  	s25 =	simm.s32 $0x1B8E;
	s24 =	sld [smem:$0x3FFE];
	[sflag:s23] =	ssyncadd.s32 $0xFFFFFFFF  }
0xa5: {  	s26 =	simm.s32 $execute0_lowered;
	[smem:$0x3FD2] =	sst s25  }
0xa6: {  	s5 =	sshll.u32 s26, $0x1;
	_ =	strace $0x8000004F;
	[dreg:$0x1] =	wrdreg $0xFFFFFFFF  }
0xa7: {  	s28 =	simm.s32 $_size_execute0_lowered;
	s3 =	sadd.s32 s3, s5;
	[dreg:$0x0] =	wrdreg $0x0  }
0xa8: {  	s5 =	sshll.u32 s28, $0x1;
	[dreg:$0x2] =	wrdreg s3  }
0xa9: {  	[dreg:$0x3] =	wrdreg s5  }
0xaa: {  	[dreg:$0x4] =	wrdreg $0xC0  }
0xab: {  	_ =	task [dreg:s7], $0x5FFFF  }
0xac: {  	[dreg:$0x1] =	wrdreg $0xFFFFFFFF  }
0xad: {  	[dreg:$0x0] =	wrdreg $0x60  }
0xae: {  	[dreg:$0x2] =	wrdreg s2  }
0xaf: {  	[dreg:$0x3] =	wrdreg s24  }
0xb0: {  	[dreg:$0x4] =	wrdreg $0xA4000  }
0xb1: {  	[dreg:$0x5] =	wrdreg $0x9  }
0xb2: {  	_ =	task.clear_ibuf [dreg:s7], $0x6FFFF;
	_ =	strace $0x9000004F  }
0xb3: {  	s29 =	simm.s32 $0x9;
	_ =	strace $0x80000051  }
0xb4: {  	_ =	swait.ge [sflag:s29], $0x1  }
0xb5: {  	[sflag:s29] =	ssyncadd.s32 $0xFFFFFFFF  }
0xb6: {  	_ =	strace $0x90000051  }
0xb7: {  	_ =	sfence  }
0xb8: {  	s30 =	sld [smem:$0x0];
	_ =	sdelay $0x2  }
0xb9: {  	s31 =	sshll.u32 s1, $0xD;
	s1 =	sshrl.u32 s1, $0x2  }
0xba: {  	s3 =	sand.u32 $0x4000, s31;
	s1 =	sadd.s32 s1, s30  }
0xbb: {  	s0 =	sor.u32 s3, s0;
	s1 =	sshll.u32 s1, $0x11  }
0xbc: {  	s0 =	sor.u32 s1, s0  }
0xbd: {  	s0 =	sadd.s32 $0x8F2B, s0  }
0xbe: {  	[sflag:s0] =	ssyncadd.remote.s32 $0x1  }
0xbf: {  	_ =	sfence.sel $0xFFFF  }
0xc0: {  	[dreg:$0x0] =	wrdreg $0xFFFFFFFF;
	(pc) =	sbr.abs _section_cstart, $3  }
0xc1: {  	[dreg:$0x1] =	wrdreg $0xFFFFFFFF  }
0xc2: {  	_ =	task.clear_ibuf [dreg:s7], $0x2FFFF;
	_ =	strace $0x9FFFFFFF  }
0xc3: {  	(tm) =	ssettm $0x7FFFFFFF  }
tec
execute0_lowered:
.L_overlay_start_1:
0x0: {  	(tag) =	ssettag $0x1  }
0x1: {  	s2 =	rddreg [dreg:$0x0]  }
0x2: {  	s6 =	rddreg [dreg:$0x1]  }
0x3: {  	s3 =	rddreg [dreg:$0x2]  }
0x4: {  	s0 =	stileid.u32;
	s5 =	srdreg.scid  }
0x5: {  	s4 =	simm.s32 $0x0;
	s16 =	simm.s32 $0x40;
	s17 =	simm.s32 $0x2000  }
0x6: {  	s18 =	simm.s32 $0x2400;
	s19 =	simm.s32 $0x2080;
	s20 =	simm.s32 $0x4400  }
0x7: {  	s21 =	simm.s32 $0x2100;
	s22 =	simm.s32 $0x6400;
	s23 =	simm.s32 $0x1  }
0x8: {  	s24 =	simm.s32 $0x2;
	s7 =	smul.u32 $0x13C00, s0;
	s8 =	sand.u32 $0x1, s5  }
0x9: {  	[smem:$0x7FF] =	sst s4;
	s5 =	sadd.s32 $0x7A000, s6;
	s12 =	smul.u32 $0x4F000, s0  }
0xa: {  	s25 =	sshll.u32 s0, $0x1;
	s29 =	sshll.u32 s0, $0x6;
	s9 =	smul.u32 $0x13C000, s8  }
0xb: {  	_ =	strace $0x80000050;
	s11 =	ssub.s32 $0x2, s8;
	s8 =	sor.u32 s8, s25  }
0xc: {  	s25 =	simm.s32 $0x0;
	s10 =	sshrl.u32 s7, $0x3;
	s26 =	sshrl.u32 s11, $0x1  }
0xd: {  	s8 =	smul.u32 $0x5000, s8;
	s28 =	sshrl.u32 s12, $0x2;
	s10 =	sadd.s32 s10, s6  }
0xe: {  	s7 =	sadd.s32 s7, s9;
	s14 =	ssub.s32 s11, s26;
	s15 =	sadd.s32 s28, s3  }
.Ltmp0:
0xf: {  	s7 =	sshrl.u32 s7, $0x3;
	s30 =	sshrl.u32 s8, $0x3;
	(pc) =	sbr.rel .LBB2_1-.Ltmp0, $4  }
0x10: {  	s12 =	smax.u32 s14, $0x1;
	s14 =	simm.s32 $0x4;
	s13 =	sadd.s32 s7, s6  }
0x11: {  	s6 =	sadd.s32 $0x3400, s10;
	s7 =	sadd.s32 $0x1000, s8;
	s8 =	sor.u32 $0x1C04, s29  }
0x12: {  	s9 =	sadd.s32 s5, s30;
	s31 =	sshrl.u32 s7, $0x3;
	s11 =	sadd.s32 $0x2AC00, s13  }
0x13: {  	s13 =	sshrl.u32 s15, $0x3;
	s15 =	simm.s32 $0x1000;
	s10 =	sadd.s32 s5, s31  }
.LBB2_7:
0x14: {  	_ =	swait.ge [sflag:s24], $0x2000  }
0x15: {  	s25 =	sadd.s32 $0x1, s25;
	[sflag:s24] =	ssyncset.done $0x0  }
0x16: {  	p0 =	sne.s32 s25, s12;
	[sflag:s24] =	ssyncadd.s32 $0xFFFFE000  }
.Ltmp1:
0x17: {  	[bflag:$0x0] =	sbarrier.arrive $0xFFFF;
	(pc) =	sbr.rel @!p0 .LBB2_8-.Ltmp1, $4  }
0x18: {  	[hbm:s11], [sflag:s8] =	dma.local [spmem:s13], $0x2780  }
0x19: {  	_ =	swait.ge [sflag:s14], $0x2780  }
0x1a: {  	[sflag:s14] =	ssyncset.done $0x0  }
0x1b: {  	[sflag:s14] =	ssyncadd.s32 $0xFFFFD880  }
.LBB2_1:
0x1c: {  	[spmem:s13], [sflag:s8] =	dma.local [hbm:s6], $0x2780  }
0x1d: {  	_ =	swait.ge [sflag:s14], $0x2780  }
0x1e: {  	[sflag:s14] =	ssyncset.done $0x0  }
0x1f: {  	[sflag:s14] =	ssyncadd.s32 $0xFFFFD880  }
0x20: {  	[tilespmem:s4], [sflag:$0x4] =	stream.linear.gather [hbm4b:s9+s4], $0x1000, $0x38;
	[tilespmem:$0x1E000] =	vst v63  }
0x21: {  	_ =	swait.ge [sflag:s14], $0x1000  }
0x22: {  	[sflag:s14] =	ssyncset.done $0x0  }
0x23: {  	[sflag:s14] =	ssyncadd.s32 $0xFFFFF000  }
0x24: {  	[tilespmem:s15], [sflag:$0x3] =	stream.linear.gather [hbm4b:s10+s4], $0x1000, $0x38;
	[tilespmem:$0x1E000] =	vst v63  }
0x25: {  	[bflag:$0x0] =	sbarrier.arrive $0xFFFF  }
0x26: {  	v0 =	vld [tilespmem:$0x0]  }
0x27: {  	v1 =	vld [tilespmem:$0x10]  }
0x28: {  	v2 =	vld [tilespmem:$0x20]  }
0x29: {  	v3 =	vld [tilespmem:$0x30];
	_ =	sdelay $0x1  }
0x2a: {  	v0 =	vand.u32 $0x3FFF, v0  }
0x2b: {  	v47 =	vand.u32 $0x3FFF, v1;
	[tilespmem:$0x2000] =	vst v0  }
0x2c: {  	v48 =	vand.u32 $0x3FFF, v2;
	[tilespmem:$0x2010] =	vst v47  }
0x2d: {  	v49 =	vand.u32 $0x3FFF, v3;
	[tilespmem:$0x2020] =	vst v48  }
0x2e: {  	[tilespmem:$0x2030] =	vst v49  }
0x2f: {  	[tilespmem:s18], [sflag:$0x1] =	stream.indirect.gather [hbm4b:s2+s16], $0x80, s17, s16, $0xb8;
	[tilespmem:$0x1E000] =	vst v63  }
0x30: {  	v50 =	vld [tilespmem:$0x80]  }
0x31: {  	v51 =	vld [tilespmem:$0x90]  }
0x32: {  	v52 =	vld [tilespmem:$0xA0]  }
0x33: {  	v53 =	vld [tilespmem:$0xB0];
	_ =	sdelay $0x1  }
0x34: {  	v0 =	vand.u32 $0x3FFF, v50  }
0x35: {  	v54 =	vand.u32 $0x3FFF, v51;
	[tilespmem:$0x2080] =	vst v0  }
0x36: {  	v55 =	vand.u32 $0x3FFF, v52;
	[tilespmem:$0x2090] =	vst v54  }
0x37: {  	v56 =	vand.u32 $0x3FFF, v53;
	[tilespmem:$0x20A0] =	vst v55  }
0x38: {  	[tilespmem:$0x20B0] =	vst v56  }
0x39: {  	[tilespmem:s20], [sflag:$0x1] =	stream.indirect.gather [hbm4b:s2+s16], $0x80, s19, s16, $0xb8;
	[tilespmem:$0x1E000] =	vst v63  }
0x3a: {  	v57 =	vld [tilespmem:$0x100]  }
0x3b: {  	v58 =	vld [tilespmem:$0x110]  }
0x3c: {  	v59 =	vld [tilespmem:$0x120]  }
0x3d: {  	v60 =	vld [tilespmem:$0x130];
	_ =	sdelay $0x1  }
0x3e: {  	v0 =	vand.u32 $0x3FFF, v57  }
.Ltmp2:
0x3f: {  	v61 =	vand.u32 $0x3FFF, v58;
	[tilespmem:$0x2100] =	vst v0;
	(pc) =	sbr.rel .LBB2_2-.Ltmp2, $4  }
0x40: {  	v62 =	vand.u32 $0x3FFF, v59;
	[tilespmem:$0x2110] =	vst v61  }
0x41: {  	v63 =	vand.u32 $0x3FFF, v60;
	[tilespmem:$0x2120] =	vst v62  }
0x42: {  	s26 =	simm.s32 $0x180;
	s28 =	simm.s32 $0x0;
	[tilespmem:$0x2130] =	vst v63  }
0x43: {  	[tilespmem:s22], [sflag:$0x1] =	stream.indirect.gather [hbm4b:s2+s16], $0x80, s21, s16, $0xb8;
	[tilespmem:$0x1E000] =	vst v63  }
.LBB2_5:
0x44: {  	p1 =	sgt.u32 s28, $0x9C  }
0x45: {  	p2 =	sne.s32 @!p1 s29, $0x1D  }
0x46: {  	p3 =	por p2, p1  }
0x47: {  	p0 =	slt.u32 s28, $0x9D;
	s0 =	simm.s32 @!p3 $0x3  }
0x48: {  	p2 =	por !p2, p1;
	p4 =	por @!p3 $0x1, $0x1;
	_ =	swait.ge @!p3 [sflag:s0], $0x1000  }
0x49: {  	p4 =	por @!p2 p0, p0;
	[sflag:s0] =	ssyncset.done @!p3 $0x0  }
0x4a: {  	p0 =	por @!p1 p4, p4;
	[sflag:s0] =	ssyncadd.s32 @!p3 $0xFFFFF000  }
.LBB2_6:
0x4b: {  	s0 =	sshll.u32 s30, $0xC;
	s29 =	sshll.u32 s29, $0x7  }
0x4c: {  	s0 =	sor.u32 s29, s0  }
0x4d: {  	v0 =	vld [tilespmem:s0+$0x0];
	_ =	sdelay $0x3  }
0x4e: {  	s29 =	sand.u32 $0x3, s28  }
0x4f: {  	s30 =	sshll.u32 s29, $0x7;
	v0 =	vshrl.u32 v0, $0xE  }
0x50: {  	[tilespmem:s30+$0x2200] =	vst v0  }
0x51: {  	v0 =	vld [tilespmem:s0+$0x10];
	_ =	sdelay $0x4  }
0x52: {  	v0 =	vshrl.u32 v0, $0xE  }
0x53: {  	[tilespmem:s30+$0x2210] =	vst v0  }
0x54: {  	v0 =	vld [tilespmem:s0+$0x20];
	_ =	sdelay $0x4  }
0x55: {  	v0 =	vshrl.u32 v0, $0xE  }
0x56: {  	[tilespmem:s30+$0x2220] =	vst v0  }
0x57: {  	v0 =	vld [tilespmem:s0+$0x30];
	_ =	sdelay $0x4  }
0x58: {  	v0 =	vshrl.u32 v0, $0xE  }
0x59: {  	s0 =	sand.u32 @p0 $0x1F80, s26;
	[tilespmem:s30+$0x2230] =	vst v0  }
0x5a: {  	v0 =	vld @p0 [tilespmem:s0+$0x0];
	_ =	sdelay $0x2  }
0x5b: {  	s31 =	sadd.s32 @p0 $0xFFFFFFFF, s28  }
0x5c: {  	s31 =	sand.u32 @p0 $0x3, s31  }
0x5d: {  	s1 =	sshll.u32 @p0 s31, $0x7;
	v0 =	vand.u32 @p0 $0x3FFF, v0  }
0x5e: {  	[tilespmem:s1+$0x2000] =	vst @p0 v0  }
0x5f: {  	v0 =	vld @p0 [tilespmem:s0+$0x10];
	_ =	sdelay $0x4  }
0x60: {  	v0 =	vand.u32 @p0 $0x3FFF, v0  }
0x61: {  	[tilespmem:s1+$0x2010] =	vst @p0 v0  }
0x62: {  	v0 =	vld @p0 [tilespmem:s0+$0x20];
	_ =	sdelay $0x4  }
0x63: {  	v0 =	vand.u32 @p0 $0x3FFF, v0  }
0x64: {  	[tilespmem:s1+$0x2020] =	vst @p0 v0  }
0x65: {  	v0 =	vld @p0 [tilespmem:s0+$0x30];
	_ =	sdelay $0x4  }
0x66: {  	s28 =	sadd.s32 $0x1, s28;
	s0 =	sshll.u32 @p0 s31, $0xD;
	v0 =	vand.u32 @p0 $0x3FFF, v0  }
0x67: {  	s31 =	sor.u32 @p0 $0x2000, s1;
	s0 =	sadd.s32 @p0 $0x2400, s0;
	[tilespmem:s1+$0x2030] =	vst @p0 v0;
	s1 =	simm.s32 @p0 $0x40  }
0x68: {  	[tilespmem:s0], [sflag:$0x1] =	stream.indirect.gather @p0 [hbm4b:s2+s1], $0x80, s31, s1, $0xb8;
	[tilespmem:$0x1E000] =	vst v63  }
0x69: {  	p0 =	sne.s32 s28, $0xA0  }
.Ltmp3:
0x6a: {  	_ = 	snop;
	(pc) =	sbr.rel @!p0 .LBB2_7-.Ltmp3, $4  }
0x6b: {  	_ = 	snop  }
0x6c: {  	s29 =	sshll.u32 s29, $0xD  }
0x6d: {  	s26 =	sadd.s32 $0x80, s26;
	s31 =	sor.u32 $0x2200, s30;
	s0 =	sadd.s32 $0x2400, s29  }
0x6e: {  	[spmem:s3] =	stream.indirect.scatter.add.f32 [tilespmem:s0], [sflag:$0x2], $0x80, s31, s16, $0xb8;
	[tilespmem:$0x1E000] =	vst v63  }
.LBB2_2:
0x6f: {  	p1 =	seq.s32 s28, $0x0  }
.Ltmp4:
0x70: {  	_ = 	snop;
	(pc) =	sbr.rel @p1 .LBB2_6-.Ltmp4, $4  }
0x71: {  	_ = 	snop  }
0x72: {  	_ =	swait.ge [sflag:s23], $0x2000  }
0x73: {  	s31 =	sshrl.u32 s28, $0x5;
	s29 =	sand.u32 $0x1F, s28;
	[sflag:s23] =	ssyncset.done $0x0  }
0x74: {  	p0 =	por $0x1, $0x1;
	s30 =	sand.u32 $0x1, s31;
	[sflag:s23] =	ssyncadd.s32 $0xFFFFE000  }
0x75: {  	p1 =	sne.s32 s29, $0x0;
	s0 =	sadd.s32 $0xFFFFFFE0, s28  }
0x76: {  	p2 =	sgt.u32 @!p1 s0, $0x5F  }
0x77: {  	p1 =	por p1, p2  }
.Ltmp5:
0x78: {  	_ = 	snop;
	(pc) =	sbr.rel @p1 .LBB2_5-.Ltmp5, $4  }
0x79: {  	_ = 	snop  }
0x7a: {  	_ =	swait.ge [sflag:s24], $0x2000  }
0x7b: {  	[sflag:s24] =	ssyncset.done $0x0  }
0x7c: {  	[sflag:s24] =	ssyncadd.s32 $0xFFFFE000  }
.Ltmp6:
0x7d: {  	s0 =	sshll.u32 s31, $0xC;
	(pc) =	sbr.rel .LBB2_6-.Ltmp6, $4  }
0x7e: {  	s0 =	sadd.s32 s0, s7  }
0x7f: {  	s1 =	sshll.u32 s30, $0xC;
	s0 =	sshrl.u32 s0, $0x3  }
0x80: {  	s31 =	sxor.u32 $0x1000, s1;
	s0 =	sadd.s32 s5, s0  }
0x81: {  	[tilespmem:s31], [sflag:$0x3] =	stream.linear.gather [hbm4b:s0+s4], $0x1000, $0x38;
	[tilespmem:$0x1E000] =	vst v63  }
.LBB2_8:
0x82: {  	_ =	sfence.sel $0x180000  }
0x83: {  	[bflag:$0x0] =	sbarrier.arrive $0xFFFF  }
0x84: {  	_ =	strace $0x90000050  }
0x85: {  	s0 =	stileid.u32;
	[bflag:$0x2] =	sbarrier.arrive $0xFFFF  }
0x86: {  	p0 =	sne.s32 s0, $0x0;
	s0 =	rddreg [dreg:$0x3]  }
0x87: {  	s0 =	sadd.s32 @!p0 $0x100000, s0  }
0x88: {  	[sflag:s0] =	ssyncadd.tile.s32 @!p0 $0x1;
	_ =	shalt  }
.Lfunc_end2:
_tile_overlayer_lowered:
.L_overlay_start_2:
0x89: {  	(tag) =	ssettag $0x2  }
0x8a: {  	s0 =	rddreg [dreg:$0x0];
	s2 =	stileid.u32  }
0x8b: {  	s1 =	rddreg [dreg:$0x1];
	p0 =	sne.s32 s2, $0x0  }
0x8c: {  	s3 =	rddreg [dreg:$0x2];
	[bflag:$0x3] =	sbarrier.arrive $0xFFFF;
	s2 =	simm.s32 @!p0 $0x1C04  }
0x8d: {  	[timem:s3], [sflag:s2] =	dma.local @!p0 [hbm:s0], s1  }
0x8e: {  	s0 =	simm.s32 @!p0 $0x4  }
0x8f: {  	_ =	swait.ge @!p0 [sflag:s0], s1  }
0x90: {  	s1 =	ssub.s32 @!p0 $0x0, s1;
	[sflag:s0] =	ssyncset.done @!p0 $0x0  }
0x91: {  	[sflag:s0] =	ssyncadd.s32 @!p0 s1  }
0x92: {  	[bflag:$0x3] =	sbarrier.arrive $0xFFFF  }
0x93: {  	_ =	shalt  }

</sc_bundles>
